<compile_context>
chip_gen: v7x
topology: tpu7x:2x2x1
jax: 0.10.2.dev20260603
libtpu: 0.0.44.dev20260713+nightly
codegen_flags: <defaults>
</compile_context>

<pallas_src>
import functools

import jax
import jax.numpy as jnp
from jax import lax
from jax.experimental import pallas as pl
from jax.experimental.pallas import tpu as pltpu
from jax.experimental.pallas import tpu_sc as plsc

N = 10000
E = 320000
IN_DIM = 128
HID = 64
OUT_DIM = 128

NC = 2
NS = 16
CHUNK = 80
EDGES_PER_TILE = E // (NC * NS)
STEPS = EDGES_PER_TILE // CHUNK
NBUF = 5
RCHUNK = 400
NRCH = N // RCHUNK
NREP = -(-NRCH // NS)

_MESH = plsc.VectorSubcoreMesh(core_axis_name="c", subcore_axis_name="s")
_SC_PARAMS = pltpu.CompilerParams(use_tc_tiling_on_sc=False)


def _each_chunk(s, fn):
    for rep in range(NREP):
        ck = s + NS * rep

        @pl.when(ck < NRCH)
        def _():
            fn(ck * RCHUNK)


@functools.partial(
    pl.kernel,
    mesh=_MESH,
    compiler_params=_SC_PARAMS,
    out_type=jax.ShapeDtypeStruct((NC * N,), jnp.float32),
    scratch_types=[
        pltpu.VMEM((STEPS, CHUNK), jnp.int32),
        pltpu.VMEM((CHUNK,), jnp.float32),
        pltpu.VMEM((RCHUNK,), jnp.float32),
        pltpu.VMEM_SHARED((N,), jnp.float32),
    ],
)
def _deg_partials(ei_hbm, out_hbm, idx_v, ones_v, stage_v, deg_sh):
    c = lax.axis_index("c")
    s = lax.axis_index("s")
    tile_row = (c * NS + s) * STEPS
    pltpu.sync_copy(ei_hbm.at[1, pl.ds(tile_row, STEPS)], idx_v)
    for i in range(CHUNK // 16):
        ones_v[pl.ds(i * 16, 16)] = jnp.ones((16,), jnp.float32)
    for i in range(RCHUNK // 16):
        stage_v[pl.ds(i * 16, 16)] = jnp.ones((16,), jnp.float32)

    def init(r0):
        pltpu.sync_copy(stage_v, deg_sh.at[pl.ds(r0, RCHUNK)])

    _each_chunk(s, init)
    plsc.subcore_barrier()

    def body(i, carry):
        pltpu.sync_copy(ones_v, deg_sh.at[idx_v.at[i]], add=True)
        return carry

    lax.fori_loop(0, STEPS, body, 0)
    plsc.subcore_barrier()

    def writeback(r0):
        pltpu.sync_copy(deg_sh.at[pl.ds(r0, RCHUNK)], stage_v)
        pltpu.sync_copy(stage_v, out_hbm.at[pl.ds(c * N + r0, RCHUNK)])

    _each_chunk(s, writeback)


@functools.partial(
    pl.kernel,
    mesh=_MESH,
    compiler_params=_SC_PARAMS,
    out_type=jax.ShapeDtypeStruct((NC, N, HID), jnp.float32),
    scratch_types=[
        pltpu.VMEM((STEPS, CHUNK), jnp.int32),
        pltpu.VMEM((STEPS, CHUNK), jnp.int32),
        [pltpu.VMEM((CHUNK, HID), jnp.float32)] * NBUF,
        pltpu.VMEM((RCHUNK, HID), jnp.float32),
        pltpu.VMEM_SHARED((N, HID), jnp.float32),
        [pltpu.SemaphoreType.DMA] * NBUF,
    ],
)
def _agg_partials(h_hbm, ei_hbm, out_hbm,
                  sidx_v, didx_v, rows, stage_v, acc_sh, sems):
    c = lax.axis_index("c")
    s = lax.axis_index("s")
    def stage(r0):
        pltpu.sync_copy(h_hbm.at[pl.ds(r0, RCHUNK)], stage_v)
        pltpu.sync_copy(stage_v, acc_sh.at[pl.ds(r0, RCHUNK)])

    _each_chunk(s, stage)
    tile_row = (c * NS + s) * STEPS
    pltpu.sync_copy(ei_hbm.at[0, pl.ds(tile_row, STEPS)], sidx_v)
    pltpu.sync_copy(ei_hbm.at[1, pl.ds(tile_row, STEPS)], didx_v)
    plsc.subcore_barrier()

    for b in range(NBUF):
        pltpu.async_copy(h_hbm.at[sidx_v.at[b]], rows[b], sems[b])

    def body(g, carry):
        j0 = g * NBUF
        for b in range(NBUF):
            jj = j0 + b
            pltpu.make_async_copy(h_hbm.at[sidx_v.at[0]], rows[b],
                                  sems[b]).wait()
            pltpu.sync_copy(rows[b], acc_sh.at[didx_v.at[jj]], add=True)

            @pl.when(jj + NBUF < STEPS)
            def _():
                pltpu.async_copy(h_hbm.at[sidx_v.at[jj + NBUF]],
                                 rows[b], sems[b])

        return carry

    lax.fori_loop(0, STEPS // NBUF, body, 0)
    plsc.subcore_barrier()

    def writeback(r0):
        pltpu.sync_copy(acc_sh.at[pl.ds(r0, RCHUNK)], stage_v)
        pltpu.sync_copy(stage_v, out_hbm.at[c, pl.ds(r0, RCHUNK)])

    _each_chunk(s, writeback)


BLK = 2000


def _dinv(dp_ref):
    deg = dp_ref[:, 0:1] + dp_ref[:, 1:2] - 1.0
    return lax.rsqrt(deg)


def _tc_mm1_body(x_ref, w_ref, o_ref):
    o_ref[...] = jnp.dot(x_ref[...], w_ref[...],
                         preferred_element_type=jnp.float32)


def _tc_scale_body(u_ref, dp_ref, o_ref):
    o_ref[...] = u_ref[...] * _dinv(dp_ref)


def _tc_mid_body(ap_ref, h_ref, dp_ref, b_ref, o_ref):
    dinv = _dinv(dp_ref)
    agg = ap_ref[0] + ap_ref[1] - h_ref[...]
    pre = agg * dinv + b_ref[...]
    o_ref[...] = jnp.maximum(pre, 0.0) * dinv


def _tc_out_body(ap_ref, h_ref, dp_ref, w_ref, b_ref, o_ref):
    dinv = _dinv(dp_ref)
    agg = (ap_ref[0] + ap_ref[1] - h_ref[...]) * dinv
    z = jnp.dot(agg, w_ref[...], preferred_element_type=jnp.float32) + b_ref[...]
    m = jnp.max(z, axis=1, keepdims=True)
    lse = jnp.log(jnp.sum(jnp.exp(z - m), axis=1, keepdims=True))
    o_ref[...] = z - m - lse


_tc_mm1 = pl.pallas_call(
    _tc_mm1_body,
    grid=(N // BLK,),
    in_specs=[
        pl.BlockSpec((BLK, IN_DIM), lambda i: (i, 0)),
        pl.BlockSpec((IN_DIM, HID), lambda i: (0, 0)),
    ],
    out_specs=pl.BlockSpec((BLK, HID), lambda i: (i, 0)),
    out_shape=jax.ShapeDtypeStruct((N, HID), jnp.float32),
)

_tc_scale = pl.pallas_call(
    _tc_scale_body,
    grid=(N // BLK,),
    in_specs=[
        pl.BlockSpec((BLK, HID), lambda i: (i, 0)),
        pl.BlockSpec((BLK, 2), lambda i: (i, 0)),
    ],
    out_specs=pl.BlockSpec((BLK, HID), lambda i: (i, 0)),
    out_shape=jax.ShapeDtypeStruct((N, HID), jnp.float32),
)

_tc_mid = pl.pallas_call(
    _tc_mid_body,
    grid=(N // BLK,),
    in_specs=[
        pl.BlockSpec((NC, BLK, HID), lambda i: (0, i, 0)),
        pl.BlockSpec((BLK, HID), lambda i: (i, 0)),
        pl.BlockSpec((BLK, 2), lambda i: (i, 0)),
        pl.BlockSpec((1, HID), lambda i: (0, 0)),
    ],
    out_specs=pl.BlockSpec((BLK, HID), lambda i: (i, 0)),
    out_shape=jax.ShapeDtypeStruct((N, HID), jnp.float32),
)

_tc_out = pl.pallas_call(
    _tc_out_body,
    grid=(N // BLK,),
    in_specs=[
        pl.BlockSpec((NC, BLK, HID), lambda i: (0, i, 0)),
        pl.BlockSpec((BLK, HID), lambda i: (i, 0)),
        pl.BlockSpec((BLK, 2), lambda i: (i, 0)),
        pl.BlockSpec((HID, OUT_DIM), lambda i: (0, 0)),
        pl.BlockSpec((1, OUT_DIM), lambda i: (0, 0)),
    ],
    out_specs=pl.BlockSpec((BLK, OUT_DIM), lambda i: (i, 0)),
    out_shape=jax.ShapeDtypeStruct((N, OUT_DIM), jnp.float32),
)


@jax.jit
def kernel(x, edge_index, W1, b1, W2, b2):
    ei = edge_index.reshape(2, E // CHUNK, CHUNK)

    u = _tc_mm1(x, W1)
    degp = _deg_partials(ei).reshape(NC, N)
    dp = degp.T
    h1 = _tc_scale(u, dp)
    accp1 = _agg_partials(h1, ei)
    h2 = _tc_mid(accp1, h1, dp, b1.reshape(1, HID))
    accp2 = _agg_partials(h2, ei)
    return _tc_out(accp2, h2, dp, W2, b2.reshape(1, OUT_DIM))

# --- scband reference (transcript-rebuilt; emitter-appended) ---
"""Pipeline reference for scband-de-bruijn-gnn-18562848654046 (READ-ONLY COPY).

The authoritative reference and input builder live on the scoring server;
editing this copy changes nothing except your own understanding.
"""

import jax, jax.numpy as jnp
import numpy as np

N_NODES = 10000
N_EDGES = 320000
IN_DIM = 128
HID_DIM = 64
OUT_DIM = 128


def gcn_conv(x, src, dst, W, b):
    N = x.shape[0]
    loop = jnp.arange(N, dtype=src.dtype)
    s = jnp.concatenate([src, loop])
    d = jnp.concatenate([dst, loop])
    deg = jnp.zeros((N,), dtype=x.dtype).at[d].add(1.0)
    dinv = jnp.where(deg > 0, 1.0 / jnp.sqrt(deg), 0.0)
    norm = dinv[s] * dinv[d]
    h = x @ W
    msg = h[s] * norm[:, None]
    out = jnp.zeros((N, W.shape[1]), dtype=x.dtype).at[d].add(msg)
    return out + b


def setup_inputs(seed: int = 0) -> dict:
    key = jax.random.key(seed)
    kx, ke, k1, k2, k3, k4 = (jax.random.fold_in(key, i) for i in range(6))
    x = jax.random.normal(kx, (N_NODES, IN_DIM), dtype=jnp.float32)
    edge_index = jax.random.randint(ke, (2, N_EDGES), 0, N_NODES, dtype=jnp.int64 if jax.config.jax_enable_x64 else jnp.int32)
    W1 = jax.random.normal(k1, (IN_DIM, HID_DIM), dtype=jnp.float32) * (1.0 / np.sqrt(IN_DIM))
    b1 = jnp.zeros((HID_DIM,), dtype=jnp.float32)
    W2 = jax.random.normal(k2, (HID_DIM, OUT_DIM), dtype=jnp.float32) * (1.0 / np.sqrt(HID_DIM))
    b2 = jnp.zeros((OUT_DIM,), dtype=jnp.float32)
    return {"x": x, "edge_index": edge_index, "W1": W1, "b1": b1, "W2": W2, "b2": b2}


def reference(x, edge_index, W1, b1, W2, b2):
    src, dst = edge_index[0], edge_index[1]
    h = gcn_conv(x, src, dst, W1, b1)
    h = jax.nn.relu(h)
    h = gcn_conv(h, src, dst, W2, b2)
    return jax.nn.log_softmax(h, axis=1)

if __name__ == "__main__":
    import jax
    _d = setup_inputs()
    print(jax.jit(kernel)(*tuple(_d.values())))

</pallas_src>

<mosaic_0001>
#map = affine_map<(d0, d1) -> (0, 0, 0)>
#map1 = affine_map<(d0, d1) -> (0)>
module attributes {stable_mosaic.version = 14 : i64} {
  func.func @_deg_partials(%arg0: i32, %arg1: i32, %arg2: memref<2x4000x80xi32, #tpu.memory_space<hbm>>, %arg3: memref<20000xf32, #tpu.memory_space<hbm>>, %arg4: memref<125x80xi32, #tpu.memory_space<vmem>>, %arg5: memref<80xf32, #tpu.memory_space<vmem>>, %arg6: memref<400xf32, #tpu.memory_space<vmem>>, %arg7: memref<10000xf32, #tpu.memory_space<vmem_shared>>) attributes {dimension_semantics = [#tpu.dimension_semantics<core_parallel>, #tpu.dimension_semantics<subcore_parallel>], iteration_bounds = array<i64: 2, 16>, scalar_prefetch = 0 : i64, scratch_operands = 4 : i64, tpu.core_type = #tpu.core_type<sc_vector_subcore>, window_params = [{transform_indices = #map}, {transform_indices = #map1}]} {
    %mul3A = arith.constant 16 : i32
    %mul3A_0 = arith.muli %arg0, %mul3A : i32
    %add3A = arith.addi %mul3A_0, %arg1 : i32
    %mul3A_1 = arith.constant 125 : i32
    %mul3A_2 = arith.muli %add3A, %mul3A_1 : i32
    %run_scoped3A = arith.constant 1 : i32
    "tpu.region"() ({
      %run_scoped3A_212 = tpu.sem_alloc : memref<!tpu.dma_semaphore, #tpu.memory_space<semaphore_mem>>
      %dma_start3A = arith.constant 0 : i32
      %dma_start3A_213 = tpu.memref_slice %arg2[%run_scoped3A, %mul3A_2, %dma_start3A] : memref<2x4000x80xi32, #tpu.memory_space<hbm>> -> memref<1x125x80xi32, #tpu.memory_space<hbm>>
      %dma_start3A_214 = tpu.memref_squeeze %dma_start3A_213 : memref<1x125x80xi32, #tpu.memory_space<hbm>> -> memref<125x80xi32, #tpu.memory_space<hbm>>
      %dma_start3A_215 = arith.constant 0 : i32
      %dma_start3A_216 = tpu.memref_slice %arg2[%run_scoped3A, %mul3A_2, %dma_start3A_215] : memref<2x4000x80xi32, #tpu.memory_space<hbm>> -> memref<1x125x80xi32, #tpu.memory_space<hbm>>
      %dma_start3A_217 = tpu.memref_squeeze %dma_start3A_216 : memref<1x125x80xi32, #tpu.memory_space<hbm>> -> memref<125x80xi32, #tpu.memory_space<hbm>>
      tpu.enqueue_dma source(%dma_start3A_217 : memref<125x80xi32, #tpu.memory_space<hbm>>) target(%arg4 : memref<125x80xi32, #tpu.memory_space<vmem>>) target_semaphore(%run_scoped3A_212 : memref<!tpu.dma_semaphore, #tpu.memory_space<semaphore_mem>>)
      %dma_wait3A = arith.constant 0 : i32
      %dma_wait3A_218 = tpu.memref_slice %arg2[%run_scoped3A, %mul3A_2, %dma_wait3A] : memref<2x4000x80xi32, #tpu.memory_space<hbm>> -> memref<1x125x80xi32, #tpu.memory_space<hbm>>
      %dma_wait3A_219 = tpu.memref_squeeze %dma_wait3A_218 : memref<1x125x80xi32, #tpu.memory_space<hbm>> -> memref<125x80xi32, #tpu.memory_space<hbm>>
      %dma_wait3A_220 = arith.constant 0 : i32
      %dma_wait3A_221 = tpu.memref_slice %arg2[%run_scoped3A, %mul3A_2, %dma_wait3A_220] : memref<2x4000x80xi32, #tpu.memory_space<hbm>> -> memref<1x125x80xi32, #tpu.memory_space<hbm>>
      %dma_wait3A_222 = tpu.memref_squeeze %dma_wait3A_221 : memref<1x125x80xi32, #tpu.memory_space<hbm>> -> memref<125x80xi32, #tpu.memory_space<hbm>>
      tpu.wait_dma2 semaphore(%run_scoped3A_212 : memref<!tpu.dma_semaphore, #tpu.memory_space<semaphore_mem>>) src(%dma_wait3A_222 : memref<125x80xi32, #tpu.memory_space<hbm>>) dst(%arg4 : memref<125x80xi32, #tpu.memory_space<vmem>>)
      tpu.yield
    }) : () -> ()
    %broadcast_in_dim3A = arith.constant 1.000000e+00 : f32
    %broadcast_in_dim3A_3 = vector.broadcast %broadcast_in_dim3A : f32 to vector<16xf32>
    %swap3A = arith.constant 0 : index
    %swap3A_4 = tpu.vector_load %arg5[%swap3A] {strides = array<i32>} : memref<80xf32, #tpu.memory_space<vmem>>, vector<16xf32>,
    %swap3A_5 = vector.shape_cast %swap3A_4 : vector<16xf32> to vector<16xf32>
    %swap3A_6 = vector.shape_cast %broadcast_in_dim3A_3 : vector<16xf32> to vector<16xf32>
    tpu.vector_store %arg5[%swap3A], %swap3A_6 {strides = array<i32>} : memref<80xf32, #tpu.memory_space<vmem>>, vector<16xf32>,
    %broadcast_in_dim3A_7 = arith.constant 1.000000e+00 : f32
    %broadcast_in_dim3A_8 = vector.broadcast %broadcast_in_dim3A_7 : f32 to vector<16xf32>
    %swap3A_9 = arith.constant 16 : index
    %swap3A_10 = tpu.vector_load %arg5[%swap3A_9] {strides = array<i32>} : memref<80xf32, #tpu.memory_space<vmem>>, vector<16xf32>,
    %swap3A_11 = vector.shape_cast %swap3A_10 : vector<16xf32> to vector<16xf32>
    %swap3A_12 = vector.shape_cast %broadcast_in_dim3A_8 : vector<16xf32> to vector<16xf32>
    tpu.vector_store %arg5[%swap3A_9], %swap3A_12 {strides = array<i32>} : memref<80xf32, #tpu.memory_space<vmem>>, vector<16xf32>,
    %broadcast_in_dim3A_13 = arith.constant 1.000000e+00 : f32
    %broadcast_in_dim3A_14 = vector.broadcast %broadcast_in_dim3A_13 : f32 to vector<16xf32>
    %swap3A_15 = arith.constant 32 : index
    %swap3A_16 = tpu.vector_load %arg5[%swap3A_15] {strides = array<i32>} : memref<80xf32, #tpu.memory_space<vmem>>, vector<16xf32>,
    %swap3A_17 = vector.shape_cast %swap3A_16 : vector<16xf32> to vector<16xf32>
    %swap3A_18 = vector.shape_cast %broadcast_in_dim3A_14 : vector<16xf32> to vector<16xf32>
    tpu.vector_store %arg5[%swap3A_15], %swap3A_18 {strides = array<i32>} : memref<80xf32, #tpu.memory_space<vmem>>, vector<16xf32>,
    %broadcast_in_dim3A_19 = arith.constant 1.000000e+00 : f32
    %broadcast_in_dim3A_20 = vector.broadcast %broadcast_in_dim3A_19 : f32 to vector<16xf32>
    %swap3A_21 = arith.constant 48 : index
    %swap3A_22 = tpu.vector_load %arg5[%swap3A_21] {strides = array<i32>} : memref<80xf32, #tpu.memory_space<vmem>>, vector<16xf32>,
    %swap3A_23 = vector.shape_cast %swap3A_22 : vector<16xf32> to vector<16xf32>
    %swap3A_24 = vector.shape_cast %broadcast_in_dim3A_20 : vector<16xf32> to vector<16xf32>
    tpu.vector_store %arg5[%swap3A_21], %swap3A_24 {strides = array<i32>} : memref<80xf32, #tpu.memory_space<vmem>>, vector<16xf32>,
    %broadcast_in_dim3A_25 = arith.constant 1.000000e+00 : f32
    %broadcast_in_dim3A_26 = vector.broadcast %broadcast_in_dim3A_25 : f32 to vector<16xf32>
    %swap3A_27 = arith.constant 64 : index
    %swap3A_28 = tpu.vector_load %arg5[%swap3A_27] {strides = array<i32>} : memref<80xf32, #tpu.memory_space<vmem>>, vector<16xf32>,
    %swap3A_29 = vector.shape_cast %swap3A_28 : vector<16xf32> to vector<16xf32>
    %swap3A_30 = vector.shape_cast %broadcast_in_dim3A_26 : vector<16xf32> to vector<16xf32>
    tpu.vector_store %arg5[%swap3A_27], %swap3A_30 {strides = array<i32>} : memref<80xf32, #tpu.memory_space<vmem>>, vector<16xf32>,
    %broadcast_in_dim3A_31 = arith.constant 1.000000e+00 : f32
    %broadcast_in_dim3A_32 = vector.broadcast %broadcast_in_dim3A_31 : f32 to vector<16xf32>
    %swap3A_33 = arith.constant 0 : index
    %swap3A_34 = tpu.vector_load %arg6[%swap3A_33] {strides = array<i32>} : memref<400xf32, #tpu.memory_space<vmem>>, vector<16xf32>,
    %swap3A_35 = vector.shape_cast %swap3A_34 : vector<16xf32> to vector<16xf32>
    %swap3A_36 = vector.shape_cast %broadcast_in_dim3A_32 : vector<16xf32> to vector<16xf32>
    tpu.vector_store %arg6[%swap3A_33], %swap3A_36 {strides = array<i32>} : memref<400xf32, #tpu.memory_space<vmem>>, vector<16xf32>,
    %broadcast_in_dim3A_37 = arith.constant 1.000000e+00 : f32
    %broadcast_in_dim3A_38 = vector.broadcast %broadcast_in_dim3A_37 : f32 to vector<16xf32>
    %swap3A_39 = arith.constant 16 : index
    %swap3A_40 = tpu.vector_load %arg6[%swap3A_39] {strides = array<i32>} : memref<400xf32, #tpu.memory_space<vmem>>, vector<16xf32>,
    %swap3A_41 = vector.shape_cast %swap3A_40 : vector<16xf32> to vector<16xf32>
    %swap3A_42 = vector.shape_cast %broadcast_in_dim3A_38 : vector<16xf32> to vector<16xf32>
    tpu.vector_store %arg6[%swap3A_39], %swap3A_42 {strides = array<i32>} : memref<400xf32, #tpu.memory_space<vmem>>, vector<16xf32>,
    %broadcast_in_dim3A_43 = arith.constant 1.000000e+00 : f32
    %broadcast_in_dim3A_44 = vector.broadcast %broadcast_in_dim3A_43 : f32 to vector<16xf32>
    %swap3A_45 = arith.constant 32 : index
    %swap3A_46 = tpu.vector_load %arg6[%swap3A_45] {strides = array<i32>} : memref<400xf32, #tpu.memory_space<vmem>>, vector<16xf32>,
    %swap3A_47 = vector.shape_cast %swap3A_46 : vector<16xf32> to vector<16xf32>
    %swap3A_48 = vector.shape_cast %broadcast_in_dim3A_44 : vector<16xf32> to vector<16xf32>
    tpu.vector_store %arg6[%swap3A_45], %swap3A_48 {strides = array<i32>} : memref<400xf32, #tpu.memory_space<vmem>>, vector<16xf32>,
    %broadcast_in_dim3A_49 = arith.constant 1.000000e+00 : f32
    %broadcast_in_dim3A_50 = vector.broadcast %broadcast_in_dim3A_49 : f32 to vector<16xf32>
    %swap3A_51 = arith.constant 48 : index
    %swap3A_52 = tpu.vector_load %arg6[%swap3A_51] {strides = array<i32>} : memref<400xf32, #tpu.memory_space<vmem>>, vector<16xf32>,
    %swap3A_53 = vector.shape_cast %swap3A_52 : vector<16xf32> to vector<16xf32>
    %swap3A_54 = vector.shape_cast %broadcast_in_dim3A_50 : vector<16xf32> to vector<16xf32>
    tpu.vector_store %arg6[%swap3A_51], %swap3A_54 {strides = array<i32>} : memref<400xf32, #tpu.memory_space<vmem>>, vector<16xf32>,
    %broadcast_in_dim3A_55 = arith.constant 1.000000e+00 : f32
    %broadcast_in_dim3A_56 = vector.broadcast %broadcast_in_dim3A_55 : f32 to vector<16xf32>
    %swap3A_57 = arith.constant 64 : index
    %swap3A_58 = tpu.vector_load %arg6[%swap3A_57] {strides = array<i32>} : memref<400xf32, #tpu.memory_space<vmem>>, vector<16xf32>,
    %swap3A_59 = vector.shape_cast %swap3A_58 : vector<16xf32> to vector<16xf32>
    %swap3A_60 = vector.shape_cast %broadcast_in_dim3A_56 : vector<16xf32> to vector<16xf32>
    tpu.vector_store %arg6[%swap3A_57], %swap3A_60 {strides = array<i32>} : memref<400xf32, #tpu.memory_space<vmem>>, vector<16xf32>,
    %broadcast_in_dim3A_61 = arith.constant 1.000000e+00 : f32
    %broadcast_in_dim3A_62 = vector.broadcast %broadcast_in_dim3A_61 : f32 to vector<16xf32>
    %swap3A_63 = arith.constant 80 : index
    %swap3A_64 = tpu.vector_load %arg6[%swap3A_63] {strides = array<i32>} : memref<400xf32, #tpu.memory_space<vmem>>, vector<16xf32>,
    %swap3A_65 = vector.shape_cast %swap3A_64 : vector<16xf32> to vector<16xf32>
    %swap3A_66 = vector.shape_cast %broadcast_in_dim3A_62 : vector<16xf32> to vector<16xf32>
    tpu.vector_store %arg6[%swap3A_63], %swap3A_66 {strides = array<i32>} : memref<400xf32, #tpu.memory_space<vmem>>, vector<16xf32>,
    %broadcast_in_dim3A_67 = arith.constant 1.000000e+00 : f32
    %broadcast_in_dim3A_68 = vector.broadcast %broadcast_in_dim3A_67 : f32 to vector<16xf32>
    %swap3A_69 = arith.constant 96 : index
    %swap3A_70 = tpu.vector_load %arg6[%swap3A_69] {strides = array<i32>} : memref<400xf32, #tpu.memory_space<vmem>>, vector<16xf32>,
    %swap3A_71 = vector.shape_cast %swap3A_70 : vector<16xf32> to vector<16xf32>
    %swap3A_72 = vector.shape_cast %broadcast_in_dim3A_68 : vector<16xf32> to vector<16xf32>
    tpu.vector_store %arg6[%swap3A_69], %swap3A_72 {strides = array<i32>} : memref<400xf32, #tpu.memory_space<vmem>>, vector<16xf32>,
    %broadcast_in_dim3A_73 = arith.constant 1.000000e+00 : f32
    %broadcast_in_dim3A_74 = vector.broadcast %broadcast_in_dim3A_73 : f32 to vector<16xf32>
    %swap3A_75 = arith.constant 112 : index
    %swap3A_76 = tpu.vector_load %arg6[%swap3A_75] {strides = array<i32>} : memref<400xf32, #tpu.memory_space<vmem>>, vector<16xf32>,
    %swap3A_77 = vector.shape_cast %swap3A_76 : vector<16xf32> to vector<16xf32>
    %swap3A_78 = vector.shape_cast %broadcast_in_dim3A_74 : vector<16xf32> to vector<16xf32>
    tpu.vector_store %arg6[%swap3A_75], %swap3A_78 {strides = array<i32>} : memref<400xf32, #tpu.memory_space<vmem>>, vector<16xf32>,
    %broadcast_in_dim3A_79 = arith.constant 1.000000e+00 : f32
    %broadcast_in_dim3A_80 = vector.broadcast %broadcast_in_dim3A_79 : f32 to vector<16xf32>
    %swap3A_81 = arith.constant 128 : index
    %swap3A_82 = tpu.vector_load %arg6[%swap3A_81] {strides = array<i32>} : memref<400xf32, #tpu.memory_space<vmem>>, vector<16xf32>,
    %swap3A_83 = vector.shape_cast %swap3A_82 : vector<16xf32> to vector<16xf32>
    %swap3A_84 = vector.shape_cast %broadcast_in_dim3A_80 : vector<16xf32> to vector<16xf32>
    tpu.vector_store %arg6[%swap3A_81], %swap3A_84 {strides = array<i32>} : memref<400xf32, #tpu.memory_space<vmem>>, vector<16xf32>,
    %broadcast_in_dim3A_85 = arith.constant 1.000000e+00 : f32
    %broadcast_in_dim3A_86 = vector.broadcast %broadcast_in_dim3A_85 : f32 to vector<16xf32>
    %swap3A_87 = arith.constant 144 : index
    %swap3A_88 = tpu.vector_load %arg6[%swap3A_87] {strides = array<i32>} : memref<400xf32, #tpu.memory_space<vmem>>, vector<16xf32>,
    %swap3A_89 = vector.shape_cast %swap3A_88 : vector<16xf32> to vector<16xf32>
    %swap3A_90 = vector.shape_cast %broadcast_in_dim3A_86 : vector<16xf32> to vector<16xf32>
    tpu.vector_store %arg6[%swap3A_87], %swap3A_90 {strides = array<i32>} : memref<400xf32, #tpu.memory_space<vmem>>, vector<16xf32>,
    %broadcast_in_dim3A_91 = arith.constant 1.000000e+00 : f32
    %broadcast_in_dim3A_92 = vector.broadcast %broadcast_in_dim3A_91 : f32 to vector<16xf32>
    %swap3A_93 = arith.constant 160 : index
    %swap3A_94 = tpu.vector_load %arg6[%swap3A_93] {strides = array<i32>} : memref<400xf32, #tpu.memory_space<vmem>>, vector<16xf32>,
    %swap3A_95 = vector.shape_cast %swap3A_94 : vector<16xf32> to vector<16xf32>
    %swap3A_96 = vector.shape_cast %broadcast_in_dim3A_92 : vector<16xf32> to vector<16xf32>
    tpu.vector_store %arg6[%swap3A_93], %swap3A_96 {strides = array<i32>} : memref<400xf32, #tpu.memory_space<vmem>>, vector<16xf32>,
    %broadcast_in_dim3A_97 = arith.constant 1.000000e+00 : f32
    %broadcast_in_dim3A_98 = vector.broadcast %broadcast_in_dim3A_97 : f32 to vector<16xf32>
    %swap3A_99 = arith.constant 176 : index
    %swap3A_100 = tpu.vector_load %arg6[%swap3A_99] {strides = array<i32>} : memref<400xf32, #tpu.memory_space<vmem>>, vector<16xf32>,
    %swap3A_101 = vector.shape_cast %swap3A_100 : vector<16xf32> to vector<16xf32>
    %swap3A_102 = vector.shape_cast %broadcast_in_dim3A_98 : vector<16xf32> to vector<16xf32>
    tpu.vector_store %arg6[%swap3A_99], %swap3A_102 {strides = array<i32>} : memref<400xf32, #tpu.memory_space<vmem>>, vector<16xf32>,
    %broadcast_in_dim3A_103 = arith.constant 1.000000e+00 : f32
    %broadcast_in_dim3A_104 = vector.broadcast %broadcast_in_dim3A_103 : f32 to vector<16xf32>
    %swap3A_105 = arith.constant 192 : index
    %swap3A_106 = tpu.vector_load %arg6[%swap3A_105] {strides = array<i32>} : memref<400xf32, #tpu.memory_space<vmem>>, vector<16xf32>,
    %swap3A_107 = vector.shape_cast %swap3A_106 : vector<16xf32> to vector<16xf32>
    %swap3A_108 = vector.shape_cast %broadcast_in_dim3A_104 : vector<16xf32> to vector<16xf32>
    tpu.vector_store %arg6[%swap3A_105], %swap3A_108 {strides = array<i32>} : memref<400xf32, #tpu.memory_space<vmem>>, vector<16xf32>,
    %broadcast_in_dim3A_109 = arith.constant 1.000000e+00 : f32
    %broadcast_in_dim3A_110 = vector.broadcast %broadcast_in_dim3A_109 : f32 to vector<16xf32>
    %swap3A_111 = arith.constant 208 : index
    %swap3A_112 = tpu.vector_load %arg6[%swap3A_111] {strides = array<i32>} : memref<400xf32, #tpu.memory_space<vmem>>, vector<16xf32>,
    %swap3A_113 = vector.shape_cast %swap3A_112 : vector<16xf32> to vector<16xf32>
    %swap3A_114 = vector.shape_cast %broadcast_in_dim3A_110 : vector<16xf32> to vector<16xf32>
    tpu.vector_store %arg6[%swap3A_111], %swap3A_114 {strides = array<i32>} : memref<400xf32, #tpu.memory_space<vmem>>, vector<16xf32>,
    %broadcast_in_dim3A_115 = arith.constant 1.000000e+00 : f32
    %broadcast_in_dim3A_116 = vector.broadcast %broadcast_in_dim3A_115 : f32 to vector<16xf32>
    %swap3A_117 = arith.constant 224 : index
    %swap3A_118 = tpu.vector_load %arg6[%swap3A_117] {strides = array<i32>} : memref<400xf32, #tpu.memory_space<vmem>>, vector<16xf32>,
    %swap3A_119 = vector.shape_cast %swap3A_118 : vector<16xf32> to vector<16xf32>
    %swap3A_120 = vector.shape_cast %broadcast_in_dim3A_116 : vector<16xf32> to vector<16xf32>
    tpu.vector_store %arg6[%swap3A_117], %swap3A_120 {strides = array<i32>} : memref<400xf32, #tpu.memory_space<vmem>>, vector<16xf32>,
    %broadcast_in_dim3A_121 = arith.constant 1.000000e+00 : f32
    %broadcast_in_dim3A_122 = vector.broadcast %broadcast_in_dim3A_121 : f32 to vector<16xf32>
    %swap3A_123 = arith.constant 240 : index
    %swap3A_124 = tpu.vector_load %arg6[%swap3A_123] {strides = array<i32>} : memref<400xf32, #tpu.memory_space<vmem>>, vector<16xf32>,
    %swap3A_125 = vector.shape_cast %swap3A_124 : vector<16xf32> to vector<16xf32>
    %swap3A_126 = vector.shape_cast %broadcast_in_dim3A_122 : vector<16xf32> to vector<16xf32>
    tpu.vector_store %arg6[%swap3A_123], %swap3A_126 {strides = array<i32>} : memref<400xf32, #tpu.memory_space<vmem>>, vector<16xf32>,
    %broadcast_in_dim3A_127 = arith.constant 1.000000e+00 : f32
    %broadcast_in_dim3A_128 = vector.broadcast %broadcast_in_dim3A_127 : f32 to vector<16xf32>
    %swap3A_129 = arith.constant 256 : index
    %swap3A_130 = tpu.vector_load %arg6[%swap3A_129] {strides = array<i32>} : memref<400xf32, #tpu.memory_space<vmem>>, vector<16xf32>,
    %swap3A_131 = vector.shape_cast %swap3A_130 : vector<16xf32> to vector<16xf32>
    %swap3A_132 = vector.shape_cast %broadcast_in_dim3A_128 : vector<16xf32> to vector<16xf32>
    tpu.vector_store %arg6[%swap3A_129], %swap3A_132 {strides = array<i32>} : memref<400xf32, #tpu.memory_space<vmem>>, vector<16xf32>,
    %broadcast_in_dim3A_133 = arith.constant 1.000000e+00 : f32
    %broadcast_in_dim3A_134 = vector.broadcast %broadcast_in_dim3A_133 : f32 to vector<16xf32>
    %swap3A_135 = arith.constant 272 : index
    %swap3A_136 = tpu.vector_load %arg6[%swap3A_135] {strides = array<i32>} : memref<400xf32, #tpu.memory_space<vmem>>, vector<16xf32>,
    %swap3A_137 = vector.shape_cast %swap3A_136 : vector<16xf32> to vector<16xf32>
    %swap3A_138 = vector.shape_cast %broadcast_in_dim3A_134 : vector<16xf32> to vector<16xf32>
    tpu.vector_store %arg6[%swap3A_135], %swap3A_138 {strides = array<i32>} : memref<400xf32, #tpu.memory_space<vmem>>, vector<16xf32>,
    %broadcast_in_dim3A_139 = arith.constant 1.000000e+00 : f32
    %broadcast_in_dim3A_140 = vector.broadcast %broadcast_in_dim3A_139 : f32 to vector<16xf32>
    %swap3A_141 = arith.constant 288 : index
    %swap3A_142 = tpu.vector_load %arg6[%swap3A_141] {strides = array<i32>} : memref<400xf32, #tpu.memory_space<vmem>>, vector<16xf32>,
    %swap3A_143 = vector.shape_cast %swap3A_142 : vector<16xf32> to vector<16xf32>
    %swap3A_144 = vector.shape_cast %broadcast_in_dim3A_140 : vector<16xf32> to vector<16xf32>
    tpu.vector_store %arg6[%swap3A_141], %swap3A_144 {strides = array<i32>} : memref<400xf32, #tpu.memory_space<vmem>>, vector<16xf32>,
    %broadcast_in_dim3A_145 = arith.constant 1.000000e+00 : f32
    %broadcast_in_dim3A_146 = vector.broadcast %broadcast_in_dim3A_145 : f32 to vector<16xf32>
    %swap3A_147 = arith.constant 304 : index
    %swap3A_148 = tpu.vector_load %arg6[%swap3A_147] {strides = array<i32>} : memref<400xf32, #tpu.memory_space<vmem>>, vector<16xf32>,
    %swap3A_149 = vector.shape_cast %swap3A_148 : vector<16xf32> to vector<16xf32>
    %swap3A_150 = vector.shape_cast %broadcast_in_dim3A_146 : vector<16xf32> to vector<16xf32>
    tpu.vector_store %arg6[%swap3A_147], %swap3A_150 {strides = array<i32>} : memref<400xf32, #tpu.memory_space<vmem>>, vector<16xf32>,
    %broadcast_in_dim3A_151 = arith.constant 1.000000e+00 : f32
    %broadcast_in_dim3A_152 = vector.broadcast %broadcast_in_dim3A_151 : f32 to vector<16xf32>
    %swap3A_153 = arith.constant 320 : index
    %swap3A_154 = tpu.vector_load %arg6[%swap3A_153] {strides = array<i32>} : memref<400xf32, #tpu.memory_space<vmem>>, vector<16xf32>,
    %swap3A_155 = vector.shape_cast %swap3A_154 : vector<16xf32> to vector<16xf32>
    %swap3A_156 = vector.shape_cast %broadcast_in_dim3A_152 : vector<16xf32> to vector<16xf32>
    tpu.vector_store %arg6[%swap3A_153], %swap3A_156 {strides = array<i32>} : memref<400xf32, #tpu.memory_space<vmem>>, vector<16xf32>,
    %broadcast_in_dim3A_157 = arith.constant 1.000000e+00 : f32
    %broadcast_in_dim3A_158 = vector.broadcast %broadcast_in_dim3A_157 : f32 to vector<16xf32>
    %swap3A_159 = arith.constant 336 : index
    %swap3A_160 = tpu.vector_load %arg6[%swap3A_159] {strides = array<i32>} : memref<400xf32, #tpu.memory_space<vmem>>, vector<16xf32>,
    %swap3A_161 = vector.shape_cast %swap3A_160 : vector<16xf32> to vector<16xf32>
    %swap3A_162 = vector.shape_cast %broadcast_in_dim3A_158 : vector<16xf32> to vector<16xf32>
    tpu.vector_store %arg6[%swap3A_159], %swap3A_162 {strides = array<i32>} : memref<400xf32, #tpu.memory_space<vmem>>, vector<16xf32>,
    %broadcast_in_dim3A_163 = arith.constant 1.000000e+00 : f32
    %broadcast_in_dim3A_164 = vector.broadcast %broadcast_in_dim3A_163 : f32 to vector<16xf32>
    %swap3A_165 = arith.constant 352 : index
    %swap3A_166 = tpu.vector_load %arg6[%swap3A_165] {strides = array<i32>} : memref<400xf32, #tpu.memory_space<vmem>>, vector<16xf32>,
    %swap3A_167 = vector.shape_cast %swap3A_166 : vector<16xf32> to vector<16xf32>
    %swap3A_168 = vector.shape_cast %broadcast_in_dim3A_164 : vector<16xf32> to vector<16xf32>
    tpu.vector_store %arg6[%swap3A_165], %swap3A_168 {strides = array<i32>} : memref<400xf32, #tpu.memory_space<vmem>>, vector<16xf32>,
    %broadcast_in_dim3A_169 = arith.constant 1.000000e+00 : f32
    %broadcast_in_dim3A_170 = vector.broadcast %broadcast_in_dim3A_169 : f32 to vector<16xf32>
    %swap3A_171 = arith.constant 368 : index
    %swap3A_172 = tpu.vector_load %arg6[%swap3A_171] {strides = array<i32>} : memref<400xf32, #tpu.memory_space<vmem>>, vector<16xf32>,
    %swap3A_173 = vector.shape_cast %swap3A_172 : vector<16xf32> to vector<16xf32>
    %swap3A_174 = vector.shape_cast %broadcast_in_dim3A_170 : vector<16xf32> to vector<16xf32>
    tpu.vector_store %arg6[%swap3A_171], %swap3A_174 {strides = array<i32>} : memref<400xf32, #tpu.memory_space<vmem>>, vector<16xf32>,
    %broadcast_in_dim3A_175 = arith.constant 1.000000e+00 : f32
    %broadcast_in_dim3A_176 = vector.broadcast %broadcast_in_dim3A_175 : f32 to vector<16xf32>
    %swap3A_177 = arith.constant 384 : index
    %swap3A_178 = tpu.vector_load %arg6[%swap3A_177] {strides = array<i32>} : memref<400xf32, #tpu.memory_space<vmem>>, vector<16xf32>,
    %swap3A_179 = vector.shape_cast %swap3A_178 : vector<16xf32> to vector<16xf32>
    %swap3A_180 = vector.shape_cast %broadcast_in_dim3A_176 : vector<16xf32> to vector<16xf32>
    tpu.vector_store %arg6[%swap3A_177], %swap3A_180 {strides = array<i32>} : memref<400xf32, #tpu.memory_space<vmem>>, vector<16xf32>,
    %add3A_181 = arith.constant 0 : i32
    %add3A_182 = arith.addi %arg1, %add3A_181 : i32
    %lt3A = arith.constant 25 : i32
    %lt3A_183 = arith.cmpi slt, %add3A_182, %lt3A : i32
    %convert_element_type3A = arith.extui %lt3A_183 : i1 to i32
    %cond3A = arith.constant 0 : i32
    %cond3A_184 = arith.cmpi ne, %convert_element_type3A, %cond3A : i32
    scf.if %cond3A_184 {
      %mul3A_212 = arith.constant 400 : i32
      %mul3A_213 = arith.muli %add3A_182, %mul3A_212 : i32
      "tpu.region"() ({
        %run_scoped3A_214 = tpu.sem_alloc : memref<!tpu.dma_semaphore, #tpu.memory_space<semaphore_mem>>
        %dma_start3A = tpu.memref_slice %arg7[%mul3A_213] : memref<10000xf32, #tpu.memory_space<vmem_shared>> -> memref<400xf32, #tpu.memory_space<vmem_shared>>
        %dma_start3A_215 = tpu.memref_slice %arg7[%mul3A_213] : memref<10000xf32, #tpu.memory_space<vmem_shared>> -> memref<400xf32, #tpu.memory_space<vmem_shared>>
        tpu.enqueue_dma source(%arg6 : memref<400xf32, #tpu.memory_space<vmem>>) target(%dma_start3A_215 : memref<400xf32, #tpu.memory_space<vmem_shared>>) target_semaphore(%run_scoped3A_214 : memref<!tpu.dma_semaphore, #tpu.memory_space<semaphore_mem>>)
        %dma_wait3A = tpu.memref_slice %arg7[%mul3A_213] : memref<10000xf32, #tpu.memory_space<vmem_shared>> -> memref<400xf32, #tpu.memory_space<vmem_shared>>
        %dma_wait3A_216 = tpu.memref_slice %arg7[%mul3A_213] : memref<10000xf32, #tpu.memory_space<vmem_shared>> -> memref<400xf32, #tpu.memory_space<vmem_shared>>
        tpu.wait_dma2 semaphore(%run_scoped3A_214 : memref<!tpu.dma_semaphore, #tpu.memory_space<semaphore_mem>>) src(%arg6 : memref<400xf32, #tpu.memory_space<vmem>>) dst(%dma_wait3A_216 : memref<400xf32, #tpu.memory_space<vmem_shared>>)
        tpu.yield
      }) : () -> ()
    } else {
    }
    %add3A_185 = arith.constant 16 : i32
    %add3A_186 = arith.addi %arg1, %add3A_185 : i32
    %lt3A_187 = arith.constant 25 : i32
    %lt3A_188 = arith.cmpi slt, %add3A_186, %lt3A_187 : i32
    %convert_element_type3A_189 = arith.extui %lt3A_188 : i1 to i32
    %cond3A_190 = arith.constant 0 : i32
    %cond3A_191 = arith.cmpi ne, %convert_element_type3A_189, %cond3A_190 : i32
    scf.if %cond3A_191 {
      %mul3A_212 = arith.constant 400 : i32
      %mul3A_213 = arith.muli %add3A_186, %mul3A_212 : i32
      "tpu.region"() ({
        %run_scoped3A_214 = tpu.sem_alloc : memref<!tpu.dma_semaphore, #tpu.memory_space<semaphore_mem>>
        %dma_start3A = tpu.memref_slice %arg7[%mul3A_213] : memref<10000xf32, #tpu.memory_space<vmem_shared>> -> memref<400xf32, #tpu.memory_space<vmem_shared>>
        %dma_start3A_215 = tpu.memref_slice %arg7[%mul3A_213] : memref<10000xf32, #tpu.memory_space<vmem_shared>> -> memref<400xf32, #tpu.memory_space<vmem_shared>>
        tpu.enqueue_dma source(%arg6 : memref<400xf32, #tpu.memory_space<vmem>>) target(%dma_start3A_215 : memref<400xf32, #tpu.memory_space<vmem_shared>>) target_semaphore(%run_scoped3A_214 : memref<!tpu.dma_semaphore, #tpu.memory_space<semaphore_mem>>)
        %dma_wait3A = tpu.memref_slice %arg7[%mul3A_213] : memref<10000xf32, #tpu.memory_space<vmem_shared>> -> memref<400xf32, #tpu.memory_space<vmem_shared>>
        %dma_wait3A_216 = tpu.memref_slice %arg7[%mul3A_213] : memref<10000xf32, #tpu.memory_space<vmem_shared>> -> memref<400xf32, #tpu.memory_space<vmem_shared>>
        tpu.wait_dma2 semaphore(%run_scoped3A_214 : memref<!tpu.dma_semaphore, #tpu.memory_space<semaphore_mem>>) src(%arg6 : memref<400xf32, #tpu.memory_space<vmem>>) dst(%dma_wait3A_216 : memref<400xf32, #tpu.memory_space<vmem_shared>>)
        tpu.yield
      }) : () -> ()
    } else {
    }
    %barrier3A = arith.constant 0 : index
    tpu.barrier barrier_id(%barrier3A)
    %scan3A = arith.constant 0 : i32
    %scan3A_192 = arith.constant 0 : i32
    %scan3A_193 = arith.constant 125 : i32
    %scan3A_194 = arith.addi %scan3A_192, %scan3A_193 : i32
    %scan3A_195 = arith.constant 1 : i32
    scf.for %scan3A_212 = %scan3A_192 to %scan3A_194 step %scan3A_195  : i32 {
      "tpu.region"() ({
        %run_scoped3A_213 = tpu.sem_alloc : memref<!tpu.dma_semaphore, #tpu.memory_space<semaphore_mem>>
        %dma_start3A = arith.constant 0 : i32
        %dma_start3A_214 = tpu.memref_slice %arg4[%scan3A_212, %dma_start3A] : memref<125x80xi32, #tpu.memory_space<vmem>> -> memref<1x80xi32, #tpu.memory_space<vmem>>
        %dma_start3A_215 = tpu.memref_squeeze %dma_start3A_214 : memref<1x80xi32, #tpu.memory_space<vmem>> -> memref<80xi32, #tpu.memory_space<vmem>>
        %dma_start3A_216 = arith.constant 0 : i32
        %dma_start3A_217 = tpu.memref_slice %arg7[%dma_start3A_216] : memref<10000xf32, #tpu.memory_space<vmem_shared>> -> memref<10000xf32, #tpu.memory_space<vmem_shared>>
        tpu.enqueue_indirect_dma source(%arg5 : memref<80xf32, #tpu.memory_space<vmem>>) target(%dma_start3A_217 : memref<10000xf32, #tpu.memory_space<vmem_shared>>) offsets(%dma_start3A_215 : memref<80xi32, #tpu.memory_space<vmem>>) semaphore(%run_scoped3A_213 : memref<!tpu.dma_semaphore, #tpu.memory_space<semaphore_mem>>) {add = true}
        %dma_wait3A = arith.constant 0 : i32
        %dma_wait3A_218 = tpu.memref_slice %arg4[%scan3A_212, %dma_wait3A] : memref<125x80xi32, #tpu.memory_space<vmem>> -> memref<1x80xi32, #tpu.memory_space<vmem>>
        %dma_wait3A_219 = tpu.memref_squeeze %dma_wait3A_218 : memref<1x80xi32, #tpu.memory_space<vmem>> -> memref<80xi32, #tpu.memory_space<vmem>>
        %dma_wait3A_220 = arith.constant 0 : i32
        %dma_wait3A_221 = tpu.memref_slice %arg7[%dma_wait3A_220] : memref<10000xf32, #tpu.memory_space<vmem_shared>> -> memref<10000xf32, #tpu.memory_space<vmem_shared>>
        tpu.wait_indirect_dma semaphore(%run_scoped3A_213 : memref<!tpu.dma_semaphore, #tpu.memory_space<semaphore_mem>>) src(%arg5 : memref<80xf32, #tpu.memory_space<vmem>>) dst(%dma_wait3A_221 : memref<10000xf32, #tpu.memory_space<vmem_shared>>)
        tpu.yield
      }) : () -> ()
    }
    %scan3A_196 = arith.constant 125 : i32
    %barrier3A_197 = arith.constant 0 : index
    tpu.barrier barrier_id(%barrier3A_197)
    %add3A_198 = arith.constant 0 : i32
    %add3A_199 = arith.addi %arg1, %add3A_198 : i32
    %lt3A_200 = arith.constant 25 : i32
    %lt3A_201 = arith.cmpi slt, %add3A_199, %lt3A_200 : i32
    %convert_element_type3A_202 = arith.extui %lt3A_201 : i1 to i32
    %cond3A_203 = arith.constant 0 : i32
    %cond3A_204 = arith.cmpi ne, %convert_element_type3A_202, %cond3A_203 : i32
    scf.if %cond3A_204 {
      %mul3A_212 = arith.constant 400 : i32
      %mul3A_213 = arith.muli %add3A_199, %mul3A_212 : i32
      "tpu.region"() ({
        %run_scoped3A_217 = tpu.sem_alloc : memref<!tpu.dma_semaphore, #tpu.memory_space<semaphore_mem>>
        %dma_start3A = tpu.memref_slice %arg7[%mul3A_213] : memref<10000xf32, #tpu.memory_space<vmem_shared>> -> memref<400xf32, #tpu.memory_space<vmem_shared>>
        %dma_start3A_218 = tpu.memref_slice %arg7[%mul3A_213] : memref<10000xf32, #tpu.memory_space<vmem_shared>> -> memref<400xf32, #tpu.memory_space<vmem_shared>>
        tpu.enqueue_dma source(%dma_start3A_218 : memref<400xf32, #tpu.memory_space<vmem_shared>>) target(%arg6 : memref<400xf32, #tpu.memory_space<vmem>>) target_semaphore(%run_scoped3A_217 : memref<!tpu.dma_semaphore, #tpu.memory_space<semaphore_mem>>)
        %dma_wait3A = tpu.memref_slice %arg7[%mul3A_213] : memref<10000xf32, #tpu.memory_space<vmem_shared>> -> memref<400xf32, #tpu.memory_space<vmem_shared>>
        %dma_wait3A_219 = tpu.memref_slice %arg7[%mul3A_213] : memref<10000xf32, #tpu.memory_space<vmem_shared>> -> memref<400xf32, #tpu.memory_space<vmem_shared>>
        tpu.wait_dma2 semaphore(%run_scoped3A_217 : memref<!tpu.dma_semaphore, #tpu.memory_space<semaphore_mem>>) src(%dma_wait3A_219 : memref<400xf32, #tpu.memory_space<vmem_shared>>) dst(%arg6 : memref<400xf32, #tpu.memory_space<vmem>>)
        tpu.yield
      }) : () -> ()
      %mul3A_214 = arith.constant 10000 : i32
      %mul3A_215 = arith.muli %arg0, %mul3A_214 : i32
      %add3A_216 = arith.addi %mul3A_215, %mul3A_213 : i32
      "tpu.region"() ({
        %run_scoped3A_217 = tpu.sem_alloc : memref<!tpu.dma_semaphore, #tpu.memory_space<semaphore_mem>>
        %dma_start3A = tpu.memref_slice %arg3[%add3A_216] : memref<20000xf32, #tpu.memory_space<hbm>> -> memref<400xf32, #tpu.memory_space<hbm>>
        %dma_start3A_218 = tpu.memref_slice %arg3[%add3A_216] : memref<20000xf32, #tpu.memory_space<hbm>> -> memref<400xf32, #tpu.memory_space<hbm>>
        tpu.enqueue_dma source(%arg6 : memref<400xf32, #tpu.memory_space<vmem>>) target(%dma_start3A_218 : memref<400xf32, #tpu.memory_space<hbm>>) target_semaphore(%run_scoped3A_217 : memref<!tpu.dma_semaphore, #tpu.memory_space<semaphore_mem>>)
        %dma_wait3A = tpu.memref_slice %arg3[%add3A_216] : memref<20000xf32, #tpu.memory_space<hbm>> -> memref<400xf32, #tpu.memory_space<hbm>>
        %dma_wait3A_219 = tpu.memref_slice %arg3[%add3A_216] : memref<20000xf32, #tpu.memory_space<hbm>> -> memref<400xf32, #tpu.memory_space<hbm>>
        tpu.wait_dma2 semaphore(%run_scoped3A_217 : memref<!tpu.dma_semaphore, #tpu.memory_space<semaphore_mem>>) src(%arg6 : memref<400xf32, #tpu.memory_space<vmem>>) dst(%dma_wait3A_219 : memref<400xf32, #tpu.memory_space<hbm>>)
        tpu.yield
      }) : () -> ()
    } else {
    }
    %add3A_205 = arith.constant 16 : i32
    %add3A_206 = arith.addi %arg1, %add3A_205 : i32
    %lt3A_207 = arith.constant 25 : i32
    %lt3A_208 = arith.cmpi slt, %add3A_206, %lt3A_207 : i32
    %convert_element_type3A_209 = arith.extui %lt3A_208 : i1 to i32
    %cond3A_210 = arith.constant 0 : i32
    %cond3A_211 = arith.cmpi ne, %convert_element_type3A_209, %cond3A_210 : i32
    scf.if %cond3A_211 {
      %mul3A_212 = arith.constant 400 : i32
      %mul3A_213 = arith.muli %add3A_206, %mul3A_212 : i32
      "tpu.region"() ({
        %run_scoped3A_217 = tpu.sem_alloc : memref<!tpu.dma_semaphore, #tpu.memory_space<semaphore_mem>>
        %dma_start3A = tpu.memref_slice %arg7[%mul3A_213] : memref<10000xf32, #tpu.memory_space<vmem_shared>> -> memref<400xf32, #tpu.memory_space<vmem_shared>>
        %dma_start3A_218 = tpu.memref_slice %arg7[%mul3A_213] : memref<10000xf32, #tpu.memory_space<vmem_shared>> -> memref<400xf32, #tpu.memory_space<vmem_shared>>
        tpu.enqueue_dma source(%dma_start3A_218 : memref<400xf32, #tpu.memory_space<vmem_shared>>) target(%arg6 : memref<400xf32, #tpu.memory_space<vmem>>) target_semaphore(%run_scoped3A_217 : memref<!tpu.dma_semaphore, #tpu.memory_space<semaphore_mem>>)
        %dma_wait3A = tpu.memref_slice %arg7[%mul3A_213] : memref<10000xf32, #tpu.memory_space<vmem_shared>> -> memref<400xf32, #tpu.memory_space<vmem_shared>>
        %dma_wait3A_219 = tpu.memref_slice %arg7[%mul3A_213] : memref<10000xf32, #tpu.memory_space<vmem_shared>> -> memref<400xf32, #tpu.memory_space<vmem_shared>>
        tpu.wait_dma2 semaphore(%run_scoped3A_217 : memref<!tpu.dma_semaphore, #tpu.memory_space<semaphore_mem>>) src(%dma_wait3A_219 : memref<400xf32, #tpu.memory_space<vmem_shared>>) dst(%arg6 : memref<400xf32, #tpu.memory_space<vmem>>)
        tpu.yield
      }) : () -> ()
      %mul3A_214 = arith.constant 10000 : i32
      %mul3A_215 = arith.muli %arg0, %mul3A_214 : i32
      %add3A_216 = arith.addi %mul3A_215, %mul3A_213 : i32
      "tpu.region"() ({
        %run_scoped3A_217 = tpu.sem_alloc : memref<!tpu.dma_semaphore, #tpu.memory_space<semaphore_mem>>
        %dma_start3A = tpu.memref_slice %arg3[%add3A_216] : memref<20000xf32, #tpu.memory_space<hbm>> -> memref<400xf32, #tpu.memory_space<hbm>>
        %dma_start3A_218 = tpu.memref_slice %arg3[%add3A_216] : memref<20000xf32, #tpu.memory_space<hbm>> -> memref<400xf32, #tpu.memory_space<hbm>>
        tpu.enqueue_dma source(%arg6 : memref<400xf32, #tpu.memory_space<vmem>>) target(%dma_start3A_218 : memref<400xf32, #tpu.memory_space<hbm>>) target_semaphore(%run_scoped3A_217 : memref<!tpu.dma_semaphore, #tpu.memory_space<semaphore_mem>>)
        %dma_wait3A = tpu.memref_slice %arg3[%add3A_216] : memref<20000xf32, #tpu.memory_space<hbm>> -> memref<400xf32, #tpu.memory_space<hbm>>
        %dma_wait3A_219 = tpu.memref_slice %arg3[%add3A_216] : memref<20000xf32, #tpu.memory_space<hbm>> -> memref<400xf32, #tpu.memory_space<hbm>>
        tpu.wait_dma2 semaphore(%run_scoped3A_217 : memref<!tpu.dma_semaphore, #tpu.memory_space<semaphore_mem>>) src(%arg6 : memref<400xf32, #tpu.memory_space<vmem>>) dst(%dma_wait3A_219 : memref<400xf32, #tpu.memory_space<hbm>>)
        tpu.yield
      }) : () -> ()
    } else {
    }
    return
  }
}

#map = affine_map<(d0, d1) -> (0, 0)>
#map1 = affine_map<(d0, d1) -> (0, 0, 0)>
module attributes {stable_mosaic.version = 14 : i64} {
  func.func @_agg_partials(%arg0: i32, %arg1: i32, %arg2: memref<10000x64xf32, #tpu.memory_space<hbm>>, %arg3: memref<2x4000x80xi32, #tpu.memory_space<hbm>>, %arg4: memref<2x10000x64xf32, #tpu.memory_space<hbm>>, %arg5: memref<125x80xi32, #tpu.memory_space<vmem>>, %arg6: memref<125x80xi32, #tpu.memory_space<vmem>>, %arg7: memref<80x64xf32, #tpu.memory_space<vmem>>, %arg8: memref<80x64xf32, #tpu.memory_space<vmem>>, %arg9: memref<80x64xf32, #tpu.memory_space<vmem>>, %arg10: memref<80x64xf32, #tpu.memory_space<vmem>>, %arg11: memref<80x64xf32, #tpu.memory_space<vmem>>, %arg12: memref<400x64xf32, #tpu.memory_space<vmem>>, %arg13: memref<10000x64xf32, #tpu.memory_space<vmem_shared>>, %arg14: memref<!tpu.dma_semaphore, #tpu.memory_space<semaphore_mem>>, %arg15: memref<!tpu.dma_semaphore, #tpu.memory_space<semaphore_mem>>, %arg16: memref<!tpu.dma_semaphore, #tpu.memory_space<semaphore_mem>>, %arg17: memref<!tpu.dma_semaphore, #tpu.memory_space<semaphore_mem>>, %arg18: memref<!tpu.dma_semaphore, #tpu.memory_space<semaphore_mem>>) attributes {dimension_semantics = [#tpu.dimension_semantics<core_parallel>, #tpu.dimension_semantics<subcore_parallel>], iteration_bounds = array<i64: 2, 16>, scalar_prefetch = 0 : i64, scratch_operands = 14 : i64, tpu.core_type = #tpu.core_type<sc_vector_subcore>, window_params = [{transform_indices = #map}, {transform_indices = #map1}, {transform_indices = #map1}]} {
    %add3A = arith.constant 0 : i32
    %add3A_0 = arith.addi %arg1, %add3A : i32
    %lt3A = arith.constant 25 : i32
    %lt3A_1 = arith.cmpi slt, %add3A_0, %lt3A : i32
    %convert_element_type3A = arith.extui %lt3A_1 : i1 to i32
    %cond3A = arith.constant 0 : i32
    %cond3A_2 = arith.cmpi ne, %convert_element_type3A, %cond3A : i32
    scf.if %cond3A_2 {
      %mul3A_69 = arith.constant 400 : i32
      %mul3A_70 = arith.muli %add3A_0, %mul3A_69 : i32
      "tpu.region"() ({
        %run_scoped3A_71 = tpu.sem_alloc : memref<!tpu.dma_semaphore, #tpu.memory_space<semaphore_mem>>
        %dma_start3A_72 = arith.constant 0 : i32
        %dma_start3A_73 = tpu.memref_slice %arg2[%mul3A_70, %dma_start3A_72] : memref<10000x64xf32, #tpu.memory_space<hbm>> -> memref<400x64xf32, #tpu.memory_space<hbm>>
        %dma_start3A_74 = arith.constant 0 : i32
        %dma_start3A_75 = tpu.memref_slice %arg2[%mul3A_70, %dma_start3A_74] : memref<10000x64xf32, #tpu.memory_space<hbm>> -> memref<400x64xf32, #tpu.memory_space<hbm>>
        tpu.enqueue_dma source(%dma_start3A_75 : memref<400x64xf32, #tpu.memory_space<hbm>>) target(%arg12 : memref<400x64xf32, #tpu.memory_space<vmem>>) target_semaphore(%run_scoped3A_71 : memref<!tpu.dma_semaphore, #tpu.memory_space<semaphore_mem>>)
        %dma_wait3A = arith.constant 0 : i32
        %dma_wait3A_76 = tpu.memref_slice %arg2[%mul3A_70, %dma_wait3A] : memref<10000x64xf32, #tpu.memory_space<hbm>> -> memref<400x64xf32, #tpu.memory_space<hbm>>
        %dma_wait3A_77 = arith.constant 0 : i32
        %dma_wait3A_78 = tpu.memref_slice %arg2[%mul3A_70, %dma_wait3A_77] : memref<10000x64xf32, #tpu.memory_space<hbm>> -> memref<400x64xf32, #tpu.memory_space<hbm>>
        tpu.wait_dma2 semaphore(%run_scoped3A_71 : memref<!tpu.dma_semaphore, #tpu.memory_space<semaphore_mem>>) src(%dma_wait3A_78 : memref<400x64xf32, #tpu.memory_space<hbm>>) dst(%arg12 : memref<400x64xf32, #tpu.memory_space<vmem>>)
        tpu.yield
      }) : () -> ()
      "tpu.region"() ({
        %run_scoped3A_71 = tpu.sem_alloc : memref<!tpu.dma_semaphore, #tpu.memory_space<semaphore_mem>>
        %dma_start3A_72 = arith.constant 0 : i32
        %dma_start3A_73 = tpu.memref_slice %arg13[%mul3A_70, %dma_start3A_72] : memref<10000x64xf32, #tpu.memory_space<vmem_shared>> -> memref<400x64xf32, #tpu.memory_space<vmem_shared>>
        %dma_start3A_74 = arith.constant 0 : i32
        %dma_start3A_75 = tpu.memref_slice %arg13[%mul3A_70, %dma_start3A_74] : memref<10000x64xf32, #tpu.memory_space<vmem_shared>> -> memref<400x64xf32, #tpu.memory_space<vmem_shared>>
        tpu.enqueue_dma source(%arg12 : memref<400x64xf32, #tpu.memory_space<vmem>>) target(%dma_start3A_75 : memref<400x64xf32, #tpu.memory_space<vmem_shared>>) target_semaphore(%run_scoped3A_71 : memref<!tpu.dma_semaphore, #tpu.memory_space<semaphore_mem>>)
        %dma_wait3A = arith.constant 0 : i32
        %dma_wait3A_76 = tpu.memref_slice %arg13[%mul3A_70, %dma_wait3A] : memref<10000x64xf32, #tpu.memory_space<vmem_shared>> -> memref<400x64xf32, #tpu.memory_space<vmem_shared>>
        %dma_wait3A_77 = arith.constant 0 : i32
        %dma_wait3A_78 = tpu.memref_slice %arg13[%mul3A_70, %dma_wait3A_77] : memref<10000x64xf32, #tpu.memory_space<vmem_shared>> -> memref<400x64xf32, #tpu.memory_space<vmem_shared>>
        tpu.wait_dma2 semaphore(%run_scoped3A_71 : memref<!tpu.dma_semaphore, #tpu.memory_space<semaphore_mem>>) src(%arg12 : memref<400x64xf32, #tpu.memory_space<vmem>>) dst(%dma_wait3A_78 : memref<400x64xf32, #tpu.memory_space<vmem_shared>>)
        tpu.yield
      }) : () -> ()
    } else {
    }
    %add3A_3 = arith.constant 16 : i32
    %add3A_4 = arith.addi %arg1, %add3A_3 : i32
    %lt3A_5 = arith.constant 25 : i32
    %lt3A_6 = arith.cmpi slt, %add3A_4, %lt3A_5 : i32
    %convert_element_type3A_7 = arith.extui %lt3A_6 : i1 to i32
    %cond3A_8 = arith.constant 0 : i32
    %cond3A_9 = arith.cmpi ne, %convert_element_type3A_7, %cond3A_8 : i32
    scf.if %cond3A_9 {
      %mul3A_69 = arith.constant 400 : i32
      %mul3A_70 = arith.muli %add3A_4, %mul3A_69 : i32
      "tpu.region"() ({
        %run_scoped3A_71 = tpu.sem_alloc : memref<!tpu.dma_semaphore, #tpu.memory_space<semaphore_mem>>
        %dma_start3A_72 = arith.constant 0 : i32
        %dma_start3A_73 = tpu.memref_slice %arg2[%mul3A_70, %dma_start3A_72] : memref<10000x64xf32, #tpu.memory_space<hbm>> -> memref<400x64xf32, #tpu.memory_space<hbm>>
        %dma_start3A_74 = arith.constant 0 : i32
        %dma_start3A_75 = tpu.memref_slice %arg2[%mul3A_70, %dma_start3A_74] : memref<10000x64xf32, #tpu.memory_space<hbm>> -> memref<400x64xf32, #tpu.memory_space<hbm>>
        tpu.enqueue_dma source(%dma_start3A_75 : memref<400x64xf32, #tpu.memory_space<hbm>>) target(%arg12 : memref<400x64xf32, #tpu.memory_space<vmem>>) target_semaphore(%run_scoped3A_71 : memref<!tpu.dma_semaphore, #tpu.memory_space<semaphore_mem>>)
        %dma_wait3A = arith.constant 0 : i32
        %dma_wait3A_76 = tpu.memref_slice %arg2[%mul3A_70, %dma_wait3A] : memref<10000x64xf32, #tpu.memory_space<hbm>> -> memref<400x64xf32, #tpu.memory_space<hbm>>
        %dma_wait3A_77 = arith.constant 0 : i32
        %dma_wait3A_78 = tpu.memref_slice %arg2[%mul3A_70, %dma_wait3A_77] : memref<10000x64xf32, #tpu.memory_space<hbm>> -> memref<400x64xf32, #tpu.memory_space<hbm>>
        tpu.wait_dma2 semaphore(%run_scoped3A_71 : memref<!tpu.dma_semaphore, #tpu.memory_space<semaphore_mem>>) src(%dma_wait3A_78 : memref<400x64xf32, #tpu.memory_space<hbm>>) dst(%arg12 : memref<400x64xf32, #tpu.memory_space<vmem>>)
        tpu.yield
      }) : () -> ()
      "tpu.region"() ({
        %run_scoped3A_71 = tpu.sem_alloc : memref<!tpu.dma_semaphore, #tpu.memory_space<semaphore_mem>>
        %dma_start3A_72 = arith.constant 0 : i32
        %dma_start3A_73 = tpu.memref_slice %arg13[%mul3A_70, %dma_start3A_72] : memref<10000x64xf32, #tpu.memory_space<vmem_shared>> -> memref<400x64xf32, #tpu.memory_space<vmem_shared>>
        %dma_start3A_74 = arith.constant 0 : i32
        %dma_start3A_75 = tpu.memref_slice %arg13[%mul3A_70, %dma_start3A_74] : memref<10000x64xf32, #tpu.memory_space<vmem_shared>> -> memref<400x64xf32, #tpu.memory_space<vmem_shared>>
        tpu.enqueue_dma source(%arg12 : memref<400x64xf32, #tpu.memory_space<vmem>>) target(%dma_start3A_75 : memref<400x64xf32, #tpu.memory_space<vmem_shared>>) target_semaphore(%run_scoped3A_71 : memref<!tpu.dma_semaphore, #tpu.memory_space<semaphore_mem>>)
        %dma_wait3A = arith.constant 0 : i32
        %dma_wait3A_76 = tpu.memref_slice %arg13[%mul3A_70, %dma_wait3A] : memref<10000x64xf32, #tpu.memory_space<vmem_shared>> -> memref<400x64xf32, #tpu.memory_space<vmem_shared>>
        %dma_wait3A_77 = arith.constant 0 : i32
        %dma_wait3A_78 = tpu.memref_slice %arg13[%mul3A_70, %dma_wait3A_77] : memref<10000x64xf32, #tpu.memory_space<vmem_shared>> -> memref<400x64xf32, #tpu.memory_space<vmem_shared>>
        tpu.wait_dma2 semaphore(%run_scoped3A_71 : memref<!tpu.dma_semaphore, #tpu.memory_space<semaphore_mem>>) src(%arg12 : memref<400x64xf32, #tpu.memory_space<vmem>>) dst(%dma_wait3A_78 : memref<400x64xf32, #tpu.memory_space<vmem_shared>>)
        tpu.yield
      }) : () -> ()
    } else {
    }
    %mul3A = arith.constant 16 : i32
    %mul3A_10 = arith.muli %arg0, %mul3A : i32
    %add3A_11 = arith.addi %mul3A_10, %arg1 : i32
    %mul3A_12 = arith.constant 125 : i32
    %mul3A_13 = arith.muli %add3A_11, %mul3A_12 : i32
    %run_scoped3A = arith.constant 0 : i32
    "tpu.region"() ({
      %run_scoped3A_69 = tpu.sem_alloc : memref<!tpu.dma_semaphore, #tpu.memory_space<semaphore_mem>>
      %dma_start3A_70 = arith.constant 0 : i32
      %dma_start3A_71 = tpu.memref_slice %arg3[%run_scoped3A, %mul3A_13, %dma_start3A_70] : memref<2x4000x80xi32, #tpu.memory_space<hbm>> -> memref<1x125x80xi32, #tpu.memory_space<hbm>>
      %dma_start3A_72 = tpu.memref_squeeze %dma_start3A_71 : memref<1x125x80xi32, #tpu.memory_space<hbm>> -> memref<125x80xi32, #tpu.memory_space<hbm>>
      %dma_start3A_73 = arith.constant 0 : i32
      %dma_start3A_74 = tpu.memref_slice %arg3[%run_scoped3A, %mul3A_13, %dma_start3A_73] : memref<2x4000x80xi32, #tpu.memory_space<hbm>> -> memref<1x125x80xi32, #tpu.memory_space<hbm>>
      %dma_start3A_75 = tpu.memref_squeeze %dma_start3A_74 : memref<1x125x80xi32, #tpu.memory_space<hbm>> -> memref<125x80xi32, #tpu.memory_space<hbm>>
      tpu.enqueue_dma source(%dma_start3A_75 : memref<125x80xi32, #tpu.memory_space<hbm>>) target(%arg5 : memref<125x80xi32, #tpu.memory_space<vmem>>) target_semaphore(%run_scoped3A_69 : memref<!tpu.dma_semaphore, #tpu.memory_space<semaphore_mem>>)
      %dma_wait3A = arith.constant 0 : i32
      %dma_wait3A_76 = tpu.memref_slice %arg3[%run_scoped3A, %mul3A_13, %dma_wait3A] : memref<2x4000x80xi32, #tpu.memory_space<hbm>> -> memref<1x125x80xi32, #tpu.memory_space<hbm>>
      %dma_wait3A_77 = tpu.memref_squeeze %dma_wait3A_76 : memref<1x125x80xi32, #tpu.memory_space<hbm>> -> memref<125x80xi32, #tpu.memory_space<hbm>>
      %dma_wait3A_78 = arith.constant 0 : i32
      %dma_wait3A_79 = tpu.memref_slice %arg3[%run_scoped3A, %mul3A_13, %dma_wait3A_78] : memref<2x4000x80xi32, #tpu.memory_space<hbm>> -> memref<1x125x80xi32, #tpu.memory_space<hbm>>
      %dma_wait3A_80 = tpu.memref_squeeze %dma_wait3A_79 : memref<1x125x80xi32, #tpu.memory_space<hbm>> -> memref<125x80xi32, #tpu.memory_space<hbm>>
      tpu.wait_dma2 semaphore(%run_scoped3A_69 : memref<!tpu.dma_semaphore, #tpu.memory_space<semaphore_mem>>) src(%dma_wait3A_80 : memref<125x80xi32, #tpu.memory_space<hbm>>) dst(%arg5 : memref<125x80xi32, #tpu.memory_space<vmem>>)
      tpu.yield
    }) : () -> ()
    %run_scoped3A_14 = arith.constant 1 : i32
    "tpu.region"() ({
      %run_scoped3A_69 = tpu.sem_alloc : memref<!tpu.dma_semaphore, #tpu.memory_space<semaphore_mem>>
      %dma_start3A_70 = arith.constant 0 : i32
      %dma_start3A_71 = tpu.memref_slice %arg3[%run_scoped3A_14, %mul3A_13, %dma_start3A_70] : memref<2x4000x80xi32, #tpu.memory_space<hbm>> -> memref<1x125x80xi32, #tpu.memory_space<hbm>>
      %dma_start3A_72 = tpu.memref_squeeze %dma_start3A_71 : memref<1x125x80xi32, #tpu.memory_space<hbm>> -> memref<125x80xi32, #tpu.memory_space<hbm>>
      %dma_start3A_73 = arith.constant 0 : i32
      %dma_start3A_74 = tpu.memref_slice %arg3[%run_scoped3A_14, %mul3A_13, %dma_start3A_73] : memref<2x4000x80xi32, #tpu.memory_space<hbm>> -> memref<1x125x80xi32, #tpu.memory_space<hbm>>
      %dma_start3A_75 = tpu.memref_squeeze %dma_start3A_74 : memref<1x125x80xi32, #tpu.memory_space<hbm>> -> memref<125x80xi32, #tpu.memory_space<hbm>>
      tpu.enqueue_dma source(%dma_start3A_75 : memref<125x80xi32, #tpu.memory_space<hbm>>) target(%arg6 : memref<125x80xi32, #tpu.memory_space<vmem>>) target_semaphore(%run_scoped3A_69 : memref<!tpu.dma_semaphore, #tpu.memory_space<semaphore_mem>>)
      %dma_wait3A = arith.constant 0 : i32
      %dma_wait3A_76 = tpu.memref_slice %arg3[%run_scoped3A_14, %mul3A_13, %dma_wait3A] : memref<2x4000x80xi32, #tpu.memory_space<hbm>> -> memref<1x125x80xi32, #tpu.memory_space<hbm>>
      %dma_wait3A_77 = tpu.memref_squeeze %dma_wait3A_76 : memref<1x125x80xi32, #tpu.memory_space<hbm>> -> memref<125x80xi32, #tpu.memory_space<hbm>>
      %dma_wait3A_78 = arith.constant 0 : i32
      %dma_wait3A_79 = tpu.memref_slice %arg3[%run_scoped3A_14, %mul3A_13, %dma_wait3A_78] : memref<2x4000x80xi32, #tpu.memory_space<hbm>> -> memref<1x125x80xi32, #tpu.memory_space<hbm>>
      %dma_wait3A_80 = tpu.memref_squeeze %dma_wait3A_79 : memref<1x125x80xi32, #tpu.memory_space<hbm>> -> memref<125x80xi32, #tpu.memory_space<hbm>>
      tpu.wait_dma2 semaphore(%run_scoped3A_69 : memref<!tpu.dma_semaphore, #tpu.memory_space<semaphore_mem>>) src(%dma_wait3A_80 : memref<125x80xi32, #tpu.memory_space<hbm>>) dst(%arg6 : memref<125x80xi32, #tpu.memory_space<vmem>>)
      tpu.yield
    }) : () -> ()
    %barrier3A = arith.constant 0 : index
    tpu.barrier barrier_id(%barrier3A)
    %dma_start3A = arith.constant 0 : i32
    %dma_start3A_15 = arith.constant 0 : i32
    %dma_start3A_16 = tpu.memref_slice %arg5[%dma_start3A, %dma_start3A_15] : memref<125x80xi32, #tpu.memory_space<vmem>> -> memref<1x80xi32, #tpu.memory_space<vmem>>
    %dma_start3A_17 = tpu.memref_squeeze %dma_start3A_16 : memref<1x80xi32, #tpu.memory_space<vmem>> -> memref<80xi32, #tpu.memory_space<vmem>>
    %dma_start3A_18 = arith.constant 0 : i32
    %dma_start3A_19 = arith.constant 0 : i32
    %dma_start3A_20 = tpu.memref_slice %arg2[%dma_start3A_18, %dma_start3A_19] : memref<10000x64xf32, #tpu.memory_space<hbm>> -> memref<10000x64xf32, #tpu.memory_space<hbm>>
    tpu.enqueue_indirect_dma source(%dma_start3A_20 : memref<10000x64xf32, #tpu.memory_space<hbm>>) target(%arg7 : memref<80x64xf32, #tpu.memory_space<vmem>>) offsets(%dma_start3A_17 : memref<80xi32, #tpu.memory_space<vmem>>) semaphore(%arg14 : memref<!tpu.dma_semaphore, #tpu.memory_space<semaphore_mem>>)
    %dma_start3A_21 = arith.constant 1 : i32
    %dma_start3A_22 = arith.constant 0 : i32
    %dma_start3A_23 = tpu.memref_slice %arg5[%dma_start3A_21, %dma_start3A_22] : memref<125x80xi32, #tpu.memory_space<vmem>> -> memref<1x80xi32, #tpu.memory_space<vmem>>
    %dma_start3A_24 = tpu.memref_squeeze %dma_start3A_23 : memref<1x80xi32, #tpu.memory_space<vmem>> -> memref<80xi32, #tpu.memory_space<vmem>>
    %dma_start3A_25 = arith.constant 0 : i32
    %dma_start3A_26 = arith.constant 0 : i32
    %dma_start3A_27 = tpu.memref_slice %arg2[%dma_start3A_25, %dma_start3A_26] : memref<10000x64xf32, #tpu.memory_space<hbm>> -> memref<10000x64xf32, #tpu.memory_space<hbm>>
    tpu.enqueue_indirect_dma source(%dma_start3A_27 : memref<10000x64xf32, #tpu.memory_space<hbm>>) target(%arg8 : memref<80x64xf32, #tpu.memory_space<vmem>>) offsets(%dma_start3A_24 : memref<80xi32, #tpu.memory_space<vmem>>) semaphore(%arg15 : memref<!tpu.dma_semaphore, #tpu.memory_space<semaphore_mem>>)
    %dma_start3A_28 = arith.constant 2 : i32
    %dma_start3A_29 = arith.constant 0 : i32
    %dma_start3A_30 = tpu.memref_slice %arg5[%dma_start3A_28, %dma_start3A_29] : memref<125x80xi32, #tpu.memory_space<vmem>> -> memref<1x80xi32, #tpu.memory_space<vmem>>
    %dma_start3A_31 = tpu.memref_squeeze %dma_start3A_30 : memref<1x80xi32, #tpu.memory_space<vmem>> -> memref<80xi32, #tpu.memory_space<vmem>>
    %dma_start3A_32 = arith.constant 0 : i32
    %dma_start3A_33 = arith.constant 0 : i32
    %dma_start3A_34 = tpu.memref_slice %arg2[%dma_start3A_32, %dma_start3A_33] : memref<10000x64xf32, #tpu.memory_space<hbm>> -> memref<10000x64xf32, #tpu.memory_space<hbm>>
    tpu.enqueue_indirect_dma source(%dma_start3A_34 : memref<10000x64xf32, #tpu.memory_space<hbm>>) target(%arg9 : memref<80x64xf32, #tpu.memory_space<vmem>>) offsets(%dma_start3A_31 : memref<80xi32, #tpu.memory_space<vmem>>) semaphore(%arg16 : memref<!tpu.dma_semaphore, #tpu.memory_space<semaphore_mem>>)
    %dma_start3A_35 = arith.constant 3 : i32
    %dma_start3A_36 = arith.constant 0 : i32
    %dma_start3A_37 = tpu.memref_slice %arg5[%dma_start3A_35, %dma_start3A_36] : memref<125x80xi32, #tpu.memory_space<vmem>> -> memref<1x80xi32, #tpu.memory_space<vmem>>
    %dma_start3A_38 = tpu.memref_squeeze %dma_start3A_37 : memref<1x80xi32, #tpu.memory_space<vmem>> -> memref<80xi32, #tpu.memory_space<vmem>>
    %dma_start3A_39 = arith.constant 0 : i32
    %dma_start3A_40 = arith.constant 0 : i32
    %dma_start3A_41 = tpu.memref_slice %arg2[%dma_start3A_39, %dma_start3A_40] : memref<10000x64xf32, #tpu.memory_space<hbm>> -> memref<10000x64xf32, #tpu.memory_space<hbm>>
    tpu.enqueue_indirect_dma source(%dma_start3A_41 : memref<10000x64xf32, #tpu.memory_space<hbm>>) target(%arg10 : memref<80x64xf32, #tpu.memory_space<vmem>>) offsets(%dma_start3A_38 : memref<80xi32, #tpu.memory_space<vmem>>) semaphore(%arg17 : memref<!tpu.dma_semaphore, #tpu.memory_space<semaphore_mem>>)
    %dma_start3A_42 = arith.constant 4 : i32
    %dma_start3A_43 = arith.constant 0 : i32
    %dma_start3A_44 = tpu.memref_slice %arg5[%dma_start3A_42, %dma_start3A_43] : memref<125x80xi32, #tpu.memory_space<vmem>> -> memref<1x80xi32, #tpu.memory_space<vmem>>
    %dma_start3A_45 = tpu.memref_squeeze %dma_start3A_44 : memref<1x80xi32, #tpu.memory_space<vmem>> -> memref<80xi32, #tpu.memory_space<vmem>>
    %dma_start3A_46 = arith.constant 0 : i32
    %dma_start3A_47 = arith.constant 0 : i32
    %dma_start3A_48 = tpu.memref_slice %arg2[%dma_start3A_46, %dma_start3A_47] : memref<10000x64xf32, #tpu.memory_space<hbm>> -> memref<10000x64xf32, #tpu.memory_space<hbm>>
    tpu.enqueue_indirect_dma source(%dma_start3A_48 : memref<10000x64xf32, #tpu.memory_space<hbm>>) target(%arg11 : memref<80x64xf32, #tpu.memory_space<vmem>>) offsets(%dma_start3A_45 : memref<80xi32, #tpu.memory_space<vmem>>) semaphore(%arg18 : memref<!tpu.dma_semaphore, #tpu.memory_space<semaphore_mem>>)
    %scan3A = arith.constant 0 : i32
    %scan3A_49 = arith.constant 0 : i32
    %scan3A_50 = arith.constant 25 : i32
    %scan3A_51 = arith.addi %scan3A_49, %scan3A_50 : i32
    %scan3A_52 = arith.constant 1 : i32
    scf.for %scan3A_69 = %scan3A_49 to %scan3A_51 step %scan3A_52  : i32 {
      %mul3A_70 = arith.constant 5 : i32
      %mul3A_71 = arith.muli %scan3A_69, %mul3A_70 : i32
      %add3A_72 = arith.constant 0 : i32
      %add3A_73 = arith.addi %mul3A_71, %add3A_72 : i32
      %dma_wait3A = arith.constant 0 : i32
      %dma_wait3A_74 = arith.constant 0 : i32
      %dma_wait3A_75 = tpu.memref_slice %arg5[%dma_wait3A, %dma_wait3A_74] : memref<125x80xi32, #tpu.memory_space<vmem>> -> memref<1x80xi32, #tpu.memory_space<vmem>>
      %dma_wait3A_76 = tpu.memref_squeeze %dma_wait3A_75 : memref<1x80xi32, #tpu.memory_space<vmem>> -> memref<80xi32, #tpu.memory_space<vmem>>
      %dma_wait3A_77 = arith.constant 0 : i32
      %dma_wait3A_78 = arith.constant 0 : i32
      %dma_wait3A_79 = tpu.memref_slice %arg2[%dma_wait3A_77, %dma_wait3A_78] : memref<10000x64xf32, #tpu.memory_space<hbm>> -> memref<10000x64xf32, #tpu.memory_space<hbm>>
      tpu.wait_indirect_dma semaphore(%arg14 : memref<!tpu.dma_semaphore, #tpu.memory_space<semaphore_mem>>) src(%dma_wait3A_79 : memref<10000x64xf32, #tpu.memory_space<hbm>>) dst(%arg7 : memref<80x64xf32, #tpu.memory_space<vmem>>)
      "tpu.region"() ({
        %run_scoped3A_151 = tpu.sem_alloc : memref<!tpu.dma_semaphore, #tpu.memory_space<semaphore_mem>>
        %dma_start3A_152 = arith.constant 0 : i32
        %dma_start3A_153 = tpu.memref_slice %arg6[%add3A_73, %dma_start3A_152] : memref<125x80xi32, #tpu.memory_space<vmem>> -> memref<1x80xi32, #tpu.memory_space<vmem>>
        %dma_start3A_154 = tpu.memref_squeeze %dma_start3A_153 : memref<1x80xi32, #tpu.memory_space<vmem>> -> memref<80xi32, #tpu.memory_space<vmem>>
        %dma_start3A_155 = arith.constant 0 : i32
        %dma_start3A_156 = arith.constant 0 : i32
        %dma_start3A_157 = tpu.memref_slice %arg13[%dma_start3A_155, %dma_start3A_156] : memref<10000x64xf32, #tpu.memory_space<vmem_shared>> -> memref<10000x64xf32, #tpu.memory_space<vmem_shared>>
        tpu.enqueue_indirect_dma source(%arg7 : memref<80x64xf32, #tpu.memory_space<vmem>>) target(%dma_start3A_157 : memref<10000x64xf32, #tpu.memory_space<vmem_shared>>) offsets(%dma_start3A_154 : memref<80xi32, #tpu.memory_space<vmem>>) semaphore(%run_scoped3A_151 : memref<!tpu.dma_semaphore, #tpu.memory_space<semaphore_mem>>) {add = true}
        %dma_wait3A_158 = arith.constant 0 : i32
        %dma_wait3A_159 = tpu.memref_slice %arg6[%add3A_73, %dma_wait3A_158] : memref<125x80xi32, #tpu.memory_space<vmem>> -> memref<1x80xi32, #tpu.memory_space<vmem>>
        %dma_wait3A_160 = tpu.memref_squeeze %dma_wait3A_159 : memref<1x80xi32, #tpu.memory_space<vmem>> -> memref<80xi32, #tpu.memory_space<vmem>>
        %dma_wait3A_161 = arith.constant 0 : i32
        %dma_wait3A_162 = arith.constant 0 : i32
        %dma_wait3A_163 = tpu.memref_slice %arg13[%dma_wait3A_161, %dma_wait3A_162] : memref<10000x64xf32, #tpu.memory_space<vmem_shared>> -> memref<10000x64xf32, #tpu.memory_space<vmem_shared>>
        tpu.wait_indirect_dma semaphore(%run_scoped3A_151 : memref<!tpu.dma_semaphore, #tpu.memory_space<semaphore_mem>>) src(%arg7 : memref<80x64xf32, #tpu.memory_space<vmem>>) dst(%dma_wait3A_163 : memref<10000x64xf32, #tpu.memory_space<vmem_shared>>)
        tpu.yield
      }) : () -> ()
      %add3A_80 = arith.constant 5 : i32
      %add3A_81 = arith.addi %add3A_73, %add3A_80 : i32
      %lt3A_82 = arith.constant 125 : i32
      %lt3A_83 = arith.cmpi slt, %add3A_81, %lt3A_82 : i32
      %convert_element_type3A_84 = arith.extui %lt3A_83 : i1 to i32
      %cond3A_85 = arith.constant 0 : i32
      %cond3A_86 = arith.cmpi ne, %convert_element_type3A_84, %cond3A_85 : i32
      scf.if %cond3A_86 {
        %add3A_151 = arith.constant 5 : i32
        %add3A_152 = arith.addi %add3A_73, %add3A_151 : i32
        %dma_start3A_153 = arith.constant 0 : i32
        %dma_start3A_154 = tpu.memref_slice %arg5[%add3A_152, %dma_start3A_153] : memref<125x80xi32, #tpu.memory_space<vmem>> -> memref<1x80xi32, #tpu.memory_space<vmem>>
        %dma_start3A_155 = tpu.memref_squeeze %dma_start3A_154 : memref<1x80xi32, #tpu.memory_space<vmem>> -> memref<80xi32, #tpu.memory_space<vmem>>
        %dma_start3A_156 = arith.constant 0 : i32
        %dma_start3A_157 = arith.constant 0 : i32
        %dma_start3A_158 = tpu.memref_slice %arg2[%dma_start3A_156, %dma_start3A_157] : memref<10000x64xf32, #tpu.memory_space<hbm>> -> memref<10000x64xf32, #tpu.memory_space<hbm>>
        tpu.enqueue_indirect_dma source(%dma_start3A_158 : memref<10000x64xf32, #tpu.memory_space<hbm>>) target(%arg7 : memref<80x64xf32, #tpu.memory_space<vmem>>) offsets(%dma_start3A_155 : memref<80xi32, #tpu.memory_space<vmem>>) semaphore(%arg14 : memref<!tpu.dma_semaphore, #tpu.memory_space<semaphore_mem>>)
      } else {
      }
      %add3A_87 = arith.constant 1 : i32
      %add3A_88 = arith.addi %mul3A_71, %add3A_87 : i32
      %dma_wait3A_89 = arith.constant 0 : i32
      %dma_wait3A_90 = arith.constant 0 : i32
      %dma_wait3A_91 = tpu.memref_slice %arg5[%dma_wait3A_89, %dma_wait3A_90] : memref<125x80xi32, #tpu.memory_space<vmem>> -> memref<1x80xi32, #tpu.memory_space<vmem>>
      %dma_wait3A_92 = tpu.memref_squeeze %dma_wait3A_91 : memref<1x80xi32, #tpu.memory_space<vmem>> -> memref<80xi32, #tpu.memory_space<vmem>>
      %dma_wait3A_93 = arith.constant 0 : i32
      %dma_wait3A_94 = arith.constant 0 : i32
      %dma_wait3A_95 = tpu.memref_slice %arg2[%dma_wait3A_93, %dma_wait3A_94] : memref<10000x64xf32, #tpu.memory_space<hbm>> -> memref<10000x64xf32, #tpu.memory_space<hbm>>
      tpu.wait_indirect_dma semaphore(%arg15 : memref<!tpu.dma_semaphore, #tpu.memory_space<semaphore_mem>>) src(%dma_wait3A_95 : memref<10000x64xf32, #tpu.memory_space<hbm>>) dst(%arg8 : memref<80x64xf32, #tpu.memory_space<vmem>>)
      "tpu.region"() ({
        %run_scoped3A_151 = tpu.sem_alloc : memref<!tpu.dma_semaphore, #tpu.memory_space<semaphore_mem>>
        %dma_start3A_152 = arith.constant 0 : i32
        %dma_start3A_153 = tpu.memref_slice %arg6[%add3A_88, %dma_start3A_152] : memref<125x80xi32, #tpu.memory_space<vmem>> -> memref<1x80xi32, #tpu.memory_space<vmem>>
        %dma_start3A_154 = tpu.memref_squeeze %dma_start3A_153 : memref<1x80xi32, #tpu.memory_space<vmem>> -> memref<80xi32, #tpu.memory_space<vmem>>
        %dma_start3A_155 = arith.constant 0 : i32
        %dma_start3A_156 = arith.constant 0 : i32
        %dma_start3A_157 = tpu.memref_slice %arg13[%dma_start3A_155, %dma_start3A_156] : memref<10000x64xf32, #tpu.memory_space<vmem_shared>> -> memref<10000x64xf32, #tpu.memory_space<vmem_shared>>
        tpu.enqueue_indirect_dma source(%arg8 : memref<80x64xf32, #tpu.memory_space<vmem>>) target(%dma_start3A_157 : memref<10000x64xf32, #tpu.memory_space<vmem_shared>>) offsets(%dma_start3A_154 : memref<80xi32, #tpu.memory_space<vmem>>) semaphore(%run_scoped3A_151 : memref<!tpu.dma_semaphore, #tpu.memory_space<semaphore_mem>>) {add = true}
        %dma_wait3A_158 = arith.constant 0 : i32
        %dma_wait3A_159 = tpu.memref_slice %arg6[%add3A_88, %dma_wait3A_158] : memref<125x80xi32, #tpu.memory_space<vmem>> -> memref<1x80xi32, #tpu.memory_space<vmem>>
        %dma_wait3A_160 = tpu.memref_squeeze %dma_wait3A_159 : memref<1x80xi32, #tpu.memory_space<vmem>> -> memref<80xi32, #tpu.memory_space<vmem>>
        %dma_wait3A_161 = arith.constant 0 : i32
        %dma_wait3A_162 = arith.constant 0 : i32
        %dma_wait3A_163 = tpu.memref_slice %arg13[%dma_wait3A_161, %dma_wait3A_162] : memref<10000x64xf32, #tpu.memory_space<vmem_shared>> -> memref<10000x64xf32, #tpu.memory_space<vmem_shared>>
        tpu.wait_indirect_dma semaphore(%run_scoped3A_151 : memref<!tpu.dma_semaphore, #tpu.memory_space<semaphore_mem>>) src(%arg8 : memref<80x64xf32, #tpu.memory_space<vmem>>) dst(%dma_wait3A_163 : memref<10000x64xf32, #tpu.memory_space<vmem_shared>>)
        tpu.yield
      }) : () -> ()
      %add3A_96 = arith.constant 5 : i32
      %add3A_97 = arith.addi %add3A_88, %add3A_96 : i32
      %lt3A_98 = arith.constant 125 : i32
      %lt3A_99 = arith.cmpi slt, %add3A_97, %lt3A_98 : i32
      %convert_element_type3A_100 = arith.extui %lt3A_99 : i1 to i32
      %cond3A_101 = arith.constant 0 : i32
      %cond3A_102 = arith.cmpi ne, %convert_element_type3A_100, %cond3A_101 : i32
      scf.if %cond3A_102 {
        %add3A_151 = arith.constant 5 : i32
        %add3A_152 = arith.addi %add3A_88, %add3A_151 : i32
        %dma_start3A_153 = arith.constant 0 : i32
        %dma_start3A_154 = tpu.memref_slice %arg5[%add3A_152, %dma_start3A_153] : memref<125x80xi32, #tpu.memory_space<vmem>> -> memref<1x80xi32, #tpu.memory_space<vmem>>
        %dma_start3A_155 = tpu.memref_squeeze %dma_start3A_154 : memref<1x80xi32, #tpu.memory_space<vmem>> -> memref<80xi32, #tpu.memory_space<vmem>>
        %dma_start3A_156 = arith.constant 0 : i32
        %dma_start3A_157 = arith.constant 0 : i32
        %dma_start3A_158 = tpu.memref_slice %arg2[%dma_start3A_156, %dma_start3A_157] : memref<10000x64xf32, #tpu.memory_space<hbm>> -> memref<10000x64xf32, #tpu.memory_space<hbm>>
        tpu.enqueue_indirect_dma source(%dma_start3A_158 : memref<10000x64xf32, #tpu.memory_space<hbm>>) target(%arg8 : memref<80x64xf32, #tpu.memory_space<vmem>>) offsets(%dma_start3A_155 : memref<80xi32, #tpu.memory_space<vmem>>) semaphore(%arg15 : memref<!tpu.dma_semaphore, #tpu.memory_space<semaphore_mem>>)
      } else {
      }
      %add3A_103 = arith.constant 2 : i32
      %add3A_104 = arith.addi %mul3A_71, %add3A_103 : i32
      %dma_wait3A_105 = arith.constant 0 : i32
      %dma_wait3A_106 = arith.constant 0 : i32
      %dma_wait3A_107 = tpu.memref_slice %arg5[%dma_wait3A_105, %dma_wait3A_106] : memref<125x80xi32, #tpu.memory_space<vmem>> -> memref<1x80xi32, #tpu.memory_space<vmem>>
      %dma_wait3A_108 = tpu.memref_squeeze %dma_wait3A_107 : memref<1x80xi32, #tpu.memory_space<vmem>> -> memref<80xi32, #tpu.memory_space<vmem>>
      %dma_wait3A_109 = arith.constant 0 : i32
      %dma_wait3A_110 = arith.constant 0 : i32
      %dma_wait3A_111 = tpu.memref_slice %arg2[%dma_wait3A_109, %dma_wait3A_110] : memref<10000x64xf32, #tpu.memory_space<hbm>> -> memref<10000x64xf32, #tpu.memory_space<hbm>>
      tpu.wait_indirect_dma semaphore(%arg16 : memref<!tpu.dma_semaphore, #tpu.memory_space<semaphore_mem>>) src(%dma_wait3A_111 : memref<10000x64xf32, #tpu.memory_space<hbm>>) dst(%arg9 : memref<80x64xf32, #tpu.memory_space<vmem>>)
      "tpu.region"() ({
        %run_scoped3A_151 = tpu.sem_alloc : memref<!tpu.dma_semaphore, #tpu.memory_space<semaphore_mem>>
        %dma_start3A_152 = arith.constant 0 : i32
        %dma_start3A_153 = tpu.memref_slice %arg6[%add3A_104, %dma_start3A_152] : memref<125x80xi32, #tpu.memory_space<vmem>> -> memref<1x80xi32, #tpu.memory_space<vmem>>
        %dma_start3A_154 = tpu.memref_squeeze %dma_start3A_153 : memref<1x80xi32, #tpu.memory_space<vmem>> -> memref<80xi32, #tpu.memory_space<vmem>>
        %dma_start3A_155 = arith.constant 0 : i32
        %dma_start3A_156 = arith.constant 0 : i32
        %dma_start3A_157 = tpu.memref_slice %arg13[%dma_start3A_155, %dma_start3A_156] : memref<10000x64xf32, #tpu.memory_space<vmem_shared>> -> memref<10000x64xf32, #tpu.memory_space<vmem_shared>>
        tpu.enqueue_indirect_dma source(%arg9 : memref<80x64xf32, #tpu.memory_space<vmem>>) target(%dma_start3A_157 : memref<10000x64xf32, #tpu.memory_space<vmem_shared>>) offsets(%dma_start3A_154 : memref<80xi32, #tpu.memory_space<vmem>>) semaphore(%run_scoped3A_151 : memref<!tpu.dma_semaphore, #tpu.memory_space<semaphore_mem>>) {add = true}
        %dma_wait3A_158 = arith.constant 0 : i32
        %dma_wait3A_159 = tpu.memref_slice %arg6[%add3A_104, %dma_wait3A_158] : memref<125x80xi32, #tpu.memory_space<vmem>> -> memref<1x80xi32, #tpu.memory_space<vmem>>
        %dma_wait3A_160 = tpu.memref_squeeze %dma_wait3A_159 : memref<1x80xi32, #tpu.memory_space<vmem>> -> memref<80xi32, #tpu.memory_space<vmem>>
        %dma_wait3A_161 = arith.constant 0 : i32
        %dma_wait3A_162 = arith.constant 0 : i32
        %dma_wait3A_163 = tpu.memref_slice %arg13[%dma_wait3A_161, %dma_wait3A_162] : memref<10000x64xf32, #tpu.memory_space<vmem_shared>> -> memref<10000x64xf32, #tpu.memory_space<vmem_shared>>
        tpu.wait_indirect_dma semaphore(%run_scoped3A_151 : memref<!tpu.dma_semaphore, #tpu.memory_space<semaphore_mem>>) src(%arg9 : memref<80x64xf32, #tpu.memory_space<vmem>>) dst(%dma_wait3A_163 : memref<10000x64xf32, #tpu.memory_space<vmem_shared>>)
        tpu.yield
      }) : () -> ()
      %add3A_112 = arith.constant 5 : i32
      %add3A_113 = arith.addi %add3A_104, %add3A_112 : i32
      %lt3A_114 = arith.constant 125 : i32
      %lt3A_115 = arith.cmpi slt, %add3A_113, %lt3A_114 : i32
      %convert_element_type3A_116 = arith.extui %lt3A_115 : i1 to i32
      %cond3A_117 = arith.constant 0 : i32
      %cond3A_118 = arith.cmpi ne, %convert_element_type3A_116, %cond3A_117 : i32
      scf.if %cond3A_118 {
        %add3A_151 = arith.constant 5 : i32
        %add3A_152 = arith.addi %add3A_104, %add3A_151 : i32
        %dma_start3A_153 = arith.constant 0 : i32
        %dma_start3A_154 = tpu.memref_slice %arg5[%add3A_152, %dma_start3A_153] : memref<125x80xi32, #tpu.memory_space<vmem>> -> memref<1x80xi32, #tpu.memory_space<vmem>>
        %dma_start3A_155 = tpu.memref_squeeze %dma_start3A_154 : memref<1x80xi32, #tpu.memory_space<vmem>> -> memref<80xi32, #tpu.memory_space<vmem>>
        %dma_start3A_156 = arith.constant 0 : i32
        %dma_start3A_157 = arith.constant 0 : i32
        %dma_start3A_158 = tpu.memref_slice %arg2[%dma_start3A_156, %dma_start3A_157] : memref<10000x64xf32, #tpu.memory_space<hbm>> -> memref<10000x64xf32, #tpu.memory_space<hbm>>
        tpu.enqueue_indirect_dma source(%dma_start3A_158 : memref<10000x64xf32, #tpu.memory_space<hbm>>) target(%arg9 : memref<80x64xf32, #tpu.memory_space<vmem>>) offsets(%dma_start3A_155 : memref<80xi32, #tpu.memory_space<vmem>>) semaphore(%arg16 : memref<!tpu.dma_semaphore, #tpu.memory_space<semaphore_mem>>)
      } else {
      }
      %add3A_119 = arith.constant 3 : i32
      %add3A_120 = arith.addi %mul3A_71, %add3A_119 : i32
      %dma_wait3A_121 = arith.constant 0 : i32
      %dma_wait3A_122 = arith.constant 0 : i32
      %dma_wait3A_123 = tpu.memref_slice %arg5[%dma_wait3A_121, %dma_wait3A_122] : memref<125x80xi32, #tpu.memory_space<vmem>> -> memref<1x80xi32, #tpu.memory_space<vmem>>
      %dma_wait3A_124 = tpu.memref_squeeze %dma_wait3A_123 : memref<1x80xi32, #tpu.memory_space<vmem>> -> memref<80xi32, #tpu.memory_space<vmem>>
      %dma_wait3A_125 = arith.constant 0 : i32
      %dma_wait3A_126 = arith.constant 0 : i32
      %dma_wait3A_127 = tpu.memref_slice %arg2[%dma_wait3A_125, %dma_wait3A_126] : memref<10000x64xf32, #tpu.memory_space<hbm>> -> memref<10000x64xf32, #tpu.memory_space<hbm>>
      tpu.wait_indirect_dma semaphore(%arg17 : memref<!tpu.dma_semaphore, #tpu.memory_space<semaphore_mem>>) src(%dma_wait3A_127 : memref<10000x64xf32, #tpu.memory_space<hbm>>) dst(%arg10 : memref<80x64xf32, #tpu.memory_space<vmem>>)
      "tpu.region"() ({
        %run_scoped3A_151 = tpu.sem_alloc : memref<!tpu.dma_semaphore, #tpu.memory_space<semaphore_mem>>
        %dma_start3A_152 = arith.constant 0 : i32
        %dma_start3A_153 = tpu.memref_slice %arg6[%add3A_120, %dma_start3A_152] : memref<125x80xi32, #tpu.memory_space<vmem>> -> memref<1x80xi32, #tpu.memory_space<vmem>>
        %dma_start3A_154 = tpu.memref_squeeze %dma_start3A_153 : memref<1x80xi32, #tpu.memory_space<vmem>> -> memref<80xi32, #tpu.memory_space<vmem>>
        %dma_start3A_155 = arith.constant 0 : i32
        %dma_start3A_156 = arith.constant 0 : i32
        %dma_start3A_157 = tpu.memref_slice %arg13[%dma_start3A_155, %dma_start3A_156] : memref<10000x64xf32, #tpu.memory_space<vmem_shared>> -> memref<10000x64xf32, #tpu.memory_space<vmem_shared>>
        tpu.enqueue_indirect_dma source(%arg10 : memref<80x64xf32, #tpu.memory_space<vmem>>) target(%dma_start3A_157 : memref<10000x64xf32, #tpu.memory_space<vmem_shared>>) offsets(%dma_start3A_154 : memref<80xi32, #tpu.memory_space<vmem>>) semaphore(%run_scoped3A_151 : memref<!tpu.dma_semaphore, #tpu.memory_space<semaphore_mem>>) {add = true}
        %dma_wait3A_158 = arith.constant 0 : i32
        %dma_wait3A_159 = tpu.memref_slice %arg6[%add3A_120, %dma_wait3A_158] : memref<125x80xi32, #tpu.memory_space<vmem>> -> memref<1x80xi32, #tpu.memory_space<vmem>>
        %dma_wait3A_160 = tpu.memref_squeeze %dma_wait3A_159 : memref<1x80xi32, #tpu.memory_space<vmem>> -> memref<80xi32, #tpu.memory_space<vmem>>
        %dma_wait3A_161 = arith.constant 0 : i32
        %dma_wait3A_162 = arith.constant 0 : i32
        %dma_wait3A_163 = tpu.memref_slice %arg13[%dma_wait3A_161, %dma_wait3A_162] : memref<10000x64xf32, #tpu.memory_space<vmem_shared>> -> memref<10000x64xf32, #tpu.memory_space<vmem_shared>>
        tpu.wait_indirect_dma semaphore(%run_scoped3A_151 : memref<!tpu.dma_semaphore, #tpu.memory_space<semaphore_mem>>) src(%arg10 : memref<80x64xf32, #tpu.memory_space<vmem>>) dst(%dma_wait3A_163 : memref<10000x64xf32, #tpu.memory_space<vmem_shared>>)
        tpu.yield
      }) : () -> ()
      %add3A_128 = arith.constant 5 : i32
      %add3A_129 = arith.addi %add3A_120, %add3A_128 : i32
      %lt3A_130 = arith.constant 125 : i32
      %lt3A_131 = arith.cmpi slt, %add3A_129, %lt3A_130 : i32
      %convert_element_type3A_132 = arith.extui %lt3A_131 : i1 to i32
      %cond3A_133 = arith.constant 0 : i32
      %cond3A_134 = arith.cmpi ne, %convert_element_type3A_132, %cond3A_133 : i32
      scf.if %cond3A_134 {
        %add3A_151 = arith.constant 5 : i32
        %add3A_152 = arith.addi %add3A_120, %add3A_151 : i32
        %dma_start3A_153 = arith.constant 0 : i32
        %dma_start3A_154 = tpu.memref_slice %arg5[%add3A_152, %dma_start3A_153] : memref<125x80xi32, #tpu.memory_space<vmem>> -> memref<1x80xi32, #tpu.memory_space<vmem>>
        %dma_start3A_155 = tpu.memref_squeeze %dma_start3A_154 : memref<1x80xi32, #tpu.memory_space<vmem>> -> memref<80xi32, #tpu.memory_space<vmem>>
        %dma_start3A_156 = arith.constant 0 : i32
        %dma_start3A_157 = arith.constant 0 : i32
        %dma_start3A_158 = tpu.memref_slice %arg2[%dma_start3A_156, %dma_start3A_157] : memref<10000x64xf32, #tpu.memory_space<hbm>> -> memref<10000x64xf32, #tpu.memory_space<hbm>>
        tpu.enqueue_indirect_dma source(%dma_start3A_158 : memref<10000x64xf32, #tpu.memory_space<hbm>>) target(%arg10 : memref<80x64xf32, #tpu.memory_space<vmem>>) offsets(%dma_start3A_155 : memref<80xi32, #tpu.memory_space<vmem>>) semaphore(%arg17 : memref<!tpu.dma_semaphore, #tpu.memory_space<semaphore_mem>>)
      } else {
      }
      %add3A_135 = arith.constant 4 : i32
      %add3A_136 = arith.addi %mul3A_71, %add3A_135 : i32
      %dma_wait3A_137 = arith.constant 0 : i32
      %dma_wait3A_138 = arith.constant 0 : i32
      %dma_wait3A_139 = tpu.memref_slice %arg5[%dma_wait3A_137, %dma_wait3A_138] : memref<125x80xi32, #tpu.memory_space<vmem>> -> memref<1x80xi32, #tpu.memory_space<vmem>>
      %dma_wait3A_140 = tpu.memref_squeeze %dma_wait3A_139 : memref<1x80xi32, #tpu.memory_space<vmem>> -> memref<80xi32, #tpu.memory_space<vmem>>
      %dma_wait3A_141 = arith.constant 0 : i32
      %dma_wait3A_142 = arith.constant 0 : i32
      %dma_wait3A_143 = tpu.memref_slice %arg2[%dma_wait3A_141, %dma_wait3A_142] : memref<10000x64xf32, #tpu.memory_space<hbm>> -> memref<10000x64xf32, #tpu.memory_space<hbm>>
      tpu.wait_indirect_dma semaphore(%arg18 : memref<!tpu.dma_semaphore, #tpu.memory_space<semaphore_mem>>) src(%dma_wait3A_143 : memref<10000x64xf32, #tpu.memory_space<hbm>>) dst(%arg11 : memref<80x64xf32, #tpu.memory_space<vmem>>)
      "tpu.region"() ({
        %run_scoped3A_151 = tpu.sem_alloc : memref<!tpu.dma_semaphore, #tpu.memory_space<semaphore_mem>>
        %dma_start3A_152 = arith.constant 0 : i32
        %dma_start3A_153 = tpu.memref_slice %arg6[%add3A_136, %dma_start3A_152] : memref<125x80xi32, #tpu.memory_space<vmem>> -> memref<1x80xi32, #tpu.memory_space<vmem>>
        %dma_start3A_154 = tpu.memref_squeeze %dma_start3A_153 : memref<1x80xi32, #tpu.memory_space<vmem>> -> memref<80xi32, #tpu.memory_space<vmem>>
        %dma_start3A_155 = arith.constant 0 : i32
        %dma_start3A_156 = arith.constant 0 : i32
        %dma_start3A_157 = tpu.memref_slice %arg13[%dma_start3A_155, %dma_start3A_156] : memref<10000x64xf32, #tpu.memory_space<vmem_shared>> -> memref<10000x64xf32, #tpu.memory_space<vmem_shared>>
        tpu.enqueue_indirect_dma source(%arg11 : memref<80x64xf32, #tpu.memory_space<vmem>>) target(%dma_start3A_157 : memref<10000x64xf32, #tpu.memory_space<vmem_shared>>) offsets(%dma_start3A_154 : memref<80xi32, #tpu.memory_space<vmem>>) semaphore(%run_scoped3A_151 : memref<!tpu.dma_semaphore, #tpu.memory_space<semaphore_mem>>) {add = true}
        %dma_wait3A_158 = arith.constant 0 : i32
        %dma_wait3A_159 = tpu.memref_slice %arg6[%add3A_136, %dma_wait3A_158] : memref<125x80xi32, #tpu.memory_space<vmem>> -> memref<1x80xi32, #tpu.memory_space<vmem>>
        %dma_wait3A_160 = tpu.memref_squeeze %dma_wait3A_159 : memref<1x80xi32, #tpu.memory_space<vmem>> -> memref<80xi32, #tpu.memory_space<vmem>>
        %dma_wait3A_161 = arith.constant 0 : i32
        %dma_wait3A_162 = arith.constant 0 : i32
        %dma_wait3A_163 = tpu.memref_slice %arg13[%dma_wait3A_161, %dma_wait3A_162] : memref<10000x64xf32, #tpu.memory_space<vmem_shared>> -> memref<10000x64xf32, #tpu.memory_space<vmem_shared>>
        tpu.wait_indirect_dma semaphore(%run_scoped3A_151 : memref<!tpu.dma_semaphore, #tpu.memory_space<semaphore_mem>>) src(%arg11 : memref<80x64xf32, #tpu.memory_space<vmem>>) dst(%dma_wait3A_163 : memref<10000x64xf32, #tpu.memory_space<vmem_shared>>)
        tpu.yield
      }) : () -> ()
      %add3A_144 = arith.constant 5 : i32
      %add3A_145 = arith.addi %add3A_136, %add3A_144 : i32
      %lt3A_146 = arith.constant 125 : i32
      %lt3A_147 = arith.cmpi slt, %add3A_145, %lt3A_146 : i32
      %convert_element_type3A_148 = arith.extui %lt3A_147 : i1 to i32
      %cond3A_149 = arith.constant 0 : i32
      %cond3A_150 = arith.cmpi ne, %convert_element_type3A_148, %cond3A_149 : i32
      scf.if %cond3A_150 {
        %add3A_151 = arith.constant 5 : i32
        %add3A_152 = arith.addi %add3A_136, %add3A_151 : i32
        %dma_start3A_153 = arith.constant 0 : i32
        %dma_start3A_154 = tpu.memref_slice %arg5[%add3A_152, %dma_start3A_153] : memref<125x80xi32, #tpu.memory_space<vmem>> -> memref<1x80xi32, #tpu.memory_space<vmem>>
        %dma_start3A_155 = tpu.memref_squeeze %dma_start3A_154 : memref<1x80xi32, #tpu.memory_space<vmem>> -> memref<80xi32, #tpu.memory_space<vmem>>
        %dma_start3A_156 = arith.constant 0 : i32
        %dma_start3A_157 = arith.constant 0 : i32
        %dma_start3A_158 = tpu.memref_slice %arg2[%dma_start3A_156, %dma_start3A_157] : memref<10000x64xf32, #tpu.memory_space<hbm>> -> memref<10000x64xf32, #tpu.memory_space<hbm>>
        tpu.enqueue_indirect_dma source(%dma_start3A_158 : memref<10000x64xf32, #tpu.memory_space<hbm>>) target(%arg11 : memref<80x64xf32, #tpu.memory_space<vmem>>) offsets(%dma_start3A_155 : memref<80xi32, #tpu.memory_space<vmem>>) semaphore(%arg18 : memref<!tpu.dma_semaphore, #tpu.memory_space<semaphore_mem>>)
      } else {
      }
    }
    %scan3A_53 = arith.constant 25 : i32
    %barrier3A_54 = arith.constant 0 : index
    tpu.barrier barrier_id(%barrier3A_54)
    %add3A_55 = arith.constant 0 : i32
    %add3A_56 = arith.addi %arg1, %add3A_55 : i32
    %lt3A_57 = arith.constant 25 : i32
    %lt3A_58 = arith.cmpi slt, %add3A_56, %lt3A_57 : i32
    %convert_element_type3A_59 = arith.extui %lt3A_58 : i1 to i32
    %cond3A_60 = arith.constant 0 : i32
    %cond3A_61 = arith.cmpi ne, %convert_element_type3A_59, %cond3A_60 : i32
    scf.if %cond3A_61 {
      %mul3A_69 = arith.constant 400 : i32
      %mul3A_70 = arith.muli %add3A_56, %mul3A_69 : i32
      "tpu.region"() ({
        %run_scoped3A_71 = tpu.sem_alloc : memref<!tpu.dma_semaphore, #tpu.memory_space<semaphore_mem>>
        %dma_start3A_72 = arith.constant 0 : i32
        %dma_start3A_73 = tpu.memref_slice %arg13[%mul3A_70, %dma_start3A_72] : memref<10000x64xf32, #tpu.memory_space<vmem_shared>> -> memref<400x64xf32, #tpu.memory_space<vmem_shared>>
        %dma_start3A_74 = arith.constant 0 : i32
        %dma_start3A_75 = tpu.memref_slice %arg13[%mul3A_70, %dma_start3A_74] : memref<10000x64xf32, #tpu.memory_space<vmem_shared>> -> memref<400x64xf32, #tpu.memory_space<vmem_shared>>
        tpu.enqueue_dma source(%dma_start3A_75 : memref<400x64xf32, #tpu.memory_space<vmem_shared>>) target(%arg12 : memref<400x64xf32, #tpu.memory_space<vmem>>) target_semaphore(%run_scoped3A_71 : memref<!tpu.dma_semaphore, #tpu.memory_space<semaphore_mem>>)
        %dma_wait3A = arith.constant 0 : i32
        %dma_wait3A_76 = tpu.memref_slice %arg13[%mul3A_70, %dma_wait3A] : memref<10000x64xf32, #tpu.memory_space<vmem_shared>> -> memref<400x64xf32, #tpu.memory_space<vmem_shared>>
        %dma_wait3A_77 = arith.constant 0 : i32
        %dma_wait3A_78 = tpu.memref_slice %arg13[%mul3A_70, %dma_wait3A_77] : memref<10000x64xf32, #tpu.memory_space<vmem_shared>> -> memref<400x64xf32, #tpu.memory_space<vmem_shared>>
        tpu.wait_dma2 semaphore(%run_scoped3A_71 : memref<!tpu.dma_semaphore, #tpu.memory_space<semaphore_mem>>) src(%dma_wait3A_78 : memref<400x64xf32, #tpu.memory_space<vmem_shared>>) dst(%arg12 : memref<400x64xf32, #tpu.memory_space<vmem>>)
        tpu.yield
      }) : () -> ()
      "tpu.region"() ({
        %run_scoped3A_71 = tpu.sem_alloc : memref<!tpu.dma_semaphore, #tpu.memory_space<semaphore_mem>>
        %dma_start3A_72 = arith.constant 0 : i32
        %dma_start3A_73 = tpu.memref_slice %arg4[%arg0, %mul3A_70, %dma_start3A_72] : memref<2x10000x64xf32, #tpu.memory_space<hbm>> -> memref<1x400x64xf32, #tpu.memory_space<hbm>>
        %dma_start3A_74 = tpu.memref_squeeze %dma_start3A_73 : memref<1x400x64xf32, #tpu.memory_space<hbm>> -> memref<400x64xf32, #tpu.memory_space<hbm>>
        %dma_start3A_75 = arith.constant 0 : i32
        %dma_start3A_76 = tpu.memref_slice %arg4[%arg0, %mul3A_70, %dma_start3A_75] : memref<2x10000x64xf32, #tpu.memory_space<hbm>> -> memref<1x400x64xf32, #tpu.memory_space<hbm>>
        %dma_start3A_77 = tpu.memref_squeeze %dma_start3A_76 : memref<1x400x64xf32, #tpu.memory_space<hbm>> -> memref<400x64xf32, #tpu.memory_space<hbm>>
        tpu.enqueue_dma source(%arg12 : memref<400x64xf32, #tpu.memory_space<vmem>>) target(%dma_start3A_77 : memref<400x64xf32, #tpu.memory_space<hbm>>) target_semaphore(%run_scoped3A_71 : memref<!tpu.dma_semaphore, #tpu.memory_space<semaphore_mem>>)
        %dma_wait3A = arith.constant 0 : i32
        %dma_wait3A_78 = tpu.memref_slice %arg4[%arg0, %mul3A_70, %dma_wait3A] : memref<2x10000x64xf32, #tpu.memory_space<hbm>> -> memref<1x400x64xf32, #tpu.memory_space<hbm>>
        %dma_wait3A_79 = tpu.memref_squeeze %dma_wait3A_78 : memref<1x400x64xf32, #tpu.memory_space<hbm>> -> memref<400x64xf32, #tpu.memory_space<hbm>>
        %dma_wait3A_80 = arith.constant 0 : i32
        %dma_wait3A_81 = tpu.memref_slice %arg4[%arg0, %mul3A_70, %dma_wait3A_80] : memref<2x10000x64xf32, #tpu.memory_space<hbm>> -> memref<1x400x64xf32, #tpu.memory_space<hbm>>
        %dma_wait3A_82 = tpu.memref_squeeze %dma_wait3A_81 : memref<1x400x64xf32, #tpu.memory_space<hbm>> -> memref<400x64xf32, #tpu.memory_space<hbm>>
        tpu.wait_dma2 semaphore(%run_scoped3A_71 : memref<!tpu.dma_semaphore, #tpu.memory_space<semaphore_mem>>) src(%arg12 : memref<400x64xf32, #tpu.memory_space<vmem>>) dst(%dma_wait3A_82 : memref<400x64xf32, #tpu.memory_space<hbm>>)
        tpu.yield
      }) : () -> ()
    } else {
    }
    %add3A_62 = arith.constant 16 : i32
    %add3A_63 = arith.addi %arg1, %add3A_62 : i32
    %lt3A_64 = arith.constant 25 : i32
    %lt3A_65 = arith.cmpi slt, %add3A_63, %lt3A_64 : i32
    %convert_element_type3A_66 = arith.extui %lt3A_65 : i1 to i32
    %cond3A_67 = arith.constant 0 : i32
    %cond3A_68 = arith.cmpi ne, %convert_element_type3A_66, %cond3A_67 : i32
    scf.if %cond3A_68 {
      %mul3A_69 = arith.constant 400 : i32
      %mul3A_70 = arith.muli %add3A_63, %mul3A_69 : i32
      "tpu.region"() ({
        %run_scoped3A_71 = tpu.sem_alloc : memref<!tpu.dma_semaphore, #tpu.memory_space<semaphore_mem>>
        %dma_start3A_72 = arith.constant 0 : i32
        %dma_start3A_73 = tpu.memref_slice %arg13[%mul3A_70, %dma_start3A_72] : memref<10000x64xf32, #tpu.memory_space<vmem_shared>> -> memref<400x64xf32, #tpu.memory_space<vmem_shared>>
        %dma_start3A_74 = arith.constant 0 : i32
        %dma_start3A_75 = tpu.memref_slice %arg13[%mul3A_70, %dma_start3A_74] : memref<10000x64xf32, #tpu.memory_space<vmem_shared>> -> memref<400x64xf32, #tpu.memory_space<vmem_shared>>
        tpu.enqueue_dma source(%dma_start3A_75 : memref<400x64xf32, #tpu.memory_space<vmem_shared>>) target(%arg12 : memref<400x64xf32, #tpu.memory_space<vmem>>) target_semaphore(%run_scoped3A_71 : memref<!tpu.dma_semaphore, #tpu.memory_space<semaphore_mem>>)
        %dma_wait3A = arith.constant 0 : i32
        %dma_wait3A_76 = tpu.memref_slice %arg13[%mul3A_70, %dma_wait3A] : memref<10000x64xf32, #tpu.memory_space<vmem_shared>> -> memref<400x64xf32, #tpu.memory_space<vmem_shared>>
        %dma_wait3A_77 = arith.constant 0 : i32
        %dma_wait3A_78 = tpu.memref_slice %arg13[%mul3A_70, %dma_wait3A_77] : memref<10000x64xf32, #tpu.memory_space<vmem_shared>> -> memref<400x64xf32, #tpu.memory_space<vmem_shared>>
        tpu.wait_dma2 semaphore(%run_scoped3A_71 : memref<!tpu.dma_semaphore, #tpu.memory_space<semaphore_mem>>) src(%dma_wait3A_78 : memref<400x64xf32, #tpu.memory_space<vmem_shared>>) dst(%arg12 : memref<400x64xf32, #tpu.memory_space<vmem>>)
        tpu.yield
      }) : () -> ()
      "tpu.region"() ({
        %run_scoped3A_71 = tpu.sem_alloc : memref<!tpu.dma_semaphore, #tpu.memory_space<semaphore_mem>>
        %dma_start3A_72 = arith.constant 0 : i32
        %dma_start3A_73 = tpu.memref_slice %arg4[%arg0, %mul3A_70, %dma_start3A_72] : memref<2x10000x64xf32, #tpu.memory_space<hbm>> -> memref<1x400x64xf32, #tpu.memory_space<hbm>>
        %dma_start3A_74 = tpu.memref_squeeze %dma_start3A_73 : memref<1x400x64xf32, #tpu.memory_space<hbm>> -> memref<400x64xf32, #tpu.memory_space<hbm>>
        %dma_start3A_75 = arith.constant 0 : i32
        %dma_start3A_76 = tpu.memref_slice %arg4[%arg0, %mul3A_70, %dma_start3A_75] : memref<2x10000x64xf32, #tpu.memory_space<hbm>> -> memref<1x400x64xf32, #tpu.memory_space<hbm>>
        %dma_start3A_77 = tpu.memref_squeeze %dma_start3A_76 : memref<1x400x64xf32, #tpu.memory_space<hbm>> -> memref<400x64xf32, #tpu.memory_space<hbm>>
        tpu.enqueue_dma source(%arg12 : memref<400x64xf32, #tpu.memory_space<vmem>>) target(%dma_start3A_77 : memref<400x64xf32, #tpu.memory_space<hbm>>) target_semaphore(%run_scoped3A_71 : memref<!tpu.dma_semaphore, #tpu.memory_space<semaphore_mem>>)
        %dma_wait3A = arith.constant 0 : i32
        %dma_wait3A_78 = tpu.memref_slice %arg4[%arg0, %mul3A_70, %dma_wait3A] : memref<2x10000x64xf32, #tpu.memory_space<hbm>> -> memref<1x400x64xf32, #tpu.memory_space<hbm>>
        %dma_wait3A_79 = tpu.memref_squeeze %dma_wait3A_78 : memref<1x400x64xf32, #tpu.memory_space<hbm>> -> memref<400x64xf32, #tpu.memory_space<hbm>>
        %dma_wait3A_80 = arith.constant 0 : i32
        %dma_wait3A_81 = tpu.memref_slice %arg4[%arg0, %mul3A_70, %dma_wait3A_80] : memref<2x10000x64xf32, #tpu.memory_space<hbm>> -> memref<1x400x64xf32, #tpu.memory_space<hbm>>
        %dma_wait3A_82 = tpu.memref_squeeze %dma_wait3A_81 : memref<1x400x64xf32, #tpu.memory_space<hbm>> -> memref<400x64xf32, #tpu.memory_space<hbm>>
        tpu.wait_dma2 semaphore(%run_scoped3A_71 : memref<!tpu.dma_semaphore, #tpu.memory_space<semaphore_mem>>) src(%arg12 : memref<400x64xf32, #tpu.memory_space<vmem>>) dst(%dma_wait3A_82 : memref<400x64xf32, #tpu.memory_space<hbm>>)
        tpu.yield
      }) : () -> ()
    } else {
    }
    return
  }
}

#map = affine_map<(d0, d1) -> (0, 0)>
#map1 = affine_map<(d0, d1) -> (0, 0, 0)>
module attributes {stable_mosaic.version = 14 : i64} {
  func.func @_agg_partials(%arg0: i32, %arg1: i32, %arg2: memref<10000x64xf32, #tpu.memory_space<hbm>>, %arg3: memref<2x4000x80xi32, #tpu.memory_space<hbm>>, %arg4: memref<2x10000x64xf32, #tpu.memory_space<hbm>>, %arg5: memref<125x80xi32, #tpu.memory_space<vmem>>, %arg6: memref<125x80xi32, #tpu.memory_space<vmem>>, %arg7: memref<80x64xf32, #tpu.memory_space<vmem>>, %arg8: memref<80x64xf32, #tpu.memory_space<vmem>>, %arg9: memref<80x64xf32, #tpu.memory_space<vmem>>, %arg10: memref<80x64xf32, #tpu.memory_space<vmem>>, %arg11: memref<80x64xf32, #tpu.memory_space<vmem>>, %arg12: memref<400x64xf32, #tpu.memory_space<vmem>>, %arg13: memref<10000x64xf32, #tpu.memory_space<vmem_shared>>, %arg14: memref<!tpu.dma_semaphore, #tpu.memory_space<semaphore_mem>>, %arg15: memref<!tpu.dma_semaphore, #tpu.memory_space<semaphore_mem>>, %arg16: memref<!tpu.dma_semaphore, #tpu.memory_space<semaphore_mem>>, %arg17: memref<!tpu.dma_semaphore, #tpu.memory_space<semaphore_mem>>, %arg18: memref<!tpu.dma_semaphore, #tpu.memory_space<semaphore_mem>>) attributes {dimension_semantics = [#tpu.dimension_semantics<core_parallel>, #tpu.dimension_semantics<subcore_parallel>], iteration_bounds = array<i64: 2, 16>, scalar_prefetch = 0 : i64, scratch_operands = 14 : i64, tpu.core_type = #tpu.core_type<sc_vector_subcore>, window_params = [{transform_indices = #map}, {transform_indices = #map1}, {transform_indices = #map1}]} {
    %add3A = arith.constant 0 : i32
    %add3A_0 = arith.addi %arg1, %add3A : i32
    %lt3A = arith.constant 25 : i32
    %lt3A_1 = arith.cmpi slt, %add3A_0, %lt3A : i32
    %convert_element_type3A = arith.extui %lt3A_1 : i1 to i32
    %cond3A = arith.constant 0 : i32
    %cond3A_2 = arith.cmpi ne, %convert_element_type3A, %cond3A : i32
    scf.if %cond3A_2 {
      %mul3A_69 = arith.constant 400 : i32
      %mul3A_70 = arith.muli %add3A_0, %mul3A_69 : i32
      "tpu.region"() ({
        %run_scoped3A_71 = tpu.sem_alloc : memref<!tpu.dma_semaphore, #tpu.memory_space<semaphore_mem>>
        %dma_start3A_72 = arith.constant 0 : i32
        %dma_start3A_73 = tpu.memref_slice %arg2[%mul3A_70, %dma_start3A_72] : memref<10000x64xf32, #tpu.memory_space<hbm>> -> memref<400x64xf32, #tpu.memory_space<hbm>>
        %dma_start3A_74 = arith.constant 0 : i32
        %dma_start3A_75 = tpu.memref_slice %arg2[%mul3A_70, %dma_start3A_74] : memref<10000x64xf32, #tpu.memory_space<hbm>> -> memref<400x64xf32, #tpu.memory_space<hbm>>
        tpu.enqueue_dma source(%dma_start3A_75 : memref<400x64xf32, #tpu.memory_space<hbm>>) target(%arg12 : memref<400x64xf32, #tpu.memory_space<vmem>>) target_semaphore(%run_scoped3A_71 : memref<!tpu.dma_semaphore, #tpu.memory_space<semaphore_mem>>)
        %dma_wait3A = arith.constant 0 : i32
        %dma_wait3A_76 = tpu.memref_slice %arg2[%mul3A_70, %dma_wait3A] : memref<10000x64xf32, #tpu.memory_space<hbm>> -> memref<400x64xf32, #tpu.memory_space<hbm>>
        %dma_wait3A_77 = arith.constant 0 : i32
        %dma_wait3A_78 = tpu.memref_slice %arg2[%mul3A_70, %dma_wait3A_77] : memref<10000x64xf32, #tpu.memory_space<hbm>> -> memref<400x64xf32, #tpu.memory_space<hbm>>
        tpu.wait_dma2 semaphore(%run_scoped3A_71 : memref<!tpu.dma_semaphore, #tpu.memory_space<semaphore_mem>>) src(%dma_wait3A_78 : memref<400x64xf32, #tpu.memory_space<hbm>>) dst(%arg12 : memref<400x64xf32, #tpu.memory_space<vmem>>)
        tpu.yield
      }) : () -> ()
      "tpu.region"() ({
        %run_scoped3A_71 = tpu.sem_alloc : memref<!tpu.dma_semaphore, #tpu.memory_space<semaphore_mem>>
        %dma_start3A_72 = arith.constant 0 : i32
        %dma_start3A_73 = tpu.memref_slice %arg13[%mul3A_70, %dma_start3A_72] : memref<10000x64xf32, #tpu.memory_space<vmem_shared>> -> memref<400x64xf32, #tpu.memory_space<vmem_shared>>
        %dma_start3A_74 = arith.constant 0 : i32
        %dma_start3A_75 = tpu.memref_slice %arg13[%mul3A_70, %dma_start3A_74] : memref<10000x64xf32, #tpu.memory_space<vmem_shared>> -> memref<400x64xf32, #tpu.memory_space<vmem_shared>>
        tpu.enqueue_dma source(%arg12 : memref<400x64xf32, #tpu.memory_space<vmem>>) target(%dma_start3A_75 : memref<400x64xf32, #tpu.memory_space<vmem_shared>>) target_semaphore(%run_scoped3A_71 : memref<!tpu.dma_semaphore, #tpu.memory_space<semaphore_mem>>)
        %dma_wait3A = arith.constant 0 : i32
        %dma_wait3A_76 = tpu.memref_slice %arg13[%mul3A_70, %dma_wait3A] : memref<10000x64xf32, #tpu.memory_space<vmem_shared>> -> memref<400x64xf32, #tpu.memory_space<vmem_shared>>
        %dma_wait3A_77 = arith.constant 0 : i32
        %dma_wait3A_78 = tpu.memref_slice %arg13[%mul3A_70, %dma_wait3A_77] : memref<10000x64xf32, #tpu.memory_space<vmem_shared>> -> memref<400x64xf32, #tpu.memory_space<vmem_shared>>
        tpu.wait_dma2 semaphore(%run_scoped3A_71 : memref<!tpu.dma_semaphore, #tpu.memory_space<semaphore_mem>>) src(%arg12 : memref<400x64xf32, #tpu.memory_space<vmem>>) dst(%dma_wait3A_78 : memref<400x64xf32, #tpu.memory_space<vmem_shared>>)
        tpu.yield
      }) : () -> ()
    } else {
    }
    %add3A_3 = arith.constant 16 : i32
    %add3A_4 = arith.addi %arg1, %add3A_3 : i32
    %lt3A_5 = arith.constant 25 : i32
    %lt3A_6 = arith.cmpi slt, %add3A_4, %lt3A_5 : i32
    %convert_element_type3A_7 = arith.extui %lt3A_6 : i1 to i32
    %cond3A_8 = arith.constant 0 : i32
    %cond3A_9 = arith.cmpi ne, %convert_element_type3A_7, %cond3A_8 : i32
    scf.if %cond3A_9 {
      %mul3A_69 = arith.constant 400 : i32
      %mul3A_70 = arith.muli %add3A_4, %mul3A_69 : i32
      "tpu.region"() ({
        %run_scoped3A_71 = tpu.sem_alloc : memref<!tpu.dma_semaphore, #tpu.memory_space<semaphore_mem>>
        %dma_start3A_72 = arith.constant 0 : i32
        %dma_start3A_73 = tpu.memref_slice %arg2[%mul3A_70, %dma_start3A_72] : memref<10000x64xf32, #tpu.memory_space<hbm>> -> memref<400x64xf32, #tpu.memory_space<hbm>>
        %dma_start3A_74 = arith.constant 0 : i32
        %dma_start3A_75 = tpu.memref_slice %arg2[%mul3A_70, %dma_start3A_74] : memref<10000x64xf32, #tpu.memory_space<hbm>> -> memref<400x64xf32, #tpu.memory_space<hbm>>
        tpu.enqueue_dma source(%dma_start3A_75 : memref<400x64xf32, #tpu.memory_space<hbm>>) target(%arg12 : memref<400x64xf32, #tpu.memory_space<vmem>>) target_semaphore(%run_scoped3A_71 : memref<!tpu.dma_semaphore, #tpu.memory_space<semaphore_mem>>)
        %dma_wait3A = arith.constant 0 : i32
        %dma_wait3A_76 = tpu.memref_slice %arg2[%mul3A_70, %dma_wait3A] : memref<10000x64xf32, #tpu.memory_space<hbm>> -> memref<400x64xf32, #tpu.memory_space<hbm>>
        %dma_wait3A_77 = arith.constant 0 : i32
        %dma_wait3A_78 = tpu.memref_slice %arg2[%mul3A_70, %dma_wait3A_77] : memref<10000x64xf32, #tpu.memory_space<hbm>> -> memref<400x64xf32, #tpu.memory_space<hbm>>
        tpu.wait_dma2 semaphore(%run_scoped3A_71 : memref<!tpu.dma_semaphore, #tpu.memory_space<semaphore_mem>>) src(%dma_wait3A_78 : memref<400x64xf32, #tpu.memory_space<hbm>>) dst(%arg12 : memref<400x64xf32, #tpu.memory_space<vmem>>)
        tpu.yield
      }) : () -> ()
      "tpu.region"() ({
        %run_scoped3A_71 = tpu.sem_alloc : memref<!tpu.dma_semaphore, #tpu.memory_space<semaphore_mem>>
        %dma_start3A_72 = arith.constant 0 : i32
        %dma_start3A_73 = tpu.memref_slice %arg13[%mul3A_70, %dma_start3A_72] : memref<10000x64xf32, #tpu.memory_space<vmem_shared>> -> memref<400x64xf32, #tpu.memory_space<vmem_shared>>
        %dma_start3A_74 = arith.constant 0 : i32
        %dma_start3A_75 = tpu.memref_slice %arg13[%mul3A_70, %dma_start3A_74] : memref<10000x64xf32, #tpu.memory_space<vmem_shared>> -> memref<400x64xf32, #tpu.memory_space<vmem_shared>>
        tpu.enqueue_dma source(%arg12 : memref<400x64xf32, #tpu.memory_space<vmem>>) target(%dma_start3A_75 : memref<400x64xf32, #tpu.memory_space<vmem_shared>>) target_semaphore(%run_scoped3A_71 : memref<!tpu.dma_semaphore, #tpu.memory_space<semaphore_mem>>)
        %dma_wait3A = arith.constant 0 : i32
        %dma_wait3A_76 = tpu.memref_slice %arg13[%mul3A_70, %dma_wait3A] : memref<10000x64xf32, #tpu.memory_space<vmem_shared>> -> memref<400x64xf32, #tpu.memory_space<vmem_shared>>
        %dma_wait3A_77 = arith.constant 0 : i32
        %dma_wait3A_78 = tpu.memref_slice %arg13[%mul3A_70, %dma_wait3A_77] : memref<10000x64xf32, #tpu.memory_space<vmem_shared>> -> memref<400x64xf32, #tpu.memory_space<vmem_shared>>
        tpu.wait_dma2 semaphore(%run_scoped3A_71 : memref<!tpu.dma_semaphore, #tpu.memory_space<semaphore_mem>>) src(%arg12 : memref<400x64xf32, #tpu.memory_space<vmem>>) dst(%dma_wait3A_78 : memref<400x64xf32, #tpu.memory_space<vmem_shared>>)
        tpu.yield
      }) : () -> ()
    } else {
    }
    %mul3A = arith.constant 16 : i32
    %mul3A_10 = arith.muli %arg0, %mul3A : i32
    %add3A_11 = arith.addi %mul3A_10, %arg1 : i32
    %mul3A_12 = arith.constant 125 : i32
    %mul3A_13 = arith.muli %add3A_11, %mul3A_12 : i32
    %run_scoped3A = arith.constant 0 : i32
    "tpu.region"() ({
      %run_scoped3A_69 = tpu.sem_alloc : memref<!tpu.dma_semaphore, #tpu.memory_space<semaphore_mem>>
      %dma_start3A_70 = arith.constant 0 : i32
      %dma_start3A_71 = tpu.memref_slice %arg3[%run_scoped3A, %mul3A_13, %dma_start3A_70] : memref<2x4000x80xi32, #tpu.memory_space<hbm>> -> memref<1x125x80xi32, #tpu.memory_space<hbm>>
      %dma_start3A_72 = tpu.memref_squeeze %dma_start3A_71 : memref<1x125x80xi32, #tpu.memory_space<hbm>> -> memref<125x80xi32, #tpu.memory_space<hbm>>
      %dma_start3A_73 = arith.constant 0 : i32
      %dma_start3A_74 = tpu.memref_slice %arg3[%run_scoped3A, %mul3A_13, %dma_start3A_73] : memref<2x4000x80xi32, #tpu.memory_space<hbm>> -> memref<1x125x80xi32, #tpu.memory_space<hbm>>
      %dma_start3A_75 = tpu.memref_squeeze %dma_start3A_74 : memref<1x125x80xi32, #tpu.memory_space<hbm>> -> memref<125x80xi32, #tpu.memory_space<hbm>>
      tpu.enqueue_dma source(%dma_start3A_75 : memref<125x80xi32, #tpu.memory_space<hbm>>) target(%arg5 : memref<125x80xi32, #tpu.memory_space<vmem>>) target_semaphore(%run_scoped3A_69 : memref<!tpu.dma_semaphore, #tpu.memory_space<semaphore_mem>>)
      %dma_wait3A = arith.constant 0 : i32
      %dma_wait3A_76 = tpu.memref_slice %arg3[%run_scoped3A, %mul3A_13, %dma_wait3A] : memref<2x4000x80xi32, #tpu.memory_space<hbm>> -> memref<1x125x80xi32, #tpu.memory_space<hbm>>
      %dma_wait3A_77 = tpu.memref_squeeze %dma_wait3A_76 : memref<1x125x80xi32, #tpu.memory_space<hbm>> -> memref<125x80xi32, #tpu.memory_space<hbm>>
      %dma_wait3A_78 = arith.constant 0 : i32
      %dma_wait3A_79 = tpu.memref_slice %arg3[%run_scoped3A, %mul3A_13, %dma_wait3A_78] : memref<2x4000x80xi32, #tpu.memory_space<hbm>> -> memref<1x125x80xi32, #tpu.memory_space<hbm>>
      %dma_wait3A_80 = tpu.memref_squeeze %dma_wait3A_79 : memref<1x125x80xi32, #tpu.memory_space<hbm>> -> memref<125x80xi32, #tpu.memory_space<hbm>>
      tpu.wait_dma2 semaphore(%run_scoped3A_69 : memref<!tpu.dma_semaphore, #tpu.memory_space<semaphore_mem>>) src(%dma_wait3A_80 : memref<125x80xi32, #tpu.memory_space<hbm>>) dst(%arg5 : memref<125x80xi32, #tpu.memory_space<vmem>>)
      tpu.yield
    }) : () -> ()
    %run_scoped3A_14 = arith.constant 1 : i32
    "tpu.region"() ({
      %run_scoped3A_69 = tpu.sem_alloc : memref<!tpu.dma_semaphore, #tpu.memory_space<semaphore_mem>>
      %dma_start3A_70 = arith.constant 0 : i32
      %dma_start3A_71 = tpu.memref_slice %arg3[%run_scoped3A_14, %mul3A_13, %dma_start3A_70] : memref<2x4000x80xi32, #tpu.memory_space<hbm>> -> memref<1x125x80xi32, #tpu.memory_space<hbm>>
      %dma_start3A_72 = tpu.memref_squeeze %dma_start3A_71 : memref<1x125x80xi32, #tpu.memory_space<hbm>> -> memref<125x80xi32, #tpu.memory_space<hbm>>
      %dma_start3A_73 = arith.constant 0 : i32
      %dma_start3A_74 = tpu.memref_slice %arg3[%run_scoped3A_14, %mul3A_13, %dma_start3A_73] : memref<2x4000x80xi32, #tpu.memory_space<hbm>> -> memref<1x125x80xi32, #tpu.memory_space<hbm>>
      %dma_start3A_75 = tpu.memref_squeeze %dma_start3A_74 : memref<1x125x80xi32, #tpu.memory_space<hbm>> -> memref<125x80xi32, #tpu.memory_space<hbm>>
      tpu.enqueue_dma source(%dma_start3A_75 : memref<125x80xi32, #tpu.memory_space<hbm>>) target(%arg6 : memref<125x80xi32, #tpu.memory_space<vmem>>) target_semaphore(%run_scoped3A_69 : memref<!tpu.dma_semaphore, #tpu.memory_space<semaphore_mem>>)
      %dma_wait3A = arith.constant 0 : i32
      %dma_wait3A_76 = tpu.memref_slice %arg3[%run_scoped3A_14, %mul3A_13, %dma_wait3A] : memref<2x4000x80xi32, #tpu.memory_space<hbm>> -> memref<1x125x80xi32, #tpu.memory_space<hbm>>
      %dma_wait3A_77 = tpu.memref_squeeze %dma_wait3A_76 : memref<1x125x80xi32, #tpu.memory_space<hbm>> -> memref<125x80xi32, #tpu.memory_space<hbm>>
      %dma_wait3A_78 = arith.constant 0 : i32
      %dma_wait3A_79 = tpu.memref_slice %arg3[%run_scoped3A_14, %mul3A_13, %dma_wait3A_78] : memref<2x4000x80xi32, #tpu.memory_space<hbm>> -> memref<1x125x80xi32, #tpu.memory_space<hbm>>
      %dma_wait3A_80 = tpu.memref_squeeze %dma_wait3A_79 : memref<1x125x80xi32, #tpu.memory_space<hbm>> -> memref<125x80xi32, #tpu.memory_space<hbm>>
      tpu.wait_dma2 semaphore(%run_scoped3A_69 : memref<!tpu.dma_semaphore, #tpu.memory_space<semaphore_mem>>) src(%dma_wait3A_80 : memref<125x80xi32, #tpu.memory_space<hbm>>) dst(%arg6 : memref<125x80xi32, #tpu.memory_space<vmem>>)
      tpu.yield
    }) : () -> ()
    %barrier3A = arith.constant 0 : index
    tpu.barrier barrier_id(%barrier3A)
    %dma_start3A = arith.constant 0 : i32
    %dma_start3A_15 = arith.constant 0 : i32
    %dma_start3A_16 = tpu.memref_slice %arg5[%dma_start3A, %dma_start3A_15] : memref<125x80xi32, #tpu.memory_space<vmem>> -> memref<1x80xi32, #tpu.memory_space<vmem>>
    %dma_start3A_17 = tpu.memref_squeeze %dma_start3A_16 : memref<1x80xi32, #tpu.memory_space<vmem>> -> memref<80xi32, #tpu.memory_space<vmem>>
    %dma_start3A_18 = arith.constant 0 : i32
    %dma_start3A_19 = arith.constant 0 : i32
    %dma_start3A_20 = tpu.memref_slice %arg2[%dma_start3A_18, %dma_start3A_19] : memref<10000x64xf32, #tpu.memory_space<hbm>> -> memref<10000x64xf32, #tpu.memory_space<hbm>>
    tpu.enqueue_indirect_dma source(%dma_start3A_20 : memref<10000x64xf32, #tpu.memory_space<hbm>>) target(%arg7 : memref<80x64xf32, #tpu.memory_space<vmem>>) offsets(%dma_start3A_17 : memref<80xi32, #tpu.memory_space<vmem>>) semaphore(%arg14 : memref<!tpu.dma_semaphore, #tpu.memory_space<semaphore_mem>>)
    %dma_start3A_21 = arith.constant 1 : i32
    %dma_start3A_22 = arith.constant 0 : i32
    %dma_start3A_23 = tpu.memref_slice %arg5[%dma_start3A_21, %dma_start3A_22] : memref<125x80xi32, #tpu.memory_space<vmem>> -> memref<1x80xi32, #tpu.memory_space<vmem>>
    %dma_start3A_24 = tpu.memref_squeeze %dma_start3A_23 : memref<1x80xi32, #tpu.memory_space<vmem>> -> memref<80xi32, #tpu.memory_space<vmem>>
    %dma_start3A_25 = arith.constant 0 : i32
    %dma_start3A_26 = arith.constant 0 : i32
    %dma_start3A_27 = tpu.memref_slice %arg2[%dma_start3A_25, %dma_start3A_26] : memref<10000x64xf32, #tpu.memory_space<hbm>> -> memref<10000x64xf32, #tpu.memory_space<hbm>>
    tpu.enqueue_indirect_dma source(%dma_start3A_27 : memref<10000x64xf32, #tpu.memory_space<hbm>>) target(%arg8 : memref<80x64xf32, #tpu.memory_space<vmem>>) offsets(%dma_start3A_24 : memref<80xi32, #tpu.memory_space<vmem>>) semaphore(%arg15 : memref<!tpu.dma_semaphore, #tpu.memory_space<semaphore_mem>>)
    %dma_start3A_28 = arith.constant 2 : i32
    %dma_start3A_29 = arith.constant 0 : i32
    %dma_start3A_30 = tpu.memref_slice %arg5[%dma_start3A_28, %dma_start3A_29] : memref<125x80xi32, #tpu.memory_space<vmem>> -> memref<1x80xi32, #tpu.memory_space<vmem>>
    %dma_start3A_31 = tpu.memref_squeeze %dma_start3A_30 : memref<1x80xi32, #tpu.memory_space<vmem>> -> memref<80xi32, #tpu.memory_space<vmem>>
    %dma_start3A_32 = arith.constant 0 : i32
    %dma_start3A_33 = arith.constant 0 : i32
    %dma_start3A_34 = tpu.memref_slice %arg2[%dma_start3A_32, %dma_start3A_33] : memref<10000x64xf32, #tpu.memory_space<hbm>> -> memref<10000x64xf32, #tpu.memory_space<hbm>>
    tpu.enqueue_indirect_dma source(%dma_start3A_34 : memref<10000x64xf32, #tpu.memory_space<hbm>>) target(%arg9 : memref<80x64xf32, #tpu.memory_space<vmem>>) offsets(%dma_start3A_31 : memref<80xi32, #tpu.memory_space<vmem>>) semaphore(%arg16 : memref<!tpu.dma_semaphore, #tpu.memory_space<semaphore_mem>>)
    %dma_start3A_35 = arith.constant 3 : i32
    %dma_start3A_36 = arith.constant 0 : i32
    %dma_start3A_37 = tpu.memref_slice %arg5[%dma_start3A_35, %dma_start3A_36] : memref<125x80xi32, #tpu.memory_space<vmem>> -> memref<1x80xi32, #tpu.memory_space<vmem>>
    %dma_start3A_38 = tpu.memref_squeeze %dma_start3A_37 : memref<1x80xi32, #tpu.memory_space<vmem>> -> memref<80xi32, #tpu.memory_space<vmem>>
    %dma_start3A_39 = arith.constant 0 : i32
    %dma_start3A_40 = arith.constant 0 : i32
    %dma_start3A_41 = tpu.memref_slice %arg2[%dma_start3A_39, %dma_start3A_40] : memref<10000x64xf32, #tpu.memory_space<hbm>> -> memref<10000x64xf32, #tpu.memory_space<hbm>>
    tpu.enqueue_indirect_dma source(%dma_start3A_41 : memref<10000x64xf32, #tpu.memory_space<hbm>>) target(%arg10 : memref<80x64xf32, #tpu.memory_space<vmem>>) offsets(%dma_start3A_38 : memref<80xi32, #tpu.memory_space<vmem>>) semaphore(%arg17 : memref<!tpu.dma_semaphore, #tpu.memory_space<semaphore_mem>>)
    %dma_start3A_42 = arith.constant 4 : i32
    %dma_start3A_43 = arith.constant 0 : i32
    %dma_start3A_44 = tpu.memref_slice %arg5[%dma_start3A_42, %dma_start3A_43] : memref<125x80xi32, #tpu.memory_space<vmem>> -> memref<1x80xi32, #tpu.memory_space<vmem>>
    %dma_start3A_45 = tpu.memref_squeeze %dma_start3A_44 : memref<1x80xi32, #tpu.memory_space<vmem>> -> memref<80xi32, #tpu.memory_space<vmem>>
    %dma_start3A_46 = arith.constant 0 : i32
    %dma_start3A_47 = arith.constant 0 : i32
    %dma_start3A_48 = tpu.memref_slice %arg2[%dma_start3A_46, %dma_start3A_47] : memref<10000x64xf32, #tpu.memory_space<hbm>> -> memref<10000x64xf32, #tpu.memory_space<hbm>>
    tpu.enqueue_indirect_dma source(%dma_start3A_48 : memref<10000x64xf32, #tpu.memory_space<hbm>>) target(%arg11 : memref<80x64xf32, #tpu.memory_space<vmem>>) offsets(%dma_start3A_45 : memref<80xi32, #tpu.memory_space<vmem>>) semaphore(%arg18 : memref<!tpu.dma_semaphore, #tpu.memory_space<semaphore_mem>>)
    %scan3A = arith.constant 0 : i32
    %scan3A_49 = arith.constant 0 : i32
    %scan3A_50 = arith.constant 25 : i32
    %scan3A_51 = arith.addi %scan3A_49, %scan3A_50 : i32
    %scan3A_52 = arith.constant 1 : i32
    scf.for %scan3A_69 = %scan3A_49 to %scan3A_51 step %scan3A_52  : i32 {
      %mul3A_70 = arith.constant 5 : i32
      %mul3A_71 = arith.muli %scan3A_69, %mul3A_70 : i32
      %add3A_72 = arith.constant 0 : i32
      %add3A_73 = arith.addi %mul3A_71, %add3A_72 : i32
      %dma_wait3A = arith.constant 0 : i32
      %dma_wait3A_74 = arith.constant 0 : i32
      %dma_wait3A_75 = tpu.memref_slice %arg5[%dma_wait3A, %dma_wait3A_74] : memref<125x80xi32, #tpu.memory_space<vmem>> -> memref<1x80xi32, #tpu.memory_space<vmem>>
      %dma_wait3A_76 = tpu.memref_squeeze %dma_wait3A_75 : memref<1x80xi32, #tpu.memory_space<vmem>> -> memref<80xi32, #tpu.memory_space<vmem>>
      %dma_wait3A_77 = arith.constant 0 : i32
      %dma_wait3A_78 = arith.constant 0 : i32
      %dma_wait3A_79 = tpu.memref_slice %arg2[%dma_wait3A_77, %dma_wait3A_78] : memref<10000x64xf32, #tpu.memory_space<hbm>> -> memref<10000x64xf32, #tpu.memory_space<hbm>>
      tpu.wait_indirect_dma semaphore(%arg14 : memref<!tpu.dma_semaphore, #tpu.memory_space<semaphore_mem>>) src(%dma_wait3A_79 : memref<10000x64xf32, #tpu.memory_space<hbm>>) dst(%arg7 : memref<80x64xf32, #tpu.memory_space<vmem>>)
      "tpu.region"() ({
        %run_scoped3A_151 = tpu.sem_alloc : memref<!tpu.dma_semaphore, #tpu.memory_space<semaphore_mem>>
        %dma_start3A_152 = arith.constant 0 : i32
        %dma_start3A_153 = tpu.memref_slice %arg6[%add3A_73, %dma_start3A_152] : memref<125x80xi32, #tpu.memory_space<vmem>> -> memref<1x80xi32, #tpu.memory_space<vmem>>
        %dma_start3A_154 = tpu.memref_squeeze %dma_start3A_153 : memref<1x80xi32, #tpu.memory_space<vmem>> -> memref<80xi32, #tpu.memory_space<vmem>>
        %dma_start3A_155 = arith.constant 0 : i32
        %dma_start3A_156 = arith.constant 0 : i32
        %dma_start3A_157 = tpu.memref_slice %arg13[%dma_start3A_155, %dma_start3A_156] : memref<10000x64xf32, #tpu.memory_space<vmem_shared>> -> memref<10000x64xf32, #tpu.memory_space<vmem_shared>>
        tpu.enqueue_indirect_dma source(%arg7 : memref<80x64xf32, #tpu.memory_space<vmem>>) target(%dma_start3A_157 : memref<10000x64xf32, #tpu.memory_space<vmem_shared>>) offsets(%dma_start3A_154 : memref<80xi32, #tpu.memory_space<vmem>>) semaphore(%run_scoped3A_151 : memref<!tpu.dma_semaphore, #tpu.memory_space<semaphore_mem>>) {add = true}
        %dma_wait3A_158 = arith.constant 0 : i32
        %dma_wait3A_159 = tpu.memref_slice %arg6[%add3A_73, %dma_wait3A_158] : memref<125x80xi32, #tpu.memory_space<vmem>> -> memref<1x80xi32, #tpu.memory_space<vmem>>
        %dma_wait3A_160 = tpu.memref_squeeze %dma_wait3A_159 : memref<1x80xi32, #tpu.memory_space<vmem>> -> memref<80xi32, #tpu.memory_space<vmem>>
        %dma_wait3A_161 = arith.constant 0 : i32
        %dma_wait3A_162 = arith.constant 0 : i32
        %dma_wait3A_163 = tpu.memref_slice %arg13[%dma_wait3A_161, %dma_wait3A_162] : memref<10000x64xf32, #tpu.memory_space<vmem_shared>> -> memref<10000x64xf32, #tpu.memory_space<vmem_shared>>
        tpu.wait_indirect_dma semaphore(%run_scoped3A_151 : memref<!tpu.dma_semaphore, #tpu.memory_space<semaphore_mem>>) src(%arg7 : memref<80x64xf32, #tpu.memory_space<vmem>>) dst(%dma_wait3A_163 : memref<10000x64xf32, #tpu.memory_space<vmem_shared>>)
        tpu.yield
      }) : () -> ()
      %add3A_80 = arith.constant 5 : i32
      %add3A_81 = arith.addi %add3A_73, %add3A_80 : i32
      %lt3A_82 = arith.constant 125 : i32
      %lt3A_83 = arith.cmpi slt, %add3A_81, %lt3A_82 : i32
      %convert_element_type3A_84 = arith.extui %lt3A_83 : i1 to i32
      %cond3A_85 = arith.constant 0 : i32
      %cond3A_86 = arith.cmpi ne, %convert_element_type3A_84, %cond3A_85 : i32
      scf.if %cond3A_86 {
        %add3A_151 = arith.constant 5 : i32
        %add3A_152 = arith.addi %add3A_73, %add3A_151 : i32
        %dma_start3A_153 = arith.constant 0 : i32
        %dma_start3A_154 = tpu.memref_slice %arg5[%add3A_152, %dma_start3A_153] : memref<125x80xi32, #tpu.memory_space<vmem>> -> memref<1x80xi32, #tpu.memory_space<vmem>>
        %dma_start3A_155 = tpu.memref_squeeze %dma_start3A_154 : memref<1x80xi32, #tpu.memory_space<vmem>> -> memref<80xi32, #tpu.memory_space<vmem>>
        %dma_start3A_156 = arith.constant 0 : i32
        %dma_start3A_157 = arith.constant 0 : i32
        %dma_start3A_158 = tpu.memref_slice %arg2[%dma_start3A_156, %dma_start3A_157] : memref<10000x64xf32, #tpu.memory_space<hbm>> -> memref<10000x64xf32, #tpu.memory_space<hbm>>
        tpu.enqueue_indirect_dma source(%dma_start3A_158 : memref<10000x64xf32, #tpu.memory_space<hbm>>) target(%arg7 : memref<80x64xf32, #tpu.memory_space<vmem>>) offsets(%dma_start3A_155 : memref<80xi32, #tpu.memory_space<vmem>>) semaphore(%arg14 : memref<!tpu.dma_semaphore, #tpu.memory_space<semaphore_mem>>)
      } else {
      }
      %add3A_87 = arith.constant 1 : i32
      %add3A_88 = arith.addi %mul3A_71, %add3A_87 : i32
      %dma_wait3A_89 = arith.constant 0 : i32
      %dma_wait3A_90 = arith.constant 0 : i32
      %dma_wait3A_91 = tpu.memref_slice %arg5[%dma_wait3A_89, %dma_wait3A_90] : memref<125x80xi32, #tpu.memory_space<vmem>> -> memref<1x80xi32, #tpu.memory_space<vmem>>
      %dma_wait3A_92 = tpu.memref_squeeze %dma_wait3A_91 : memref<1x80xi32, #tpu.memory_space<vmem>> -> memref<80xi32, #tpu.memory_space<vmem>>
      %dma_wait3A_93 = arith.constant 0 : i32
      %dma_wait3A_94 = arith.constant 0 : i32
      %dma_wait3A_95 = tpu.memref_slice %arg2[%dma_wait3A_93, %dma_wait3A_94] : memref<10000x64xf32, #tpu.memory_space<hbm>> -> memref<10000x64xf32, #tpu.memory_space<hbm>>
      tpu.wait_indirect_dma semaphore(%arg15 : memref<!tpu.dma_semaphore, #tpu.memory_space<semaphore_mem>>) src(%dma_wait3A_95 : memref<10000x64xf32, #tpu.memory_space<hbm>>) dst(%arg8 : memref<80x64xf32, #tpu.memory_space<vmem>>)
      "tpu.region"() ({
        %run_scoped3A_151 = tpu.sem_alloc : memref<!tpu.dma_semaphore, #tpu.memory_space<semaphore_mem>>
        %dma_start3A_152 = arith.constant 0 : i32
        %dma_start3A_153 = tpu.memref_slice %arg6[%add3A_88, %dma_start3A_152] : memref<125x80xi32, #tpu.memory_space<vmem>> -> memref<1x80xi32, #tpu.memory_space<vmem>>
        %dma_start3A_154 = tpu.memref_squeeze %dma_start3A_153 : memref<1x80xi32, #tpu.memory_space<vmem>> -> memref<80xi32, #tpu.memory_space<vmem>>
        %dma_start3A_155 = arith.constant 0 : i32
        %dma_start3A_156 = arith.constant 0 : i32
        %dma_start3A_157 = tpu.memref_slice %arg13[%dma_start3A_155, %dma_start3A_156] : memref<10000x64xf32, #tpu.memory_space<vmem_shared>> -> memref<10000x64xf32, #tpu.memory_space<vmem_shared>>
        tpu.enqueue_indirect_dma source(%arg8 : memref<80x64xf32, #tpu.memory_space<vmem>>) target(%dma_start3A_157 : memref<10000x64xf32, #tpu.memory_space<vmem_shared>>) offsets(%dma_start3A_154 : memref<80xi32, #tpu.memory_space<vmem>>) semaphore(%run_scoped3A_151 : memref<!tpu.dma_semaphore, #tpu.memory_space<semaphore_mem>>) {add = true}
        %dma_wait3A_158 = arith.constant 0 : i32
        %dma_wait3A_159 = tpu.memref_slice %arg6[%add3A_88, %dma_wait3A_158] : memref<125x80xi32, #tpu.memory_space<vmem>> -> memref<1x80xi32, #tpu.memory_space<vmem>>
        %dma_wait3A_160 = tpu.memref_squeeze %dma_wait3A_159 : memref<1x80xi32, #tpu.memory_space<vmem>> -> memref<80xi32, #tpu.memory_space<vmem>>
        %dma_wait3A_161 = arith.constant 0 : i32
        %dma_wait3A_162 = arith.constant 0 : i32
        %dma_wait3A_163 = tpu.memref_slice %arg13[%dma_wait3A_161, %dma_wait3A_162] : memref<10000x64xf32, #tpu.memory_space<vmem_shared>> -> memref<10000x64xf32, #tpu.memory_space<vmem_shared>>
        tpu.wait_indirect_dma semaphore(%run_scoped3A_151 : memref<!tpu.dma_semaphore, #tpu.memory_space<semaphore_mem>>) src(%arg8 : memref<80x64xf32, #tpu.memory_space<vmem>>) dst(%dma_wait3A_163 : memref<10000x64xf32, #tpu.memory_space<vmem_shared>>)
        tpu.yield
      }) : () -> ()
      %add3A_96 = arith.constant 5 : i32
      %add3A_97 = arith.addi %add3A_88, %add3A_96 : i32
      %lt3A_98 = arith.constant 125 : i32
      %lt3A_99 = arith.cmpi slt, %add3A_97, %lt3A_98 : i32
      %convert_element_type3A_100 = arith.extui %lt3A_99 : i1 to i32
      %cond3A_101 = arith.constant 0 : i32
      %cond3A_102 = arith.cmpi ne, %convert_element_type3A_100, %cond3A_101 : i32
      scf.if %cond3A_102 {
        %add3A_151 = arith.constant 5 : i32
        %add3A_152 = arith.addi %add3A_88, %add3A_151 : i32
        %dma_start3A_153 = arith.constant 0 : i32
        %dma_start3A_154 = tpu.memref_slice %arg5[%add3A_152, %dma_start3A_153] : memref<125x80xi32, #tpu.memory_space<vmem>> -> memref<1x80xi32, #tpu.memory_space<vmem>>
        %dma_start3A_155 = tpu.memref_squeeze %dma_start3A_154 : memref<1x80xi32, #tpu.memory_space<vmem>> -> memref<80xi32, #tpu.memory_space<vmem>>
        %dma_start3A_156 = arith.constant 0 : i32
        %dma_start3A_157 = arith.constant 0 : i32
        %dma_start3A_158 = tpu.memref_slice %arg2[%dma_start3A_156, %dma_start3A_157] : memref<10000x64xf32, #tpu.memory_space<hbm>> -> memref<10000x64xf32, #tpu.memory_space<hbm>>
        tpu.enqueue_indirect_dma source(%dma_start3A_158 : memref<10000x64xf32, #tpu.memory_space<hbm>>) target(%arg8 : memref<80x64xf32, #tpu.memory_space<vmem>>) offsets(%dma_start3A_155 : memref<80xi32, #tpu.memory_space<vmem>>) semaphore(%arg15 : memref<!tpu.dma_semaphore, #tpu.memory_space<semaphore_mem>>)
      } else {
      }
      %add3A_103 = arith.constant 2 : i32
      %add3A_104 = arith.addi %mul3A_71, %add3A_103 : i32
      %dma_wait3A_105 = arith.constant 0 : i32
      %dma_wait3A_106 = arith.constant 0 : i32
      %dma_wait3A_107 = tpu.memref_slice %arg5[%dma_wait3A_105, %dma_wait3A_106] : memref<125x80xi32, #tpu.memory_space<vmem>> -> memref<1x80xi32, #tpu.memory_space<vmem>>
      %dma_wait3A_108 = tpu.memref_squeeze %dma_wait3A_107 : memref<1x80xi32, #tpu.memory_space<vmem>> -> memref<80xi32, #tpu.memory_space<vmem>>
      %dma_wait3A_109 = arith.constant 0 : i32
      %dma_wait3A_110 = arith.constant 0 : i32
      %dma_wait3A_111 = tpu.memref_slice %arg2[%dma_wait3A_109, %dma_wait3A_110] : memref<10000x64xf32, #tpu.memory_space<hbm>> -> memref<10000x64xf32, #tpu.memory_space<hbm>>
      tpu.wait_indirect_dma semaphore(%arg16 : memref<!tpu.dma_semaphore, #tpu.memory_space<semaphore_mem>>) src(%dma_wait3A_111 : memref<10000x64xf32, #tpu.memory_space<hbm>>) dst(%arg9 : memref<80x64xf32, #tpu.memory_space<vmem>>)
      "tpu.region"() ({
        %run_scoped3A_151 = tpu.sem_alloc : memref<!tpu.dma_semaphore, #tpu.memory_space<semaphore_mem>>
        %dma_start3A_152 = arith.constant 0 : i32
        %dma_start3A_153 = tpu.memref_slice %arg6[%add3A_104, %dma_start3A_152] : memref<125x80xi32, #tpu.memory_space<vmem>> -> memref<1x80xi32, #tpu.memory_space<vmem>>
        %dma_start3A_154 = tpu.memref_squeeze %dma_start3A_153 : memref<1x80xi32, #tpu.memory_space<vmem>> -> memref<80xi32, #tpu.memory_space<vmem>>
        %dma_start3A_155 = arith.constant 0 : i32
        %dma_start3A_156 = arith.constant 0 : i32
        %dma_start3A_157 = tpu.memref_slice %arg13[%dma_start3A_155, %dma_start3A_156] : memref<10000x64xf32, #tpu.memory_space<vmem_shared>> -> memref<10000x64xf32, #tpu.memory_space<vmem_shared>>
        tpu.enqueue_indirect_dma source(%arg9 : memref<80x64xf32, #tpu.memory_space<vmem>>) target(%dma_start3A_157 : memref<10000x64xf32, #tpu.memory_space<vmem_shared>>) offsets(%dma_start3A_154 : memref<80xi32, #tpu.memory_space<vmem>>) semaphore(%run_scoped3A_151 : memref<!tpu.dma_semaphore, #tpu.memory_space<semaphore_mem>>) {add = true}
        %dma_wait3A_158 = arith.constant 0 : i32
        %dma_wait3A_159 = tpu.memref_slice %arg6[%add3A_104, %dma_wait3A_158] : memref<125x80xi32, #tpu.memory_space<vmem>> -> memref<1x80xi32, #tpu.memory_space<vmem>>
        %dma_wait3A_160 = tpu.memref_squeeze %dma_wait3A_159 : memref<1x80xi32, #tpu.memory_space<vmem>> -> memref<80xi32, #tpu.memory_space<vmem>>
        %dma_wait3A_161 = arith.constant 0 : i32
        %dma_wait3A_162 = arith.constant 0 : i32
        %dma_wait3A_163 = tpu.memref_slice %arg13[%dma_wait3A_161, %dma_wait3A_162] : memref<10000x64xf32, #tpu.memory_space<vmem_shared>> -> memref<10000x64xf32, #tpu.memory_space<vmem_shared>>
        tpu.wait_indirect_dma semaphore(%run_scoped3A_151 : memref<!tpu.dma_semaphore, #tpu.memory_space<semaphore_mem>>) src(%arg9 : memref<80x64xf32, #tpu.memory_space<vmem>>) dst(%dma_wait3A_163 : memref<10000x64xf32, #tpu.memory_space<vmem_shared>>)
        tpu.yield
      }) : () -> ()
      %add3A_112 = arith.constant 5 : i32
      %add3A_113 = arith.addi %add3A_104, %add3A_112 : i32
      %lt3A_114 = arith.constant 125 : i32
      %lt3A_115 = arith.cmpi slt, %add3A_113, %lt3A_114 : i32
      %convert_element_type3A_116 = arith.extui %lt3A_115 : i1 to i32
      %cond3A_117 = arith.constant 0 : i32
      %cond3A_118 = arith.cmpi ne, %convert_element_type3A_116, %cond3A_117 : i32
      scf.if %cond3A_118 {
        %add3A_151 = arith.constant 5 : i32
        %add3A_152 = arith.addi %add3A_104, %add3A_151 : i32
        %dma_start3A_153 = arith.constant 0 : i32
        %dma_start3A_154 = tpu.memref_slice %arg5[%add3A_152, %dma_start3A_153] : memref<125x80xi32, #tpu.memory_space<vmem>> -> memref<1x80xi32, #tpu.memory_space<vmem>>
        %dma_start3A_155 = tpu.memref_squeeze %dma_start3A_154 : memref<1x80xi32, #tpu.memory_space<vmem>> -> memref<80xi32, #tpu.memory_space<vmem>>
        %dma_start3A_156 = arith.constant 0 : i32
        %dma_start3A_157 = arith.constant 0 : i32
        %dma_start3A_158 = tpu.memref_slice %arg2[%dma_start3A_156, %dma_start3A_157] : memref<10000x64xf32, #tpu.memory_space<hbm>> -> memref<10000x64xf32, #tpu.memory_space<hbm>>
        tpu.enqueue_indirect_dma source(%dma_start3A_158 : memref<10000x64xf32, #tpu.memory_space<hbm>>) target(%arg9 : memref<80x64xf32, #tpu.memory_space<vmem>>) offsets(%dma_start3A_155 : memref<80xi32, #tpu.memory_space<vmem>>) semaphore(%arg16 : memref<!tpu.dma_semaphore, #tpu.memory_space<semaphore_mem>>)
      } else {
      }
      %add3A_119 = arith.constant 3 : i32
      %add3A_120 = arith.addi %mul3A_71, %add3A_119 : i32
      %dma_wait3A_121 = arith.constant 0 : i32
      %dma_wait3A_122 = arith.constant 0 : i32
      %dma_wait3A_123 = tpu.memref_slice %arg5[%dma_wait3A_121, %dma_wait3A_122] : memref<125x80xi32, #tpu.memory_space<vmem>> -> memref<1x80xi32, #tpu.memory_space<vmem>>
      %dma_wait3A_124 = tpu.memref_squeeze %dma_wait3A_123 : memref<1x80xi32, #tpu.memory_space<vmem>> -> memref<80xi32, #tpu.memory_space<vmem>>
      %dma_wait3A_125 = arith.constant 0 : i32
      %dma_wait3A_126 = arith.constant 0 : i32
      %dma_wait3A_127 = tpu.memref_slice %arg2[%dma_wait3A_125, %dma_wait3A_126] : memref<10000x64xf32, #tpu.memory_space<hbm>> -> memref<10000x64xf32, #tpu.memory_space<hbm>>
      tpu.wait_indirect_dma semaphore(%arg17 : memref<!tpu.dma_semaphore, #tpu.memory_space<semaphore_mem>>) src(%dma_wait3A_127 : memref<10000x64xf32, #tpu.memory_space<hbm>>) dst(%arg10 : memref<80x64xf32, #tpu.memory_space<vmem>>)
      "tpu.region"() ({
        %run_scoped3A_151 = tpu.sem_alloc : memref<!tpu.dma_semaphore, #tpu.memory_space<semaphore_mem>>
        %dma_start3A_152 = arith.constant 0 : i32
        %dma_start3A_153 = tpu.memref_slice %arg6[%add3A_120, %dma_start3A_152] : memref<125x80xi32, #tpu.memory_space<vmem>> -> memref<1x80xi32, #tpu.memory_space<vmem>>
        %dma_start3A_154 = tpu.memref_squeeze %dma_start3A_153 : memref<1x80xi32, #tpu.memory_space<vmem>> -> memref<80xi32, #tpu.memory_space<vmem>>
        %dma_start3A_155 = arith.constant 0 : i32
        %dma_start3A_156 = arith.constant 0 : i32
        %dma_start3A_157 = tpu.memref_slice %arg13[%dma_start3A_155, %dma_start3A_156] : memref<10000x64xf32, #tpu.memory_space<vmem_shared>> -> memref<10000x64xf32, #tpu.memory_space<vmem_shared>>
        tpu.enqueue_indirect_dma source(%arg10 : memref<80x64xf32, #tpu.memory_space<vmem>>) target(%dma_start3A_157 : memref<10000x64xf32, #tpu.memory_space<vmem_shared>>) offsets(%dma_start3A_154 : memref<80xi32, #tpu.memory_space<vmem>>) semaphore(%run_scoped3A_151 : memref<!tpu.dma_semaphore, #tpu.memory_space<semaphore_mem>>) {add = true}
        %dma_wait3A_158 = arith.constant 0 : i32
        %dma_wait3A_159 = tpu.memref_slice %arg6[%add3A_120, %dma_wait3A_158] : memref<125x80xi32, #tpu.memory_space<vmem>> -> memref<1x80xi32, #tpu.memory_space<vmem>>
        %dma_wait3A_160 = tpu.memref_squeeze %dma_wait3A_159 : memref<1x80xi32, #tpu.memory_space<vmem>> -> memref<80xi32, #tpu.memory_space<vmem>>
        %dma_wait3A_161 = arith.constant 0 : i32
        %dma_wait3A_162 = arith.constant 0 : i32
        %dma_wait3A_163 = tpu.memref_slice %arg13[%dma_wait3A_161, %dma_wait3A_162] : memref<10000x64xf32, #tpu.memory_space<vmem_shared>> -> memref<10000x64xf32, #tpu.memory_space<vmem_shared>>
        tpu.wait_indirect_dma semaphore(%run_scoped3A_151 : memref<!tpu.dma_semaphore, #tpu.memory_space<semaphore_mem>>) src(%arg10 : memref<80x64xf32, #tpu.memory_space<vmem>>) dst(%dma_wait3A_163 : memref<10000x64xf32, #tpu.memory_space<vmem_shared>>)
        tpu.yield
      }) : () -> ()
      %add3A_128 = arith.constant 5 : i32
      %add3A_129 = arith.addi %add3A_120, %add3A_128 : i32
      %lt3A_130 = arith.constant 125 : i32
      %lt3A_131 = arith.cmpi slt, %add3A_129, %lt3A_130 : i32
      %convert_element_type3A_132 = arith.extui %lt3A_131 : i1 to i32
      %cond3A_133 = arith.constant 0 : i32
      %cond3A_134 = arith.cmpi ne, %convert_element_type3A_132, %cond3A_133 : i32
      scf.if %cond3A_134 {
        %add3A_151 = arith.constant 5 : i32
        %add3A_152 = arith.addi %add3A_120, %add3A_151 : i32
        %dma_start3A_153 = arith.constant 0 : i32
        %dma_start3A_154 = tpu.memref_slice %arg5[%add3A_152, %dma_start3A_153] : memref<125x80xi32, #tpu.memory_space<vmem>> -> memref<1x80xi32, #tpu.memory_space<vmem>>
        %dma_start3A_155 = tpu.memref_squeeze %dma_start3A_154 : memref<1x80xi32, #tpu.memory_space<vmem>> -> memref<80xi32, #tpu.memory_space<vmem>>
        %dma_start3A_156 = arith.constant 0 : i32
        %dma_start3A_157 = arith.constant 0 : i32
        %dma_start3A_158 = tpu.memref_slice %arg2[%dma_start3A_156, %dma_start3A_157] : memref<10000x64xf32, #tpu.memory_space<hbm>> -> memref<10000x64xf32, #tpu.memory_space<hbm>>
        tpu.enqueue_indirect_dma source(%dma_start3A_158 : memref<10000x64xf32, #tpu.memory_space<hbm>>) target(%arg10 : memref<80x64xf32, #tpu.memory_space<vmem>>) offsets(%dma_start3A_155 : memref<80xi32, #tpu.memory_space<vmem>>) semaphore(%arg17 : memref<!tpu.dma_semaphore, #tpu.memory_space<semaphore_mem>>)
      } else {
      }
      %add3A_135 = arith.constant 4 : i32
      %add3A_136 = arith.addi %mul3A_71, %add3A_135 : i32
      %dma_wait3A_137 = arith.constant 0 : i32
      %dma_wait3A_138 = arith.constant 0 : i32
      %dma_wait3A_139 = tpu.memref_slice %arg5[%dma_wait3A_137, %dma_wait3A_138] : memref<125x80xi32, #tpu.memory_space<vmem>> -> memref<1x80xi32, #tpu.memory_space<vmem>>
      %dma_wait3A_140 = tpu.memref_squeeze %dma_wait3A_139 : memref<1x80xi32, #tpu.memory_space<vmem>> -> memref<80xi32, #tpu.memory_space<vmem>>
      %dma_wait3A_141 = arith.constant 0 : i32
      %dma_wait3A_142 = arith.constant 0 : i32
      %dma_wait3A_143 = tpu.memref_slice %arg2[%dma_wait3A_141, %dma_wait3A_142] : memref<10000x64xf32, #tpu.memory_space<hbm>> -> memref<10000x64xf32, #tpu.memory_space<hbm>>
      tpu.wait_indirect_dma semaphore(%arg18 : memref<!tpu.dma_semaphore, #tpu.memory_space<semaphore_mem>>) src(%dma_wait3A_143 : memref<10000x64xf32, #tpu.memory_space<hbm>>) dst(%arg11 : memref<80x64xf32, #tpu.memory_space<vmem>>)
      "tpu.region"() ({
        %run_scoped3A_151 = tpu.sem_alloc : memref<!tpu.dma_semaphore, #tpu.memory_space<semaphore_mem>>
        %dma_start3A_152 = arith.constant 0 : i32
        %dma_start3A_153 = tpu.memref_slice %arg6[%add3A_136, %dma_start3A_152] : memref<125x80xi32, #tpu.memory_space<vmem>> -> memref<1x80xi32, #tpu.memory_space<vmem>>
        %dma_start3A_154 = tpu.memref_squeeze %dma_start3A_153 : memref<1x80xi32, #tpu.memory_space<vmem>> -> memref<80xi32, #tpu.memory_space<vmem>>
        %dma_start3A_155 = arith.constant 0 : i32
        %dma_start3A_156 = arith.constant 0 : i32
        %dma_start3A_157 = tpu.memref_slice %arg13[%dma_start3A_155, %dma_start3A_156] : memref<10000x64xf32, #tpu.memory_space<vmem_shared>> -> memref<10000x64xf32, #tpu.memory_space<vmem_shared>>
        tpu.enqueue_indirect_dma source(%arg11 : memref<80x64xf32, #tpu.memory_space<vmem>>) target(%dma_start3A_157 : memref<10000x64xf32, #tpu.memory_space<vmem_shared>>) offsets(%dma_start3A_154 : memref<80xi32, #tpu.memory_space<vmem>>) semaphore(%run_scoped3A_151 : memref<!tpu.dma_semaphore, #tpu.memory_space<semaphore_mem>>) {add = true}
        %dma_wait3A_158 = arith.constant 0 : i32
        %dma_wait3A_159 = tpu.memref_slice %arg6[%add3A_136, %dma_wait3A_158] : memref<125x80xi32, #tpu.memory_space<vmem>> -> memref<1x80xi32, #tpu.memory_space<vmem>>
        %dma_wait3A_160 = tpu.memref_squeeze %dma_wait3A_159 : memref<1x80xi32, #tpu.memory_space<vmem>> -> memref<80xi32, #tpu.memory_space<vmem>>
        %dma_wait3A_161 = arith.constant 0 : i32
        %dma_wait3A_162 = arith.constant 0 : i32
        %dma_wait3A_163 = tpu.memref_slice %arg13[%dma_wait3A_161, %dma_wait3A_162] : memref<10000x64xf32, #tpu.memory_space<vmem_shared>> -> memref<10000x64xf32, #tpu.memory_space<vmem_shared>>
        tpu.wait_indirect_dma semaphore(%run_scoped3A_151 : memref<!tpu.dma_semaphore, #tpu.memory_space<semaphore_mem>>) src(%arg11 : memref<80x64xf32, #tpu.memory_space<vmem>>) dst(%dma_wait3A_163 : memref<10000x64xf32, #tpu.memory_space<vmem_shared>>)
        tpu.yield
      }) : () -> ()
      %add3A_144 = arith.constant 5 : i32
      %add3A_145 = arith.addi %add3A_136, %add3A_144 : i32
      %lt3A_146 = arith.constant 125 : i32
      %lt3A_147 = arith.cmpi slt, %add3A_145, %lt3A_146 : i32
      %convert_element_type3A_148 = arith.extui %lt3A_147 : i1 to i32
      %cond3A_149 = arith.constant 0 : i32
      %cond3A_150 = arith.cmpi ne, %convert_element_type3A_148, %cond3A_149 : i32
      scf.if %cond3A_150 {
        %add3A_151 = arith.constant 5 : i32
        %add3A_152 = arith.addi %add3A_136, %add3A_151 : i32
        %dma_start3A_153 = arith.constant 0 : i32
        %dma_start3A_154 = tpu.memref_slice %arg5[%add3A_152, %dma_start3A_153] : memref<125x80xi32, #tpu.memory_space<vmem>> -> memref<1x80xi32, #tpu.memory_space<vmem>>
        %dma_start3A_155 = tpu.memref_squeeze %dma_start3A_154 : memref<1x80xi32, #tpu.memory_space<vmem>> -> memref<80xi32, #tpu.memory_space<vmem>>
        %dma_start3A_156 = arith.constant 0 : i32
        %dma_start3A_157 = arith.constant 0 : i32
        %dma_start3A_158 = tpu.memref_slice %arg2[%dma_start3A_156, %dma_start3A_157] : memref<10000x64xf32, #tpu.memory_space<hbm>> -> memref<10000x64xf32, #tpu.memory_space<hbm>>
        tpu.enqueue_indirect_dma source(%dma_start3A_158 : memref<10000x64xf32, #tpu.memory_space<hbm>>) target(%arg11 : memref<80x64xf32, #tpu.memory_space<vmem>>) offsets(%dma_start3A_155 : memref<80xi32, #tpu.memory_space<vmem>>) semaphore(%arg18 : memref<!tpu.dma_semaphore, #tpu.memory_space<semaphore_mem>>)
      } else {
      }
    }
    %scan3A_53 = arith.constant 25 : i32
    %barrier3A_54 = arith.constant 0 : index
    tpu.barrier barrier_id(%barrier3A_54)
    %add3A_55 = arith.constant 0 : i32
    %add3A_56 = arith.addi %arg1, %add3A_55 : i32
    %lt3A_57 = arith.constant 25 : i32
    %lt3A_58 = arith.cmpi slt, %add3A_56, %lt3A_57 : i32
    %convert_element_type3A_59 = arith.extui %lt3A_58 : i1 to i32
    %cond3A_60 = arith.constant 0 : i32
    %cond3A_61 = arith.cmpi ne, %convert_element_type3A_59, %cond3A_60 : i32
    scf.if %cond3A_61 {
      %mul3A_69 = arith.constant 400 : i32
      %mul3A_70 = arith.muli %add3A_56, %mul3A_69 : i32
      "tpu.region"() ({
        %run_scoped3A_71 = tpu.sem_alloc : memref<!tpu.dma_semaphore, #tpu.memory_space<semaphore_mem>>
        %dma_start3A_72 = arith.constant 0 : i32
        %dma_start3A_73 = tpu.memref_slice %arg13[%mul3A_70, %dma_start3A_72] : memref<10000x64xf32, #tpu.memory_space<vmem_shared>> -> memref<400x64xf32, #tpu.memory_space<vmem_shared>>
        %dma_start3A_74 = arith.constant 0 : i32
        %dma_start3A_75 = tpu.memref_slice %arg13[%mul3A_70, %dma_start3A_74] : memref<10000x64xf32, #tpu.memory_space<vmem_shared>> -> memref<400x64xf32, #tpu.memory_space<vmem_shared>>
        tpu.enqueue_dma source(%dma_start3A_75 : memref<400x64xf32, #tpu.memory_space<vmem_shared>>) target(%arg12 : memref<400x64xf32, #tpu.memory_space<vmem>>) target_semaphore(%run_scoped3A_71 : memref<!tpu.dma_semaphore, #tpu.memory_space<semaphore_mem>>)
        %dma_wait3A = arith.constant 0 : i32
        %dma_wait3A_76 = tpu.memref_slice %arg13[%mul3A_70, %dma_wait3A] : memref<10000x64xf32, #tpu.memory_space<vmem_shared>> -> memref<400x64xf32, #tpu.memory_space<vmem_shared>>
        %dma_wait3A_77 = arith.constant 0 : i32
        %dma_wait3A_78 = tpu.memref_slice %arg13[%mul3A_70, %dma_wait3A_77] : memref<10000x64xf32, #tpu.memory_space<vmem_shared>> -> memref<400x64xf32, #tpu.memory_space<vmem_shared>>
        tpu.wait_dma2 semaphore(%run_scoped3A_71 : memref<!tpu.dma_semaphore, #tpu.memory_space<semaphore_mem>>) src(%dma_wait3A_78 : memref<400x64xf32, #tpu.memory_space<vmem_shared>>) dst(%arg12 : memref<400x64xf32, #tpu.memory_space<vmem>>)
        tpu.yield
      }) : () -> ()
      "tpu.region"() ({
        %run_scoped3A_71 = tpu.sem_alloc : memref<!tpu.dma_semaphore, #tpu.memory_space<semaphore_mem>>
        %dma_start3A_72 = arith.constant 0 : i32
        %dma_start3A_73 = tpu.memref_slice %arg4[%arg0, %mul3A_70, %dma_start3A_72] : memref<2x10000x64xf32, #tpu.memory_space<hbm>> -> memref<1x400x64xf32, #tpu.memory_space<hbm>>
        %dma_start3A_74 = tpu.memref_squeeze %dma_start3A_73 : memref<1x400x64xf32, #tpu.memory_space<hbm>> -> memref<400x64xf32, #tpu.memory_space<hbm>>
        %dma_start3A_75 = arith.constant 0 : i32
        %dma_start3A_76 = tpu.memref_slice %arg4[%arg0, %mul3A_70, %dma_start3A_75] : memref<2x10000x64xf32, #tpu.memory_space<hbm>> -> memref<1x400x64xf32, #tpu.memory_space<hbm>>
        %dma_start3A_77 = tpu.memref_squeeze %dma_start3A_76 : memref<1x400x64xf32, #tpu.memory_space<hbm>> -> memref<400x64xf32, #tpu.memory_space<hbm>>
        tpu.enqueue_dma source(%arg12 : memref<400x64xf32, #tpu.memory_space<vmem>>) target(%dma_start3A_77 : memref<400x64xf32, #tpu.memory_space<hbm>>) target_semaphore(%run_scoped3A_71 : memref<!tpu.dma_semaphore, #tpu.memory_space<semaphore_mem>>)
        %dma_wait3A = arith.constant 0 : i32
        %dma_wait3A_78 = tpu.memref_slice %arg4[%arg0, %mul3A_70, %dma_wait3A] : memref<2x10000x64xf32, #tpu.memory_space<hbm>> -> memref<1x400x64xf32, #tpu.memory_space<hbm>>
        %dma_wait3A_79 = tpu.memref_squeeze %dma_wait3A_78 : memref<1x400x64xf32, #tpu.memory_space<hbm>> -> memref<400x64xf32, #tpu.memory_space<hbm>>
        %dma_wait3A_80 = arith.constant 0 : i32
        %dma_wait3A_81 = tpu.memref_slice %arg4[%arg0, %mul3A_70, %dma_wait3A_80] : memref<2x10000x64xf32, #tpu.memory_space<hbm>> -> memref<1x400x64xf32, #tpu.memory_space<hbm>>
        %dma_wait3A_82 = tpu.memref_squeeze %dma_wait3A_81 : memref<1x400x64xf32, #tpu.memory_space<hbm>> -> memref<400x64xf32, #tpu.memory_space<hbm>>
        tpu.wait_dma2 semaphore(%run_scoped3A_71 : memref<!tpu.dma_semaphore, #tpu.memory_space<semaphore_mem>>) src(%arg12 : memref<400x64xf32, #tpu.memory_space<vmem>>) dst(%dma_wait3A_82 : memref<400x64xf32, #tpu.memory_space<hbm>>)
        tpu.yield
      }) : () -> ()
    } else {
    }
    %add3A_62 = arith.constant 16 : i32
    %add3A_63 = arith.addi %arg1, %add3A_62 : i32
    %lt3A_64 = arith.constant 25 : i32
    %lt3A_65 = arith.cmpi slt, %add3A_63, %lt3A_64 : i32
    %convert_element_type3A_66 = arith.extui %lt3A_65 : i1 to i32
    %cond3A_67 = arith.constant 0 : i32
    %cond3A_68 = arith.cmpi ne, %convert_element_type3A_66, %cond3A_67 : i32
    scf.if %cond3A_68 {
      %mul3A_69 = arith.constant 400 : i32
      %mul3A_70 = arith.muli %add3A_63, %mul3A_69 : i32
      "tpu.region"() ({
        %run_scoped3A_71 = tpu.sem_alloc : memref<!tpu.dma_semaphore, #tpu.memory_space<semaphore_mem>>
        %dma_start3A_72 = arith.constant 0 : i32
        %dma_start3A_73 = tpu.memref_slice %arg13[%mul3A_70, %dma_start3A_72] : memref<10000x64xf32, #tpu.memory_space<vmem_shared>> -> memref<400x64xf32, #tpu.memory_space<vmem_shared>>
        %dma_start3A_74 = arith.constant 0 : i32
        %dma_start3A_75 = tpu.memref_slice %arg13[%mul3A_70, %dma_start3A_74] : memref<10000x64xf32, #tpu.memory_space<vmem_shared>> -> memref<400x64xf32, #tpu.memory_space<vmem_shared>>
        tpu.enqueue_dma source(%dma_start3A_75 : memref<400x64xf32, #tpu.memory_space<vmem_shared>>) target(%arg12 : memref<400x64xf32, #tpu.memory_space<vmem>>) target_semaphore(%run_scoped3A_71 : memref<!tpu.dma_semaphore, #tpu.memory_space<semaphore_mem>>)
        %dma_wait3A = arith.constant 0 : i32
        %dma_wait3A_76 = tpu.memref_slice %arg13[%mul3A_70, %dma_wait3A] : memref<10000x64xf32, #tpu.memory_space<vmem_shared>> -> memref<400x64xf32, #tpu.memory_space<vmem_shared>>
        %dma_wait3A_77 = arith.constant 0 : i32
        %dma_wait3A_78 = tpu.memref_slice %arg13[%mul3A_70, %dma_wait3A_77] : memref<10000x64xf32, #tpu.memory_space<vmem_shared>> -> memref<400x64xf32, #tpu.memory_space<vmem_shared>>
        tpu.wait_dma2 semaphore(%run_scoped3A_71 : memref<!tpu.dma_semaphore, #tpu.memory_space<semaphore_mem>>) src(%dma_wait3A_78 : memref<400x64xf32, #tpu.memory_space<vmem_shared>>) dst(%arg12 : memref<400x64xf32, #tpu.memory_space<vmem>>)
        tpu.yield
      }) : () -> ()
      "tpu.region"() ({
        %run_scoped3A_71 = tpu.sem_alloc : memref<!tpu.dma_semaphore, #tpu.memory_space<semaphore_mem>>
        %dma_start3A_72 = arith.constant 0 : i32
        %dma_start3A_73 = tpu.memref_slice %arg4[%arg0, %mul3A_70, %dma_start3A_72] : memref<2x10000x64xf32, #tpu.memory_space<hbm>> -> memref<1x400x64xf32, #tpu.memory_space<hbm>>
        %dma_start3A_74 = tpu.memref_squeeze %dma_start3A_73 : memref<1x400x64xf32, #tpu.memory_space<hbm>> -> memref<400x64xf32, #tpu.memory_space<hbm>>
        %dma_start3A_75 = arith.constant 0 : i32
        %dma_start3A_76 = tpu.memref_slice %arg4[%arg0, %mul3A_70, %dma_start3A_75] : memref<2x10000x64xf32, #tpu.memory_space<hbm>> -> memref<1x400x64xf32, #tpu.memory_space<hbm>>
        %dma_start3A_77 = tpu.memref_squeeze %dma_start3A_76 : memref<1x400x64xf32, #tpu.memory_space<hbm>> -> memref<400x64xf32, #tpu.memory_space<hbm>>
        tpu.enqueue_dma source(%arg12 : memref<400x64xf32, #tpu.memory_space<vmem>>) target(%dma_start3A_77 : memref<400x64xf32, #tpu.memory_space<hbm>>) target_semaphore(%run_scoped3A_71 : memref<!tpu.dma_semaphore, #tpu.memory_space<semaphore_mem>>)
        %dma_wait3A = arith.constant 0 : i32
        %dma_wait3A_78 = tpu.memref_slice %arg4[%arg0, %mul3A_70, %dma_wait3A] : memref<2x10000x64xf32, #tpu.memory_space<hbm>> -> memref<1x400x64xf32, #tpu.memory_space<hbm>>
        %dma_wait3A_79 = tpu.memref_squeeze %dma_wait3A_78 : memref<1x400x64xf32, #tpu.memory_space<hbm>> -> memref<400x64xf32, #tpu.memory_space<hbm>>
        %dma_wait3A_80 = arith.constant 0 : i32
        %dma_wait3A_81 = tpu.memref_slice %arg4[%arg0, %mul3A_70, %dma_wait3A_80] : memref<2x10000x64xf32, #tpu.memory_space<hbm>> -> memref<1x400x64xf32, #tpu.memory_space<hbm>>
        %dma_wait3A_82 = tpu.memref_squeeze %dma_wait3A_81 : memref<1x400x64xf32, #tpu.memory_space<hbm>> -> memref<400x64xf32, #tpu.memory_space<hbm>>
        tpu.wait_dma2 semaphore(%run_scoped3A_71 : memref<!tpu.dma_semaphore, #tpu.memory_space<semaphore_mem>>) src(%arg12 : memref<400x64xf32, #tpu.memory_space<vmem>>) dst(%dma_wait3A_82 : memref<400x64xf32, #tpu.memory_space<hbm>>)
        tpu.yield
      }) : () -> ()
    } else {
    }
    return
  }
}

module attributes {stable_mosaic.version = 14 : i64} {
  func.func @_tc_mm1_body(%arg0: i32, %arg1: memref<2000x128xf32, #tpu.memory_space<vmem>>, %arg2: memref<128x64xf32, #tpu.memory_space<vmem>>, %arg3: memref<2000x64xf32, #tpu.memory_space<vmem>>) attributes {dimension_semantics = [#tpu.dimension_semantics<arbitrary>], iteration_bounds = array<i64: 5>, scalar_prefetch = 0 : i64, scratch_operands = 0 : i64, tpu.core_type = #tpu.core_type<tc>, window_params = [{transform_indices = @transform_0, window_bounds = array<i64: 2000, 128>}, {pipeline_mode = #tpu.pipeline_mode<synchronous>, transform_indices = @transform_1, window_bounds = array<i64: 128, 64>}, {transform_indices = @transform_2, window_bounds = array<i64: 2000, 64>}]} {
    %get3A = arith.constant 0 : index
    %get3A_0 = arith.constant 0 : index
    %get3A_1 = vector.load %arg1[%get3A, %get3A_0] : memref<2000x128xf32, #tpu.memory_space<vmem>>, vector<2000x128xf32>
    %get3A_2 = arith.constant 0 : index
    %get3A_3 = arith.constant 0 : index
    %get3A_4 = vector.load %arg2[%get3A_2, %get3A_3] : memref<128x64xf32, #tpu.memory_space<vmem>>, vector<128x64xf32>
    %dot_general3A = arith.constant dense<0.000000e+00> : vector<2000x64xf32>
    %dot_general3A_5 = tpu.matmul %get3A_1, %get3A_4, %dot_general3A {dimension_numbers = #tpu.dot_dimension_numbers<[1], [0], [0], [1], [0, 0, 1, 1], [], []>, transpose_lhs_hint = false} : vector<2000x128xf32>, vector<128x64xf32>, vector<2000x64xf32> -> vector<2000x64xf32>
    %swap3A = arith.constant 0 : index
    %swap3A_6 = arith.constant 0 : index
    %swap3A_7 = vector.load %arg3[%swap3A, %swap3A_6] : memref<2000x64xf32, #tpu.memory_space<vmem>>, vector<2000x64xf32>
    tpu.vector_store %arg3[%swap3A, %swap3A_6], %dot_general3A_5 {strides = array<i32>} : memref<2000x64xf32, #tpu.memory_space<vmem>>, vector<2000x64xf32>,
    return
  }
  func.func @transform_0(%arg0: i32) -> (i32, i32) {
    %c0_i32 = arith.constant 0 : i32
    %c0_i32_0 = arith.constant 0 : i32
    return %arg0, %c0_i32 : i32, i32
  }
  func.func @transform_1(%arg0: i32) -> (i32, i32) {
    %c0_i32 = arith.constant 0 : i32
    %c0_i32_0 = arith.constant 0 : i32
    %c0_i32_1 = arith.constant 0 : i32
    return %c0_i32, %c0_i32_0 : i32, i32
  }
  func.func @transform_2(%arg0: i32) -> (i32, i32) {
    %c0_i32 = arith.constant 0 : i32
    %c0_i32_0 = arith.constant 0 : i32
    return %arg0, %c0_i32 : i32, i32
  }
}

module attributes {stable_mosaic.version = 14 : i64} {
  func.func @_tc_scale_body(%arg0: i32, %arg1: memref<2000x64xf32, #tpu.memory_space<vmem>>, %arg2: memref<2000x2xf32, #tpu.memory_space<vmem>>, %arg3: memref<2000x64xf32, #tpu.memory_space<vmem>>) attributes {dimension_semantics = [#tpu.dimension_semantics<arbitrary>], iteration_bounds = array<i64: 5>, scalar_prefetch = 0 : i64, scratch_operands = 0 : i64, tpu.core_type = #tpu.core_type<tc>, window_params = [{transform_indices = @transform_0, window_bounds = array<i64: 2000, 64>}, {transform_indices = @transform_1, window_bounds = array<i64: 2000, 2>}, {transform_indices = @transform_2, window_bounds = array<i64: 2000, 64>}]} {
    %get3A = arith.constant 0 : index
    %get3A_0 = arith.constant 0 : index
    %get3A_1 = vector.load %arg1[%get3A, %get3A_0] : memref<2000x64xf32, #tpu.memory_space<vmem>>, vector<2000x64xf32>
    %get3A_2 = arith.constant 0 : index
    %get3A_3 = arith.constant 0 : index
    %get3A_4 = vector.load %arg2[%get3A_2, %get3A_3] : memref<2000x2xf32, #tpu.memory_space<vmem>>, vector<2000x1xf32>
    %get3A_5 = arith.constant 0 : index
    %get3A_6 = arith.constant 1 : index
    %get3A_7 = vector.load %arg2[%get3A_5, %get3A_6] : memref<2000x2xf32, #tpu.memory_space<vmem>>, vector<2000x1xf32>
    %add3A = arith.addf %get3A_4, %get3A_7 : vector<2000x1xf32>
    %sub3A = arith.constant 1.000000e+00 : f32
    %sub3A_8 = vector.broadcast %sub3A : f32 to vector<2000x1xf32>
    %sub3A_9 = arith.subf %add3A, %sub3A_8 : vector<2000x1xf32>
    %rsqrt3A = math.rsqrt %sub3A_9 : vector<2000x1xf32>
    %mul3A = vector.broadcast %rsqrt3A : vector<2000x1xf32> to vector<2000x64xf32>
    %mul3A_10 = arith.mulf %get3A_1, %mul3A : vector<2000x64xf32>
    %swap3A = arith.constant 0 : index
    %swap3A_11 = arith.constant 0 : index
    %swap3A_12 = vector.load %arg3[%swap3A, %swap3A_11] : memref<2000x64xf32, #tpu.memory_space<vmem>>, vector<2000x64xf32>
    tpu.vector_store %arg3[%swap3A, %swap3A_11], %mul3A_10 {strides = array<i32>} : memref<2000x64xf32, #tpu.memory_space<vmem>>, vector<2000x64xf32>,
    return
  }
  func.func @transform_0(%arg0: i32) -> (i32, i32) {
    %c0_i32 = arith.constant 0 : i32
    %c0_i32_0 = arith.constant 0 : i32
    return %arg0, %c0_i32 : i32, i32
  }
  func.func @transform_1(%arg0: i32) -> (i32, i32) {
    %c0_i32 = arith.constant 0 : i32
    %c0_i32_0 = arith.constant 0 : i32
    return %arg0, %c0_i32 : i32, i32
  }
  func.func @transform_2(%arg0: i32) -> (i32, i32) {
    %c0_i32 = arith.constant 0 : i32
    %c0_i32_0 = arith.constant 0 : i32
    return %arg0, %c0_i32 : i32, i32
  }
}

module attributes {stable_mosaic.version = 14 : i64} {
  func.func @_tc_out_body(%arg0: i32, %arg1: memref<2x2000x64xf32, #tpu.memory_space<vmem>>, %arg2: memref<2000x64xf32, #tpu.memory_space<vmem>>, %arg3: memref<2000x2xf32, #tpu.memory_space<vmem>>, %arg4: memref<64x128xf32, #tpu.memory_space<vmem>>, %arg5: memref<1x128xf32, #tpu.memory_space<vmem>>, %arg6: memref<2000x128xf32, #tpu.memory_space<vmem>>) attributes {dimension_semantics = [#tpu.dimension_semantics<arbitrary>], iteration_bounds = array<i64: 5>, scalar_prefetch = 0 : i64, scratch_operands = 0 : i64, tpu.core_type = #tpu.core_type<tc>, window_params = [{transform_indices = @transform_0, window_bounds = array<i64: 2, 2000, 64>}, {transform_indices = @transform_1, window_bounds = array<i64: 2000, 64>}, {transform_indices = @transform_2, window_bounds = array<i64: 2000, 2>}, {pipeline_mode = #tpu.pipeline_mode<synchronous>, transform_indices = @transform_3, window_bounds = array<i64: 64, 128>}, {pipeline_mode = #tpu.pipeline_mode<synchronous>, transform_indices = @transform_4, window_bounds = array<i64: 1, 128>}, {transform_indices = @transform_5, window_bounds = array<i64: 2000, 128>}]} {
    %get3A = arith.constant 0 : index
    %get3A_0 = arith.constant 0 : index
    %get3A_1 = vector.load %arg3[%get3A, %get3A_0] : memref<2000x2xf32, #tpu.memory_space<vmem>>, vector<2000x1xf32>
    %get3A_2 = arith.constant 0 : index
    %get3A_3 = arith.constant 1 : index
    %get3A_4 = vector.load %arg3[%get3A_2, %get3A_3] : memref<2000x2xf32, #tpu.memory_space<vmem>>, vector<2000x1xf32>
    %add3A = arith.addf %get3A_1, %get3A_4 : vector<2000x1xf32>
    %sub3A = arith.constant 1.000000e+00 : f32
    %sub3A_5 = vector.broadcast %sub3A : f32 to vector<2000x1xf32>
    %sub3A_6 = arith.subf %add3A, %sub3A_5 : vector<2000x1xf32>
    %rsqrt3A = math.rsqrt %sub3A_6 : vector<2000x1xf32>
    %get3A_7 = arith.constant 0 : index
    %get3A_8 = arith.constant 0 : index
    %get3A_9 = arith.constant 0 : index
    %get3A_10 = vector.load %arg1[%get3A_7, %get3A_8, %get3A_9] : memref<2x2000x64xf32, #tpu.memory_space<vmem>>, vector<1x2000x64xf32>
    %get3A_11 = vector.shape_cast %get3A_10 : vector<1x2000x64xf32> to vector<2000x64xf32>
    %get3A_12 = arith.constant 1 : index
    %get3A_13 = arith.constant 0 : index
    %get3A_14 = arith.constant 0 : index
    %get3A_15 = vector.load %arg1[%get3A_12, %get3A_13, %get3A_14] : memref<2x2000x64xf32, #tpu.memory_space<vmem>>, vector<1x2000x64xf32>
    %get3A_16 = vector.shape_cast %get3A_15 : vector<1x2000x64xf32> to vector<2000x64xf32>
    %add3A_17 = arith.addf %get3A_11, %get3A_16 : vector<2000x64xf32>
    %get3A_18 = arith.constant 0 : index
    %get3A_19 = arith.constant 0 : index
    %get3A_20 = vector.load %arg2[%get3A_18, %get3A_19] : memref<2000x64xf32, #tpu.memory_space<vmem>>, vector<2000x64xf32>
    %sub3A_21 = arith.subf %add3A_17, %get3A_20 : vector<2000x64xf32>
    %mul3A = vector.broadcast %rsqrt3A : vector<2000x1xf32> to vector<2000x64xf32>
    %mul3A_22 = arith.mulf %sub3A_21, %mul3A : vector<2000x64xf32>
    %get3A_23 = arith.constant 0 : index
    %get3A_24 = arith.constant 0 : index
    %get3A_25 = vector.load %arg4[%get3A_23, %get3A_24] : memref<64x128xf32, #tpu.memory_space<vmem>>, vector<64x128xf32>
    %dot_general3A = arith.constant dense<0.000000e+00> : vector<2000x128xf32>
    %dot_general3A_26 = tpu.matmul %mul3A_22, %get3A_25, %dot_general3A {dimension_numbers = #tpu.dot_dimension_numbers<[1], [0], [0], [1], [0, 0, 1, 1], [], []>, transpose_lhs_hint = false} : vector<2000x64xf32>, vector<64x128xf32>, vector<2000x128xf32> -> vector<2000x128xf32>
    %get3A_27 = arith.constant 0 : index
    %get3A_28 = arith.constant 0 : index
    %get3A_29 = vector.load %arg5[%get3A_27, %get3A_28] : memref<1x128xf32, #tpu.memory_space<vmem>>, vector<1x128xf32>
    %add3A_30 = vector.broadcast %get3A_29 : vector<1x128xf32> to vector<2000x128xf32>
    %add3A_31 = arith.addf %dot_general3A_26, %add3A_30 : vector<2000x128xf32>
    %reduce_max3A = arith.constant dense<0xFF800000> : vector<2000xf32>
    %reduce_max3A_32 = vector.multi_reduction <maximumf>, %add3A_31, %reduce_max3A [1] : vector<2000x128xf32> to vector<2000xf32>
    %broadcast_in_dim3A = vector.shape_cast %reduce_max3A_32 : vector<2000xf32> to vector<2000x1xf32>
    %sub3A_33 = vector.broadcast %broadcast_in_dim3A : vector<2000x1xf32> to vector<2000x128xf32>
    %sub3A_34 = arith.subf %add3A_31, %sub3A_33 : vector<2000x128xf32>
    %exp3A = math.exp %sub3A_34 : vector<2000x128xf32>
    %reduce_sum3A = arith.constant dense<0.000000e+00> : vector<2000xf32>
    %reduce_sum3A_35 = vector.multi_reduction <add>, %exp3A, %reduce_sum3A [1] : vector<2000x128xf32> to vector<2000xf32>
    %broadcast_in_dim3A_36 = vector.shape_cast %reduce_sum3A_35 : vector<2000xf32> to vector<2000x1xf32>
    %log3A = math.log %broadcast_in_dim3A_36 : vector<2000x1xf32>
    %sub3A_37 = vector.broadcast %broadcast_in_dim3A : vector<2000x1xf32> to vector<2000x128xf32>
    %sub3A_38 = arith.subf %add3A_31, %sub3A_37 : vector<2000x128xf32>
    %sub3A_39 = vector.broadcast %log3A : vector<2000x1xf32> to vector<2000x128xf32>
    %sub3A_40 = arith.subf %sub3A_38, %sub3A_39 : vector<2000x128xf32>
    %swap3A = arith.constant 0 : index
    %swap3A_41 = arith.constant 0 : index
    %swap3A_42 = vector.load %arg6[%swap3A, %swap3A_41] : memref<2000x128xf32, #tpu.memory_space<vmem>>, vector<2000x128xf32>
    tpu.vector_store %arg6[%swap3A, %swap3A_41], %sub3A_40 {strides = array<i32>} : memref<2000x128xf32, #tpu.memory_space<vmem>>, vector<2000x128xf32>,
    return
  }
  func.func @transform_0(%arg0: i32) -> (i32, i32, i32) {
    %c0_i32 = arith.constant 0 : i32
    %c0_i32_0 = arith.constant 0 : i32
    %c0_i32_1 = arith.constant 0 : i32
    return %c0_i32, %arg0, %c0_i32_0 : i32, i32, i32
  }
  func.func @transform_1(%arg0: i32) -> (i32, i32) {
    %c0_i32 = arith.constant 0 : i32
    %c0_i32_0 = arith.constant 0 : i32
    return %arg0, %c0_i32 : i32, i32
  }
  func.func @transform_2(%arg0: i32) -> (i32, i32) {
    %c0_i32 = arith.constant 0 : i32
    %c0_i32_0 = arith.constant 0 : i32
    return %arg0, %c0_i32 : i32, i32
  }
  func.func @transform_3(%arg0: i32) -> (i32, i32) {
    %c0_i32 = arith.constant 0 : i32
    %c0_i32_0 = arith.constant 0 : i32
    %c0_i32_1 = arith.constant 0 : i32
    return %c0_i32, %c0_i32_0 : i32, i32
  }
  func.func @transform_4(%arg0: i32) -> (i32, i32) {
    %c0_i32 = arith.constant 0 : i32
    %c0_i32_0 = arith.constant 0 : i32
    %c0_i32_1 = arith.constant 0 : i32
    return %c0_i32, %c0_i32_0 : i32, i32
  }
  func.func @transform_5(%arg0: i32) -> (i32, i32) {
    %c0_i32 = arith.constant 0 : i32
    %c0_i32_0 = arith.constant 0 : i32
    return %arg0, %c0_i32 : i32, i32
  }
}

module attributes {stable_mosaic.version = 14 : i64} {
  func.func @_tc_mid_body(%arg0: i32, %arg1: memref<2x2000x64xf32, #tpu.memory_space<vmem>>, %arg2: memref<2000x64xf32, #tpu.memory_space<vmem>>, %arg3: memref<2000x2xf32, #tpu.memory_space<vmem>>, %arg4: memref<1x64xf32, #tpu.memory_space<vmem>>, %arg5: memref<2000x64xf32, #tpu.memory_space<vmem>>) attributes {dimension_semantics = [#tpu.dimension_semantics<arbitrary>], iteration_bounds = array<i64: 5>, scalar_prefetch = 0 : i64, scratch_operands = 0 : i64, tpu.core_type = #tpu.core_type<tc>, window_params = [{transform_indices = @transform_0, window_bounds = array<i64: 2, 2000, 64>}, {transform_indices = @transform_1, window_bounds = array<i64: 2000, 64>}, {transform_indices = @transform_2, window_bounds = array<i64: 2000, 2>}, {pipeline_mode = #tpu.pipeline_mode<synchronous>, transform_indices = @transform_3, window_bounds = array<i64: 1, 64>}, {transform_indices = @transform_4, window_bounds = array<i64: 2000, 64>}]} {
    %get3A = arith.constant 0 : index
    %get3A_0 = arith.constant 0 : index
    %get3A_1 = vector.load %arg3[%get3A, %get3A_0] : memref<2000x2xf32, #tpu.memory_space<vmem>>, vector<2000x1xf32>
    %get3A_2 = arith.constant 0 : index
    %get3A_3 = arith.constant 1 : index
    %get3A_4 = vector.load %arg3[%get3A_2, %get3A_3] : memref<2000x2xf32, #tpu.memory_space<vmem>>, vector<2000x1xf32>
    %add3A = arith.addf %get3A_1, %get3A_4 : vector<2000x1xf32>
    %sub3A = arith.constant 1.000000e+00 : f32
    %sub3A_5 = vector.broadcast %sub3A : f32 to vector<2000x1xf32>
    %sub3A_6 = arith.subf %add3A, %sub3A_5 : vector<2000x1xf32>
    %rsqrt3A = math.rsqrt %sub3A_6 : vector<2000x1xf32>
    %get3A_7 = arith.constant 0 : index
    %get3A_8 = arith.constant 0 : index
    %get3A_9 = arith.constant 0 : index
    %get3A_10 = vector.load %arg1[%get3A_7, %get3A_8, %get3A_9] : memref<2x2000x64xf32, #tpu.memory_space<vmem>>, vector<1x2000x64xf32>
    %get3A_11 = vector.shape_cast %get3A_10 : vector<1x2000x64xf32> to vector<2000x64xf32>
    %get3A_12 = arith.constant 1 : index
    %get3A_13 = arith.constant 0 : index
    %get3A_14 = arith.constant 0 : index
    %get3A_15 = vector.load %arg1[%get3A_12, %get3A_13, %get3A_14] : memref<2x2000x64xf32, #tpu.memory_space<vmem>>, vector<1x2000x64xf32>
    %get3A_16 = vector.shape_cast %get3A_15 : vector<1x2000x64xf32> to vector<2000x64xf32>
    %add3A_17 = arith.addf %get3A_11, %get3A_16 : vector<2000x64xf32>
    %get3A_18 = arith.constant 0 : index
    %get3A_19 = arith.constant 0 : index
    %get3A_20 = vector.load %arg2[%get3A_18, %get3A_19] : memref<2000x64xf32, #tpu.memory_space<vmem>>, vector<2000x64xf32>
    %sub3A_21 = arith.subf %add3A_17, %get3A_20 : vector<2000x64xf32>
    %mul3A = vector.broadcast %rsqrt3A : vector<2000x1xf32> to vector<2000x64xf32>
    %mul3A_22 = arith.mulf %sub3A_21, %mul3A : vector<2000x64xf32>
    %get3A_23 = arith.constant 0 : index
    %get3A_24 = arith.constant 0 : index
    %get3A_25 = vector.load %arg4[%get3A_23, %get3A_24] : memref<1x64xf32, #tpu.memory_space<vmem>>, vector<1x64xf32>
    %add3A_26 = vector.broadcast %get3A_25 : vector<1x64xf32> to vector<2000x64xf32>
    %add3A_27 = arith.addf %mul3A_22, %add3A_26 : vector<2000x64xf32>
    %max3A = arith.constant 0.000000e+00 : f32
    %max3A_28 = vector.broadcast %max3A : f32 to vector<2000x64xf32>
    %max3A_29 = arith.maximumf %add3A_27, %max3A_28 : vector<2000x64xf32>
    %mul3A_30 = vector.broadcast %rsqrt3A : vector<2000x1xf32> to vector<2000x64xf32>
    %mul3A_31 = arith.mulf %max3A_29, %mul3A_30 : vector<2000x64xf32>
    %swap3A = arith.constant 0 : index
    %swap3A_32 = arith.constant 0 : index
    %swap3A_33 = vector.load %arg5[%swap3A, %swap3A_32] : memref<2000x64xf32, #tpu.memory_space<vmem>>, vector<2000x64xf32>
    tpu.vector_store %arg5[%swap3A, %swap3A_32], %mul3A_31 {strides = array<i32>} : memref<2000x64xf32, #tpu.memory_space<vmem>>, vector<2000x64xf32>,
    return
  }
  func.func @transform_0(%arg0: i32) -> (i32, i32, i32) {
    %c0_i32 = arith.constant 0 : i32
    %c0_i32_0 = arith.constant 0 : i32
    %c0_i32_1 = arith.constant 0 : i32
    return %c0_i32, %arg0, %c0_i32_0 : i32, i32, i32
  }
  func.func @transform_1(%arg0: i32) -> (i32, i32) {
    %c0_i32 = arith.constant 0 : i32
    %c0_i32_0 = arith.constant 0 : i32
    return %arg0, %c0_i32 : i32, i32
  }
  func.func @transform_2(%arg0: i32) -> (i32, i32) {
    %c0_i32 = arith.constant 0 : i32
    %c0_i32_0 = arith.constant 0 : i32
    return %arg0, %c0_i32 : i32, i32
  }
  func.func @transform_3(%arg0: i32) -> (i32, i32) {
    %c0_i32 = arith.constant 0 : i32
    %c0_i32_0 = arith.constant 0 : i32
    %c0_i32_1 = arith.constant 0 : i32
    return %c0_i32, %c0_i32_0 : i32, i32
  }
  func.func @transform_4(%arg0: i32) -> (i32, i32) {
    %c0_i32 = arith.constant 0 : i32
    %c0_i32_0 = arith.constant 0 : i32
    return %arg0, %c0_i32 : i32, i32
  }
}

</mosaic_0001>

<sc_bundles>
// kernel: kernel.12.cloned.1.call-start
scs
__scs_entry_jumppad:
0x0: {  	(pc) =	sbr.rel $0x88, $3  }
0x1: {  	(tag) =	ssettag $0x0;
	lr =	simm.s32 $0x1  }
0x2: {  	[smem:$0x3F9B] =	sst lr;
	_ =	strace $0xD0000000  }
0x3: {  	_ = 	snop  }
0x4: {  	_ = 	snop  }
0x5: {  	_ = 	snop  }
0x6: {  	_ = 	snop  }
0x7: {  	_ = 	snop  }
__scs_overlays_trampoline_lowered:
0x8: {  	[smem:$0x3FAA] =	sst s0  }
0x9: {  	[smem:$0x3FAB] =	sst s1  }
0xa: {  	[smem:$0x3FAC] =	sst s2  }
0xb: {  	[smem:$0x3FAD] =	sst s3  }
0xc: {  	[smem:$0x3FAE] =	sst s4  }
0xd: {  	[smem:$0x3FAF] =	sst s5  }
0xe: {  	[smem:$0x3FB0] =	sst s6  }
0xf: {  	[smem:$0x3FB1] =	sst s7  }
0x10: {  	[smem:$0x3FB2] =	sst s8  }
0x11: {  	[smem:$0x3FB3] =	sst s9;
	s0 =	simm.s32 @!p0 $0x0  }
0x12: {  	s1 =	sld [smem:$0x3F99];
	s0 =	simm.s32 @p0 $0x1  }
0x13: {  	[smem:$0x3FB4] =	sst s0;
	s0 =	simm.s32 @!p1 $0x0  }
0x14: {  	s2 =	sld [smem:$0x3F98];
	s0 =	simm.s32 @p1 $0x1  }
0x15: {  	[smem:$0x3FB5] =	sst s0;
	s0 =	simm.s32 @!p2 $0x0  }
0x16: {  	s3 =	sld [smem:$0x3FDB];
	s0 =	simm.s32 @p2 $0x1  }
0x17: {  	s4 =	simm.s32 $0x1BF5;
	[smem:$0x3FB7] =	sst s0  }
0x18: {  	s0 =	sld [smem:$0x3F9A];
	_ =	swait.ge [sflag:s4], $0x0  }
0x19: {  	s7 =	sld [smem:$0x3F9B]  }
0x1a: {  	s8 =	sadd.s32 $0xFFFFE003, lr  }
0x1b: {  	s9 =	sadd.s32 $0xFFFFFEF7, lr;
	s5 =	simm.s32 $0xFFFFFFFF;
	p2 =	slt.u32 s8, $0xFFFFF086  }
0x1c: {  	p1 =	slt.u32 s9, $0xF7A;
	s5 =	simm.s32 @!p2 $0x0  }
0x1d: {  	s5 =	simm.s32 @p1 $0x1;
	p0 =	seq.s32 s7, s2  }
0x1e: {  	s7 =	smul.u32 @!p0 $0xF7A, s2;
	p2 =	seq.s32 @!p0 s5, $0x0  }
0x1f: {  	s9 =	smul.u32 $0xF7A, s1;
	s8 =	simm.s32 @!p0 $0x1BF5;
	p2 =	por !p2, p0  }
0x20: {  	[sflag:s8] =	ssyncset.s32 @!p0 $0xFFFFF086;
	s6 =	sadd.s32 @!p0 s3, s7;
	s7 =	simm.s32 @!p0 $0x108  }
0x21: {  	s3 =	sadd.s32 s3, s9;
	s6 =	sadd.s32 @!p0 $0x88, s6;
	s7 =	simm.s32 @p2 $0x1082  }
0x22: {  	[simem:s7], [sflag:s8] =	dma.local @!p0 [hbm:s6], $0xF7A  }
0x23: {  	s9 =	sor.u32 $0xD0000000, s2;
	s6 =	simm.s32 $0x108;
	_ =	swait.ge @!p0 [sflag:s8], $0x0  }
0x24: {  	s3 =	sadd.s32 $0x88, s3;
	s6 =	simm.s32 @!p1 $0x1082;
	[sflag:s4] =	ssyncset.s32 $0xFFFFF086  }
0x25: {  	[simem:s6], [sflag:s4] =	dma.local [hbm:s3], $0xF7A  }
0x26: {  	[smem:$0x3F9B] =	sst s1;
	(tag) =	ssettag s2;
	_ =	strace s9  }
0x27: {  	s1 =	sld [smem:$0x3FAB]  }
0x28: {  	s2 =	sld [smem:$0x3FAC]  }
0x29: {  	s4 =	sld [smem:$0x3FAE]  }
0x2a: {  	p0 =	seq.s32 s5, $0x0;
	s5 =	sld [smem:$0x3FAF]  }
0x2b: {  	s6 =	sld [smem:$0x3FB0]  }
0x2c: {  	s7 =	sld [smem:$0x3FB1]  }
0x2d: {  	s3 =	simm.s32 $0x108;
	s8 =	sld [smem:$0x3FB2]  }
0x2e: {  	s3 =	simm.s32 @!p0 $0x1082;
	s9 =	sld [smem:$0x3FB3]  }
0x2f: {  	lr =	sadd.s32 s0, s3;
	s0 =	sld [smem:$0x3FAA]  }
0x30: {  	s3 =	sld [smem:$0x3FAD]  }
0x31: {  	[smem:$0x3FB6] =	sst s10  }
0x32: {  	s10 =	sld [smem:$0x3FB4];
	_ =	sdelay $0x3  }
0x33: {  	p0 =	seq.s32 s10, $0x1;
	s10 =	sld [smem:$0x3FB6];
	_ =	sdelay $0x3  }
0x34: {  	[smem:$0x3FB6] =	sst s10  }
0x35: {  	s10 =	sld [smem:$0x3FB5];
	_ =	sdelay $0x3  }
0x36: {  	p1 =	seq.s32 s10, $0x1;
	s10 =	sld [smem:$0x3FB6];
	_ =	sdelay $0x3  }
0x37: {  	[smem:$0x3FB6] =	sst s10  }
0x38: {  	s10 =	sld [smem:$0x3FB7]  }
0x39: {  	_ = 	snop;
	(pc) =	sbr.ind lr, $3  }
0x3a: {  	_ = 	snop  }
0x3b: {  	_ = 	snop  }
0x3c: {  	p2 =	seq.s32 s10, $0x1;
	s10 =	sld [smem:$0x3FB6]  }
0x3d: {  	_ =	shalt  }
0x3e: {  	_ =	shalt  }
0x3f: {  	_ =	shalt  }
0x40: {  	_ =	shalt  }
0x41: {  	_ =	shalt  }
0x42: {  	_ =	shalt  }
0x43: {  	_ =	shalt  }
0x44: {  	_ =	shalt  }
0x45: {  	_ =	shalt  }
0x46: {  	_ =	shalt  }
0x47: {  	_ =	shalt  }
0x48: {  	_ =	shalt  }
0x49: {  	_ =	shalt  }
0x4a: {  	_ =	shalt  }
0x4b: {  	_ =	shalt  }
0x4c: {  	_ =	shalt  }
0x4d: {  	_ =	shalt  }
0x4e: {  	_ =	shalt  }
0x4f: {  	_ =	shalt  }
0x50: {  	_ =	shalt  }
0x51: {  	_ =	shalt  }
0x52: {  	_ =	shalt  }
0x53: {  	_ =	shalt  }
0x54: {  	_ =	shalt  }
0x55: {  	_ =	shalt  }
0x56: {  	_ =	shalt  }
0x57: {  	_ =	shalt  }
0x58: {  	_ =	shalt  }
0x59: {  	_ =	shalt  }
0x5a: {  	_ =	shalt  }
0x5b: {  	_ =	shalt  }
0x5c: {  	_ =	shalt  }
0x5d: {  	_ =	shalt  }
0x5e: {  	_ =	shalt  }
0x5f: {  	_ =	shalt  }
0x60: {  	_ =	shalt  }
0x61: {  	_ =	shalt  }
0x62: {  	_ =	shalt  }
0x63: {  	_ =	shalt  }
0x64: {  	_ =	shalt  }
0x65: {  	_ =	shalt  }
0x66: {  	_ =	shalt  }
0x67: {  	_ =	shalt  }
0x68: {  	_ =	shalt  }
0x69: {  	_ =	shalt  }
0x6a: {  	_ =	shalt  }
0x6b: {  	_ =	shalt  }
0x6c: {  	_ =	shalt  }
0x6d: {  	_ =	shalt  }
0x6e: {  	_ =	shalt  }
0x6f: {  	_ =	shalt  }
0x70: {  	_ =	shalt  }
0x71: {  	_ =	shalt  }
0x72: {  	_ =	shalt  }
0x73: {  	_ =	shalt  }
0x74: {  	_ =	shalt  }
0x75: {  	_ =	shalt  }
0x76: {  	_ =	shalt  }
0x77: {  	_ =	shalt  }
0x78: {  	_ =	shalt  }
0x79: {  	_ =	shalt  }
0x7a: {  	_ =	shalt  }
0x7b: {  	_ =	shalt  }
0x7c: {  	_ =	shalt  }
0x7d: {  	_ =	shalt  }
0x7e: {  	_ =	shalt  }
0x7f: {  	_ =	shalt  }
0x80: {  	_ =	shalt  }
0x81: {  	_ =	shalt  }
0x82: {  	_ =	shalt  }
0x83: {  	_ =	shalt  }
0x84: {  	_ =	shalt  }
0x85: {  	_ =	shalt  }
0x86: {  	_ =	shalt  }
0x87: {  	_ =	shalt  }
.Lfunc_end0:
.L_simem_size_0:
called_computation.1_lowered:
.L_overlay_start_0:
0x88: {  	s2 =	sld [smem:$0x3FD9]  }
0x89: {  	s3 =	sld [smem:$0x3FFE];
	_ =	sdelay $0x1  }
0x8a: {  	s1 =	srdreg.scid  }
0x8b: {  	s0 =	sand.u32 $0x1, s1  }
0x8c: {  	s17 =	sshll.u32 s0, $0xA;
	s2 =	sadd.s32 s3, s2  }
0x8d: {  	s2 =	sadd.s32 s2, s17  }
0x8e: {  	[smem:$0x3FC2] =	sst s2  }
0x8f: {  	_ = 	snop  }
0x90: {  	s2 =	sld [smem:$0x3FD0];
	(tm) =	ssettm $0x1  }
0x91: {  	s18 =	sld [smem:$0x3FFB];
	_ =	sdelay $0x3  }
0x92: {  	_ =	strace s18  }
0x93: {  	s3 =	sld [smem:$0x3FFC];
	_ =	sdelay $0x3  }
0x94: {  	_ =	strace s3  }
0x95: {  	s3 =	sld [smem:$0x3FFD];
	_ =	sdelay $0x3  }
0x96: {  	_ =	strace s3  }
0x97: {  	_ =	strace $0x8FFFFFFF  }
0x98: {  	s19 =	sld [smem:$0x3FDB];
	_ =	sdelay $0x1  }
0x99: {  	s4 =	simm.s32 $_scs_section_size  }
0x9a: {  	s5 =	simm.s32 $_size__tile_overlayer_lowered;
	s6 =	simm.s32 $_tile_overlayer_lowered  }
0x9b: {  	s22 =	simm.s32 $0x1BFF;
	s21 =	sshll.u32 s6, $0x1;
	s3 =	sadd.s32 s4, s19  }
0x9c: {  	s7 =	simm.s32 $0x0;
	s20 =	sshll.u32 s5, $0x1;
	s5 =	sadd.s32 s21, s3  }
0x9d: {  	[timem:s7], [sflag:s22] =	dma.local [hbm:s5], s20  }
0x9e: {  	_ =	swait.ge [sflag:s22], s20  }
0x9f: {  	s4 =	ssub.s32 $0x0, s20;
	[sflag:s22] =	ssyncset.done $0x0  }
0xa0: {  	[sflag:s22] =	ssyncadd.s32 s4;
	_ =	sdelay $0x1  }
0xa1: {  	s23 =	simm.s32 $0x1B8B  }
0xa2: {  	_ =	swait.ge [sflag:s23], $0x1  }
0xa3: {  	[sflag:s23] =	ssyncset.done $0x0  }
0xa4: {  	s25 =	simm.s32 $0x1B8E;
	s24 =	sld [smem:$0x3FFE];
	[sflag:s23] =	ssyncadd.s32 $0xFFFFFFFF  }
0xa5: {  	s26 =	simm.s32 $execute0_lowered;
	[smem:$0x3FD2] =	sst s25  }
0xa6: {  	s5 =	sshll.u32 s26, $0x1;
	_ =	strace $0x80000049;
	[dreg:$0x1] =	wrdreg $0xFFFFFFFF  }
0xa7: {  	s28 =	simm.s32 $_size_execute0_lowered;
	s3 =	sadd.s32 s3, s5;
	[dreg:$0x0] =	wrdreg $0x0  }
0xa8: {  	s5 =	sshll.u32 s28, $0x1;
	[dreg:$0x2] =	wrdreg s3  }
0xa9: {  	[dreg:$0x3] =	wrdreg s5  }
0xaa: {  	[dreg:$0x4] =	wrdreg $0xC0  }
0xab: {  	_ =	task [dreg:s7], $0x5FFFF  }
0xac: {  	[dreg:$0x1] =	wrdreg $0xFFFFFFFF  }
0xad: {  	[dreg:$0x0] =	wrdreg $0x60  }
0xae: {  	[dreg:$0x2] =	wrdreg s24  }
0xaf: {  	[dreg:$0x3] =	wrdreg s2  }
0xb0: {  	[dreg:$0x4] =	wrdreg $0x116200  }
0xb1: {  	[dreg:$0x5] =	wrdreg $0x9  }
0xb2: {  	_ =	task.clear_ibuf [dreg:s7], $0x6FFFF;
	_ =	strace $0x90000049  }
0xb3: {  	s29 =	simm.s32 $0x9;
	_ =	strace $0x8000004B  }
0xb4: {  	_ =	swait.ge [sflag:s29], $0x1  }
0xb5: {  	[sflag:s29] =	ssyncadd.s32 $0xFFFFFFFF  }
0xb6: {  	_ =	strace $0x9000004B  }
0xb7: {  	_ =	sfence  }
0xb8: {  	s30 =	sld [smem:$0x0];
	_ =	sdelay $0x2  }
0xb9: {  	s31 =	sshll.u32 s1, $0xD;
	s1 =	sshrl.u32 s1, $0x2  }
0xba: {  	s3 =	sand.u32 $0x4000, s31;
	s1 =	sadd.s32 s1, s30  }
0xbb: {  	s0 =	sor.u32 s3, s0;
	s1 =	sshll.u32 s1, $0x11  }
0xbc: {  	s0 =	sor.u32 s1, s0  }
0xbd: {  	s0 =	sadd.s32 $0x8F2B, s0  }
0xbe: {  	[sflag:s0] =	ssyncadd.remote.s32 $0x1  }
0xbf: {  	_ =	sfence.sel $0xFFFF  }
0xc0: {  	[dreg:$0x0] =	wrdreg $0xFFFFFFFF;
	(pc) =	sbr.abs _section_cstart, $3  }
0xc1: {  	[dreg:$0x1] =	wrdreg $0xFFFFFFFF  }
0xc2: {  	_ =	task.clear_ibuf [dreg:s7], $0x2FFFF;
	_ =	strace $0x9FFFFFFF  }
0xc3: {  	(tm) =	ssettm $0x7FFFFFFF  }
tec
execute0_lowered:
.L_overlay_start_1:
0x0: {  	(tag) =	ssettag $0x1  }
0x1: {  	s0 =	rddreg [dreg:$0x0]  }
0x2: {  	s1 =	srdreg.scid;
	s12 =	rddreg [dreg:$0x1]  }
0x3: {  	s2 =	rddreg [dreg:$0x2];
	s15 =	stileid.u32  }
0x4: {  	s3 =	simm.s32 $0x0;
	s17 =	simm.s32 $0x50;
	s18 =	simm.s32 $0x4E20  }
0x5: {  	s19 =	simm.s32 $0x6220;
	s21 =	simm.s32 $0x7620;
	s23 =	simm.s32 $0x8A20  }
0x6: {  	s28 =	simm.s32 $0x2;
	s29 =	simm.s32 $0x3;
	s30 =	simm.s32 $0x4  }
0x7: {  	s31 =	simm.s32 $0x5;
	s20 =	simm.s32 $0x4D80;
	s22 =	simm.s32 $0x4DD0  }
0x8: {  	s1 =	sand.u32 $0x1, s1;
	[smem:$0x7FF] =	sst s3;
	s10 =	smul.u32 $0x6400, s15  }
0x9: {  	p0 =	sgt.u32 s15, $0x8;
	s4 =	sshll.u32 s1, $0x4;
	_ =	strace $0x8000004A  }
0xa: {  	s6 =	ssub.s32 $0x2, s1;
	s1 =	smul.u32 $0x9C400, s1;
	s4 =	sor.u32 s15, s4  }
0xb: {  	s24 =	sshrl.u32 s6, $0x1;
	s25 =	sshrl.u32 s10, $0x3;
	s11 =	sadd.s32 $0x64000, s10  }
0xc: {  	s15 =	simm.s32 $0x6;
	s4 =	smul.u32 $0x2710, s4;
	s13 =	ssub.s32 s6, s24  }
0xd: {  	s7 =	sshrl.u32 s11, $0x3;
	s6 =	sadd.s32 s10, s2;
	s8 =	sadd.s32 s11, s2  }
0xe: {  	s14 =	sadd.s32 s10, s1;
	s1 =	sadd.s32 s1, s11;
	s24 =	simm.s32 $0x0  }
0xf: {  	s26 =	sshrl.u32 s14, $0x3;
	s1 =	sshrl.u32 s1, $0x3;
	s13 =	smax.u32 s13, $0x1  }
0x10: {  	s14 =	simm.s32 $0xB220;
	s5 =	sshrl.u32 s4, $0x3;
	s4 =	sadd.s32 $0x15600, s0  }
0x11: {  	s11 =	sadd.s32 s12, s26;
	s12 =	sadd.s32 s12, s1;
	s26 =	simm.s32 $0x1  }
0x12: {  	s0 =	sadd.s32 s5, s0;
	s5 =	sadd.s32 s4, s25;
	s7 =	sadd.s32 s4, s7  }
0x13: {  	s25 =	simm.s32 $0x9E20;
	s9 =	sadd.s32 $0x1C00, s0;
	s10 =	sadd.s32 $0xB840, s0  }
.LBB2_1:
0x14: {  	[tilespmem:s14], [sflag:$0x6] =	stream.linear.gather [hbm4b:s5+s3], $0x6400, $0x38;
	[tilespmem:$0x1B260] =	vst v63  }
0x15: {  	_ =	swait.ge [sflag:s15], $0x6400  }
0x16: {  	[sflag:s15] =	ssyncset.done $0x0  }
0x17: {  	[sflag:s15] =	ssyncadd.s32 $0xFFFF9C00  }
0x18: {  	[spmem:s6] =	stream.linear.scatter [tilespmem:s14], [sflag:$0x6], $0x6400, $0x38;
	[tilespmem:$0x1B260] =	vst v63  }
0x19: {  	_ =	swait.ge [sflag:s15], $0x6400  }
0x1a: {  	[sflag:s15] =	ssyncset.done $0x0  }
0x1b: {  	s0 =	simm.s32 @!p0 $0x0;
	s1 =	simm.s32 @!p0 $0xB220;
	[sflag:s15] =	ssyncadd.s32 $0xFFFF9C00  }
0x1c: {  	[tilespmem:s1], [sflag:$0x6] =	stream.linear.gather @!p0 [hbm4b:s7+s0], $0x6400, $0x38;
	[tilespmem:$0x1B260] =	vst v63  }
0x1d: {  	s0 =	simm.s32 @!p0 $0x6  }
0x1e: {  	_ =	swait.ge @!p0 [sflag:s0], $0x6400  }
0x1f: {  	[sflag:s0] =	ssyncset.done @!p0 $0x0  }
0x20: {  	[sflag:s0] =	ssyncadd.s32 @!p0 $0xFFFF9C00  }
0x21: {  	[spmem:s8] =	stream.linear.scatter @!p0 [tilespmem:s1], [sflag:$0x6], $0x6400, $0x38;
	[tilespmem:$0x1B260] =	vst v63  }
0x22: {  	_ =	swait.ge @!p0 [sflag:s0], $0x6400  }
0x23: {  	[sflag:s0] =	ssyncset.done @!p0 $0x0  }
0x24: {  	[sflag:s0] =	ssyncadd.s32 @!p0 $0xFFFF9C00  }
0x25: {  	[tilespmem:s3], [sflag:$0x6] =	stream.linear.gather [hbm4b:s9+s3], $0x2710, $0x38;
	[tilespmem:$0x1B260] =	vst v63  }
0x26: {  	_ =	swait.ge [sflag:s15], $0x2710  }
0x27: {  	[sflag:s15] =	ssyncset.done $0x0  }
0x28: {  	s16 =	simm.s32 $0x2710;
	[sflag:s15] =	ssyncadd.s32 $0xFFFFD8F0  }
0x29: {  	[tilespmem:s16], [sflag:$0x6] =	stream.linear.gather [hbm4b:s10+s3], $0x2710, $0x38;
	[tilespmem:$0x1B260] =	vst v63  }
0x2a: {  	_ =	swait.ge [sflag:s15], $0x2710  }
0x2b: {  	[sflag:s15] =	ssyncset.done $0x0  }
0x2c: {  	[sflag:s15] =	ssyncadd.s32 $0xFFFFD8F0  }
0x2d: {  	[bflag:$0x0] =	sbarrier.arrive $0xFFFF  }
0x2e: {  	[tilespmem:s18], [sflag:$0x1] =	stream.indirect.gather [hbm4b:s4+s17], $0x40, s3, s17, $0xb8;
	[tilespmem:$0x1B260] =	vst v63  }
0x2f: {  	_ = 	snop  }
0x30: {  	[tilespmem:s19], [sflag:$0x2] =	stream.indirect.gather [hbm4b:s4+s17], $0x40, s17, s17, $0xb8;
	[tilespmem:$0x1B260] =	vst v63  }
0x31: {  	s1 =	simm.s32 $0xA0  }
0x32: {  	[tilespmem:s21], [sflag:$0x3] =	stream.indirect.gather [hbm4b:s4+s17], $0x40, s1, s17, $0xb8;
	[tilespmem:$0x1B260] =	vst v63  }
0x33: {  	s16 =	simm.s32 $0xF0  }
0x34: {  	[tilespmem:s23], [sflag:$0x4] =	stream.indirect.gather [hbm4b:s4+s17], $0x40, s16, s17, $0xb8;
	[tilespmem:$0x1B260] =	vst v63  }
0x35: {  	s1 =	simm.s32 $0x140  }
0x36: {  	[tilespmem:s25], [sflag:$0x5] =	stream.indirect.gather [hbm4b:s4+s17], $0x40, s1, s17, $0xb8;
	[tilespmem:$0x1B260] =	vst v63  }
0x37: {  	_ =	swait.ge [sflag:s26], $0x1400  }
0x38: {  	[sflag:s26] =	ssyncset.done $0x0  }
0x39: {  	s16 =	simm.s32 $0x2710;
	[sflag:s26] =	ssyncadd.s32 $0xFFFFEC00  }
0x3a: {  	[spmem:s2] =	stream.indirect.scatter.add.f32 [tilespmem:s18], [sflag:$0x6], $0x40, s16, s17, $0xb8;
	[tilespmem:$0x1B260] =	vst v63  }
0x3b: {  	_ =	swait.ge [sflag:s15], $0x1400  }
0x3c: {  	[sflag:s15] =	ssyncset.done $0x0  }
0x3d: {  	s1 =	simm.s32 $0x190;
	[sflag:s15] =	ssyncadd.s32 $0xFFFFEC00  }
0x3e: {  	[tilespmem:s18], [sflag:$0x1] =	stream.indirect.gather [hbm4b:s4+s17], $0x40, s1, s17, $0xb8;
	[tilespmem:$0x1B260] =	vst v63  }
0x3f: {  	_ =	swait.ge [sflag:s28], $0x1400  }
0x40: {  	[sflag:s28] =	ssyncset.done $0x0  }
0x41: {  	s16 =	simm.s32 $0x2760;
	[sflag:s28] =	ssyncadd.s32 $0xFFFFEC00  }
0x42: {  	[spmem:s2] =	stream.indirect.scatter.add.f32 [tilespmem:s19], [sflag:$0x6], $0x40, s16, s17, $0xb8;
	[tilespmem:$0x1B260] =	vst v63  }
0x43: {  	_ =	swait.ge [sflag:s15], $0x1400  }
0x44: {  	[sflag:s15] =	ssyncset.done $0x0  }
0x45: {  	s1 =	simm.s32 $0x1E0;
	[sflag:s15] =	ssyncadd.s32 $0xFFFFEC00  }
0x46: {  	[tilespmem:s19], [sflag:$0x2] =	stream.indirect.gather [hbm4b:s4+s17], $0x40, s1, s17, $0xb8;
	[tilespmem:$0x1B260] =	vst v63  }
0x47: {  	_ =	swait.ge [sflag:s29], $0x1400  }
0x48: {  	[sflag:s29] =	ssyncset.done $0x0  }
0x49: {  	s16 =	simm.s32 $0x27B0;
	[sflag:s29] =	ssyncadd.s32 $0xFFFFEC00  }
0x4a: {  	[spmem:s2] =	stream.indirect.scatter.add.f32 [tilespmem:s21], [sflag:$0x6], $0x40, s16, s17, $0xb8;
	[tilespmem:$0x1B260] =	vst v63  }
0x4b: {  	_ =	swait.ge [sflag:s15], $0x1400  }
0x4c: {  	[sflag:s15] =	ssyncset.done $0x0  }
0x4d: {  	s1 =	simm.s32 $0x230;
	[sflag:s15] =	ssyncadd.s32 $0xFFFFEC00  }
0x4e: {  	[tilespmem:s21], [sflag:$0x3] =	stream.indirect.gather [hbm4b:s4+s17], $0x40, s1, s17, $0xb8;
	[tilespmem:$0x1B260] =	vst v63  }
0x4f: {  	_ =	swait.ge [sflag:s30], $0x1400  }
0x50: {  	[sflag:s30] =	ssyncset.done $0x0  }
0x51: {  	s16 =	simm.s32 $0x2800;
	[sflag:s30] =	ssyncadd.s32 $0xFFFFEC00  }
0x52: {  	[spmem:s2] =	stream.indirect.scatter.add.f32 [tilespmem:s23], [sflag:$0x6], $0x40, s16, s17, $0xb8;
	[tilespmem:$0x1B260] =	vst v63  }
0x53: {  	_ =	swait.ge [sflag:s15], $0x1400  }
0x54: {  	[sflag:s15] =	ssyncset.done $0x0  }
0x55: {  	s1 =	simm.s32 $0x280;
	[sflag:s15] =	ssyncadd.s32 $0xFFFFEC00  }
0x56: {  	[tilespmem:s23], [sflag:$0x4] =	stream.indirect.gather [hbm4b:s4+s17], $0x40, s1, s17, $0xb8;
	[tilespmem:$0x1B260] =	vst v63  }
0x57: {  	_ =	swait.ge [sflag:s31], $0x1400  }
0x58: {  	[sflag:s31] =	ssyncset.done $0x0  }
0x59: {  	s16 =	simm.s32 $0x2850;
	[sflag:s31] =	ssyncadd.s32 $0xFFFFEC00  }
0x5a: {  	[spmem:s2] =	stream.indirect.scatter.add.f32 [tilespmem:s25], [sflag:$0x6], $0x40, s16, s17, $0xb8;
	[tilespmem:$0x1B260] =	vst v63  }
0x5b: {  	_ =	swait.ge [sflag:s15], $0x1400  }
0x5c: {  	[sflag:s15] =	ssyncset.done $0x0  }
0x5d: {  	s0 =	simm.s32 $0x640;
	s1 =	simm.s32 $0x2D0;
	[sflag:s15] =	ssyncadd.s32 $0xFFFFEC00  }
.LBB2_2:
0x5e: {  	[tilespmem:s25], [sflag:$0x5] =	stream.indirect.gather [hbm4b:s4+s17], $0x40, s1, s17, $0xb8;
	[tilespmem:$0x1B260] =	vst v63  }
0x5f: {  	s1 =	smov.u32 s0  }
0x60: {  	p1 =	sne.s32 s0, $0x8FC0;
	s0 =	sadd.s32 $0x640, s0;
	_ =	swait.ge [sflag:s26], $0x1400  }
0x61: {  	s1 =	sshra.s32 s1, $0x2;
	[sflag:s26] =	ssyncset.done $0x0  }
0x62: {  	s16 =	sadd.s32 $0x2710, s1;
	[sflag:s26] =	ssyncadd.s32 $0xFFFFEC00  }
0x63: {  	[spmem:s2] =	stream.indirect.scatter.add.f32 [tilespmem:s18], [sflag:$0x6], $0x40, s16, s17, $0xb8;
	[tilespmem:$0x1B260] =	vst v63  }
0x64: {  	_ =	swait.ge [sflag:s15], $0x1400  }
0x65: {  	[sflag:s15] =	ssyncset.done $0x0  }
0x66: {  	s16 =	sadd.s32 $0x190, s1;
	[sflag:s15] =	ssyncadd.s32 $0xFFFFEC00  }
0x67: {  	[tilespmem:s18], [sflag:$0x1] =	stream.indirect.gather [hbm4b:s4+s17], $0x40, s16, s17, $0xb8;
	[tilespmem:$0x1B260] =	vst v63  }
0x68: {  	_ =	swait.ge [sflag:s28], $0x1400  }
0x69: {  	[sflag:s28] =	ssyncset.done $0x0  }
0x6a: {  	s16 =	sadd.s32 $0x2760, s1;
	[sflag:s28] =	ssyncadd.s32 $0xFFFFEC00  }
0x6b: {  	[spmem:s2] =	stream.indirect.scatter.add.f32 [tilespmem:s19], [sflag:$0x6], $0x40, s16, s17, $0xb8;
	[tilespmem:$0x1B260] =	vst v63  }
0x6c: {  	_ =	swait.ge [sflag:s15], $0x1400  }
0x6d: {  	[sflag:s15] =	ssyncset.done $0x0  }
0x6e: {  	s16 =	sadd.s32 $0x1E0, s1;
	[sflag:s15] =	ssyncadd.s32 $0xFFFFEC00  }
0x6f: {  	[tilespmem:s19], [sflag:$0x2] =	stream.indirect.gather [hbm4b:s4+s17], $0x40, s16, s17, $0xb8;
	[tilespmem:$0x1B260] =	vst v63  }
0x70: {  	_ =	swait.ge [sflag:s29], $0x1400  }
0x71: {  	[sflag:s29] =	ssyncset.done $0x0  }
0x72: {  	s16 =	sadd.s32 $0x27B0, s1;
	[sflag:s29] =	ssyncadd.s32 $0xFFFFEC00  }
0x73: {  	[spmem:s2] =	stream.indirect.scatter.add.f32 [tilespmem:s21], [sflag:$0x6], $0x40, s16, s17, $0xb8;
	[tilespmem:$0x1B260] =	vst v63  }
0x74: {  	_ =	swait.ge [sflag:s15], $0x1400  }
0x75: {  	[sflag:s15] =	ssyncset.done $0x0  }
0x76: {  	s16 =	sadd.s32 $0x230, s1;
	[sflag:s15] =	ssyncadd.s32 $0xFFFFEC00  }
0x77: {  	[tilespmem:s21], [sflag:$0x3] =	stream.indirect.gather [hbm4b:s4+s17], $0x40, s16, s17, $0xb8;
	[tilespmem:$0x1B260] =	vst v63  }
0x78: {  	_ =	swait.ge [sflag:s30], $0x1400  }
0x79: {  	[sflag:s30] =	ssyncset.done $0x0  }
0x7a: {  	s16 =	sadd.s32 $0x2800, s1;
	[sflag:s30] =	ssyncadd.s32 $0xFFFFEC00  }
0x7b: {  	[spmem:s2] =	stream.indirect.scatter.add.f32 [tilespmem:s23], [sflag:$0x6], $0x40, s16, s17, $0xb8;
	[tilespmem:$0x1B260] =	vst v63  }
0x7c: {  	_ =	swait.ge [sflag:s15], $0x1400  }
0x7d: {  	[sflag:s15] =	ssyncset.done $0x0  }
0x7e: {  	s16 =	sadd.s32 $0x280, s1;
	[sflag:s15] =	ssyncadd.s32 $0xFFFFEC00  }
0x7f: {  	[tilespmem:s23], [sflag:$0x4] =	stream.indirect.gather [hbm4b:s4+s17], $0x40, s16, s17, $0xb8;
	[tilespmem:$0x1B260] =	vst v63  }
0x80: {  	_ =	swait.ge [sflag:s31], $0x1400  }
0x81: {  	[sflag:s31] =	ssyncset.done $0x0  }
.Ltmp0:
0x82: {  	s16 =	sadd.s32 $0x2850, s1;
	[sflag:s31] =	ssyncadd.s32 $0xFFFFEC00;
	(pc) =	sbr.rel @p1 .LBB2_2-.Ltmp0, $4  }
0x83: {  	[spmem:s2] =	stream.indirect.scatter.add.f32 [tilespmem:s25], [sflag:$0x6], $0x40, s16, s17, $0xb8;
	[tilespmem:$0x1B260] =	vst v63  }
0x84: {  	_ =	swait.ge [sflag:s15], $0x1400  }
0x85: {  	[sflag:s15] =	ssyncset.done $0x0  }
0x86: {  	s1 =	sadd.s32 $0x2D0, s1;
	[sflag:s15] =	ssyncadd.s32 $0xFFFFEC00  }
0x87: {  	[tilespmem:s25], [sflag:$0x5] =	stream.indirect.gather [hbm4b:s4+s17], $0x40, s1, s17, $0xb8;
	[tilespmem:$0x1B260] =	vst v63  }
0x88: {  	_ =	swait.ge [sflag:s26], $0x1400  }
0x89: {  	[sflag:s26] =	ssyncset.done $0x0  }
0x8a: {  	s0 =	simm.s32 $0x4C90;
	[sflag:s26] =	ssyncadd.s32 $0xFFFFEC00  }
0x8b: {  	[spmem:s2] =	stream.indirect.scatter.add.f32 [tilespmem:s18], [sflag:$0x6], $0x40, s0, s17, $0xb8;
	[tilespmem:$0x1B260] =	vst v63  }
0x8c: {  	_ =	swait.ge [sflag:s15], $0x1400  }
0x8d: {  	[sflag:s15] =	ssyncset.done $0x0  }
0x8e: {  	[sflag:s15] =	ssyncadd.s32 $0xFFFFEC00  }
0x8f: {  	_ =	swait.ge [sflag:s28], $0x1400  }
0x90: {  	[sflag:s28] =	ssyncset.done $0x0  }
0x91: {  	s1 =	simm.s32 $0x4CE0;
	[sflag:s28] =	ssyncadd.s32 $0xFFFFEC00  }
0x92: {  	[spmem:s2] =	stream.indirect.scatter.add.f32 [tilespmem:s19], [sflag:$0x6], $0x40, s1, s17, $0xb8;
	[tilespmem:$0x1B260] =	vst v63  }
0x93: {  	_ =	swait.ge [sflag:s15], $0x1400  }
0x94: {  	[sflag:s15] =	ssyncset.done $0x0  }
0x95: {  	[sflag:s15] =	ssyncadd.s32 $0xFFFFEC00  }
0x96: {  	_ =	swait.ge [sflag:s29], $0x1400  }
0x97: {  	[sflag:s29] =	ssyncset.done $0x0  }
0x98: {  	s16 =	simm.s32 $0x4D30;
	[sflag:s29] =	ssyncadd.s32 $0xFFFFEC00  }
0x99: {  	[spmem:s2] =	stream.indirect.scatter.add.f32 [tilespmem:s21], [sflag:$0x6], $0x40, s16, s17, $0xb8;
	[tilespmem:$0x1B260] =	vst v63  }
0x9a: {  	_ =	swait.ge [sflag:s15], $0x1400  }
0x9b: {  	[sflag:s15] =	ssyncset.done $0x0  }
0x9c: {  	[sflag:s15] =	ssyncadd.s32 $0xFFFFEC00  }
0x9d: {  	_ =	swait.ge [sflag:s30], $0x1400  }
0x9e: {  	[sflag:s30] =	ssyncset.done $0x0  }
0x9f: {  	[sflag:s30] =	ssyncadd.s32 $0xFFFFEC00  }
0xa0: {  	[spmem:s2] =	stream.indirect.scatter.add.f32 [tilespmem:s23], [sflag:$0x6], $0x40, s20, s17, $0xb8;
	[tilespmem:$0x1B260] =	vst v63  }
0xa1: {  	_ =	swait.ge [sflag:s15], $0x1400  }
0xa2: {  	[sflag:s15] =	ssyncset.done $0x0  }
0xa3: {  	[sflag:s15] =	ssyncadd.s32 $0xFFFFEC00  }
0xa4: {  	_ =	swait.ge [sflag:s31], $0x1400  }
0xa5: {  	[sflag:s31] =	ssyncset.done $0x0  }
0xa6: {  	[sflag:s31] =	ssyncadd.s32 $0xFFFFEC00  }
0xa7: {  	[spmem:s2] =	stream.indirect.scatter.add.f32 [tilespmem:s25], [sflag:$0x6], $0x40, s22, s17, $0xb8;
	[tilespmem:$0x1B260] =	vst v63  }
0xa8: {  	_ =	swait.ge [sflag:s15], $0x1400  }
0xa9: {  	[sflag:s15] =	ssyncset.done $0x0  }
0xaa: {  	[sflag:s15] =	ssyncadd.s32 $0xFFFFEC00  }
0xab: {  	[bflag:$0x0] =	sbarrier.arrive $0xFFFF  }
0xac: {  	[tilespmem:s14], [sflag:$0x6] =	stream.linear.gather [spmem:s6], $0x6400, $0x38;
	[tilespmem:$0x1B260] =	vst v63  }
0xad: {  	_ =	swait.ge [sflag:s15], $0x6400  }
0xae: {  	[sflag:s15] =	ssyncset.done $0x0  }
0xaf: {  	[sflag:s15] =	ssyncadd.s32 $0xFFFF9C00  }
0xb0: {  	[hbm4b:s11+s3] =	stream.linear.scatter [tilespmem:s14], [sflag:$0x6], $0x6400, $0x38;
	[tilespmem:$0x1B260] =	vst v63  }
0xb1: {  	_ =	swait.ge [sflag:s15], $0x6400  }
0xb2: {  	[sflag:s15] =	ssyncset.done $0x0  }
0xb3: {  	s0 =	simm.s32 @!p0 $0xB220;
	s1 =	simm.s32 @!p0 $0x6;
	[sflag:s15] =	ssyncadd.s32 $0xFFFF9C00  }
0xb4: {  	[tilespmem:s0], [sflag:$0x6] =	stream.linear.gather @!p0 [spmem:s8], $0x6400, $0x38;
	[tilespmem:$0x1B260] =	vst v63  }
0xb5: {  	s24 =	sadd.s32 $0x1, s24;
	_ =	swait.ge @!p0 [sflag:s1], $0x6400  }
0xb6: {  	p1 =	sne.s32 s24, s13;
	[sflag:s1] =	ssyncset.done @!p0 $0x0  }
.Ltmp1:
0xb7: {  	s16 =	simm.s32 @!p0 $0x0;
	[sflag:s1] =	ssyncadd.s32 @!p0 $0xFFFF9C00;
	(pc) =	sbr.rel @p1 .LBB2_1-.Ltmp1, $4  }
0xb8: {  	[hbm4b:s12+s16] =	stream.linear.scatter @!p0 [tilespmem:s0], [sflag:$0x6], $0x6400, $0x38;
	[tilespmem:$0x1B260] =	vst v63  }
0xb9: {  	_ =	swait.ge @!p0 [sflag:s1], $0x6400  }
0xba: {  	[sflag:s1] =	ssyncset.done @!p0 $0x0  }
0xbb: {  	[sflag:s1] =	ssyncadd.s32 @!p0 $0xFFFF9C00  }
0xbc: {  	_ =	sfence.sel $0x180000  }
0xbd: {  	[bflag:$0x0] =	sbarrier.arrive $0xFFFF  }
0xbe: {  	_ =	strace $0x9000004A  }
0xbf: {  	s0 =	stileid.u32;
	[bflag:$0x2] =	sbarrier.arrive $0xFFFF  }
0xc0: {  	p0 =	sne.s32 s0, $0x0;
	s0 =	rddreg [dreg:$0x3]  }
0xc1: {  	s0 =	sadd.s32 @!p0 $0x100000, s0  }
0xc2: {  	[sflag:s0] =	ssyncadd.tile.s32 @!p0 $0x1;
	_ =	shalt  }
.Lfunc_end2:
_tile_overlayer_lowered:
.L_overlay_start_2:
0xc3: {  	(tag) =	ssettag $0x2  }
0xc4: {  	s0 =	rddreg [dreg:$0x0];
	s2 =	stileid.u32  }
0xc5: {  	s1 =	rddreg [dreg:$0x1];
	p0 =	sne.s32 s2, $0x0  }
0xc6: {  	s3 =	rddreg [dreg:$0x2];
	[bflag:$0x3] =	sbarrier.arrive $0xFFFF;
	s2 =	simm.s32 @!p0 $0x1C06  }
0xc7: {  	[timem:s3], [sflag:s2] =	dma.local @!p0 [hbm:s0], s1  }
0xc8: {  	s0 =	simm.s32 @!p0 $0x6  }
0xc9: {  	_ =	swait.ge @!p0 [sflag:s0], s1  }
0xca: {  	s1 =	ssub.s32 @!p0 $0x0, s1;
	[sflag:s0] =	ssyncset.done @!p0 $0x0  }
0xcb: {  	[sflag:s0] =	ssyncadd.s32 @!p0 s1  }
0xcc: {  	[bflag:$0x3] =	sbarrier.arrive $0xFFFF  }
0xcd: {  	_ =	shalt  }

// kernel: kernel.15.cloned.1.call-start
scs
__scs_entry_jumppad:
0x0: {  	(pc) =	sbr.rel $0x88, $3  }
0x1: {  	(tag) =	ssettag $0x0;
	lr =	simm.s32 $0x1  }
0x2: {  	[smem:$0x3F9B] =	sst lr;
	_ =	strace $0xD0000000  }
0x3: {  	_ = 	snop  }
0x4: {  	_ = 	snop  }
0x5: {  	_ = 	snop  }
0x6: {  	_ = 	snop  }
0x7: {  	_ = 	snop  }
__scs_overlays_trampoline_lowered:
0x8: {  	[smem:$0x3FAA] =	sst s0  }
0x9: {  	[smem:$0x3FAB] =	sst s1  }
0xa: {  	[smem:$0x3FAC] =	sst s2  }
0xb: {  	[smem:$0x3FAD] =	sst s3  }
0xc: {  	[smem:$0x3FAE] =	sst s4  }
0xd: {  	[smem:$0x3FAF] =	sst s5  }
0xe: {  	[smem:$0x3FB0] =	sst s6  }
0xf: {  	[smem:$0x3FB1] =	sst s7  }
0x10: {  	[smem:$0x3FB2] =	sst s8  }
0x11: {  	[smem:$0x3FB3] =	sst s9;
	s0 =	simm.s32 @!p0 $0x0  }
0x12: {  	s1 =	sld [smem:$0x3F99];
	s0 =	simm.s32 @p0 $0x1  }
0x13: {  	[smem:$0x3FB4] =	sst s0;
	s0 =	simm.s32 @!p1 $0x0  }
0x14: {  	s2 =	sld [smem:$0x3F98];
	s0 =	simm.s32 @p1 $0x1  }
0x15: {  	[smem:$0x3FB5] =	sst s0;
	s0 =	simm.s32 @!p2 $0x0  }
0x16: {  	s3 =	sld [smem:$0x3FDB];
	s0 =	simm.s32 @p2 $0x1  }
0x17: {  	s4 =	simm.s32 $0x1BF5;
	[smem:$0x3FB7] =	sst s0  }
0x18: {  	s0 =	sld [smem:$0x3F9A];
	_ =	swait.ge [sflag:s4], $0x0  }
0x19: {  	s7 =	sld [smem:$0x3F9B]  }
0x1a: {  	s8 =	sadd.s32 $0xFFFFE003, lr  }
0x1b: {  	s9 =	sadd.s32 $0xFFFFFEF7, lr;
	s5 =	simm.s32 $0xFFFFFFFF;
	p2 =	slt.u32 s8, $0xFFFFF086  }
0x1c: {  	p1 =	slt.u32 s9, $0xF7A;
	s5 =	simm.s32 @!p2 $0x0  }
0x1d: {  	s5 =	simm.s32 @p1 $0x1;
	p0 =	seq.s32 s7, s2  }
0x1e: {  	s7 =	smul.u32 @!p0 $0xF7A, s2;
	p2 =	seq.s32 @!p0 s5, $0x0  }
0x1f: {  	s9 =	smul.u32 $0xF7A, s1;
	s8 =	simm.s32 @!p0 $0x1BF5;
	p2 =	por !p2, p0  }
0x20: {  	[sflag:s8] =	ssyncset.s32 @!p0 $0xFFFFF086;
	s6 =	sadd.s32 @!p0 s3, s7;
	s7 =	simm.s32 @!p0 $0x108  }
0x21: {  	s3 =	sadd.s32 s3, s9;
	s6 =	sadd.s32 @!p0 $0x88, s6;
	s7 =	simm.s32 @p2 $0x1082  }
0x22: {  	[simem:s7], [sflag:s8] =	dma.local @!p0 [hbm:s6], $0xF7A  }
0x23: {  	s9 =	sor.u32 $0xD0000000, s2;
	s6 =	simm.s32 $0x108;
	_ =	swait.ge @!p0 [sflag:s8], $0x0  }
0x24: {  	s3 =	sadd.s32 $0x88, s3;
	s6 =	simm.s32 @!p1 $0x1082;
	[sflag:s4] =	ssyncset.s32 $0xFFFFF086  }
0x25: {  	[simem:s6], [sflag:s4] =	dma.local [hbm:s3], $0xF7A  }
0x26: {  	[smem:$0x3F9B] =	sst s1;
	(tag) =	ssettag s2;
	_ =	strace s9  }
0x27: {  	s1 =	sld [smem:$0x3FAB]  }
0x28: {  	s2 =	sld [smem:$0x3FAC]  }
0x29: {  	s4 =	sld [smem:$0x3FAE]  }
0x2a: {  	p0 =	seq.s32 s5, $0x0;
	s5 =	sld [smem:$0x3FAF]  }
0x2b: {  	s6 =	sld [smem:$0x3FB0]  }
0x2c: {  	s7 =	sld [smem:$0x3FB1]  }
0x2d: {  	s3 =	simm.s32 $0x108;
	s8 =	sld [smem:$0x3FB2]  }
0x2e: {  	s3 =	simm.s32 @!p0 $0x1082;
	s9 =	sld [smem:$0x3FB3]  }
0x2f: {  	lr =	sadd.s32 s0, s3;
	s0 =	sld [smem:$0x3FAA]  }
0x30: {  	s3 =	sld [smem:$0x3FAD]  }
0x31: {  	[smem:$0x3FB6] =	sst s10  }
0x32: {  	s10 =	sld [smem:$0x3FB4];
	_ =	sdelay $0x3  }
0x33: {  	p0 =	seq.s32 s10, $0x1;
	s10 =	sld [smem:$0x3FB6];
	_ =	sdelay $0x3  }
0x34: {  	[smem:$0x3FB6] =	sst s10  }
0x35: {  	s10 =	sld [smem:$0x3FB5];
	_ =	sdelay $0x3  }
0x36: {  	p1 =	seq.s32 s10, $0x1;
	s10 =	sld [smem:$0x3FB6];
	_ =	sdelay $0x3  }
0x37: {  	[smem:$0x3FB6] =	sst s10  }
0x38: {  	s10 =	sld [smem:$0x3FB7]  }
0x39: {  	_ = 	snop;
	(pc) =	sbr.ind lr, $3  }
0x3a: {  	_ = 	snop  }
0x3b: {  	_ = 	snop  }
0x3c: {  	p2 =	seq.s32 s10, $0x1;
	s10 =	sld [smem:$0x3FB6]  }
0x3d: {  	_ =	shalt  }
0x3e: {  	_ =	shalt  }
0x3f: {  	_ =	shalt  }
0x40: {  	_ =	shalt  }
0x41: {  	_ =	shalt  }
0x42: {  	_ =	shalt  }
0x43: {  	_ =	shalt  }
0x44: {  	_ =	shalt  }
0x45: {  	_ =	shalt  }
0x46: {  	_ =	shalt  }
0x47: {  	_ =	shalt  }
0x48: {  	_ =	shalt  }
0x49: {  	_ =	shalt  }
0x4a: {  	_ =	shalt  }
0x4b: {  	_ =	shalt  }
0x4c: {  	_ =	shalt  }
0x4d: {  	_ =	shalt  }
0x4e: {  	_ =	shalt  }
0x4f: {  	_ =	shalt  }
0x50: {  	_ =	shalt  }
0x51: {  	_ =	shalt  }
0x52: {  	_ =	shalt  }
0x53: {  	_ =	shalt  }
0x54: {  	_ =	shalt  }
0x55: {  	_ =	shalt  }
0x56: {  	_ =	shalt  }
0x57: {  	_ =	shalt  }
0x58: {  	_ =	shalt  }
0x59: {  	_ =	shalt  }
0x5a: {  	_ =	shalt  }
0x5b: {  	_ =	shalt  }
0x5c: {  	_ =	shalt  }
0x5d: {  	_ =	shalt  }
0x5e: {  	_ =	shalt  }
0x5f: {  	_ =	shalt  }
0x60: {  	_ =	shalt  }
0x61: {  	_ =	shalt  }
0x62: {  	_ =	shalt  }
0x63: {  	_ =	shalt  }
0x64: {  	_ =	shalt  }
0x65: {  	_ =	shalt  }
0x66: {  	_ =	shalt  }
0x67: {  	_ =	shalt  }
0x68: {  	_ =	shalt  }
0x69: {  	_ =	shalt  }
0x6a: {  	_ =	shalt  }
0x6b: {  	_ =	shalt  }
0x6c: {  	_ =	shalt  }
0x6d: {  	_ =	shalt  }
0x6e: {  	_ =	shalt  }
0x6f: {  	_ =	shalt  }
0x70: {  	_ =	shalt  }
0x71: {  	_ =	shalt  }
0x72: {  	_ =	shalt  }
0x73: {  	_ =	shalt  }
0x74: {  	_ =	shalt  }
0x75: {  	_ =	shalt  }
0x76: {  	_ =	shalt  }
0x77: {  	_ =	shalt  }
0x78: {  	_ =	shalt  }
0x79: {  	_ =	shalt  }
0x7a: {  	_ =	shalt  }
0x7b: {  	_ =	shalt  }
0x7c: {  	_ =	shalt  }
0x7d: {  	_ =	shalt  }
0x7e: {  	_ =	shalt  }
0x7f: {  	_ =	shalt  }
0x80: {  	_ =	shalt  }
0x81: {  	_ =	shalt  }
0x82: {  	_ =	shalt  }
0x83: {  	_ =	shalt  }
0x84: {  	_ =	shalt  }
0x85: {  	_ =	shalt  }
0x86: {  	_ =	shalt  }
0x87: {  	_ =	shalt  }
.Lfunc_end0:
.L_simem_size_0:
called_computation.2_lowered:
.L_overlay_start_0:
0x88: {  	s2 =	sld [smem:$0x3FD9]  }
0x89: {  	s3 =	sld [smem:$0x3FFE];
	_ =	sdelay $0x1  }
0x8a: {  	s1 =	srdreg.scid  }
0x8b: {  	s0 =	sand.u32 $0x1, s1  }
0x8c: {  	s17 =	sshll.u32 s0, $0xA;
	s2 =	sadd.s32 s3, s2  }
0x8d: {  	s2 =	sadd.s32 s2, s17  }
0x8e: {  	[smem:$0x3FC2] =	sst s2  }
0x8f: {  	_ = 	snop  }
0x90: {  	s2 =	sld [smem:$0x3FD0];
	(tm) =	ssettm $0x1  }
0x91: {  	s18 =	sld [smem:$0x3FFB];
	_ =	sdelay $0x3  }
0x92: {  	_ =	strace s18  }
0x93: {  	s3 =	sld [smem:$0x3FFC];
	_ =	sdelay $0x3  }
0x94: {  	_ =	strace s3  }
0x95: {  	s3 =	sld [smem:$0x3FFD];
	_ =	sdelay $0x3  }
0x96: {  	_ =	strace s3  }
0x97: {  	_ =	strace $0x8FFFFFFF  }
0x98: {  	s19 =	sld [smem:$0x3FDB];
	_ =	sdelay $0x1  }
0x99: {  	s4 =	simm.s32 $_scs_section_size  }
0x9a: {  	s5 =	simm.s32 $_size__tile_overlayer_lowered;
	s6 =	simm.s32 $_tile_overlayer_lowered  }
0x9b: {  	s22 =	simm.s32 $0x1BFF;
	s21 =	sshll.u32 s6, $0x1;
	s3 =	sadd.s32 s4, s19  }
0x9c: {  	s7 =	simm.s32 $0x0;
	s20 =	sshll.u32 s5, $0x1;
	s5 =	sadd.s32 s21, s3  }
0x9d: {  	[timem:s7], [sflag:s22] =	dma.local [hbm:s5], s20  }
0x9e: {  	_ =	swait.ge [sflag:s22], s20  }
0x9f: {  	s4 =	ssub.s32 $0x0, s20;
	[sflag:s22] =	ssyncset.done $0x0  }
0xa0: {  	[sflag:s22] =	ssyncadd.s32 s4;
	_ =	sdelay $0x1  }
0xa1: {  	s23 =	simm.s32 $0x1B8B  }
0xa2: {  	_ =	swait.ge [sflag:s23], $0x1  }
0xa3: {  	[sflag:s23] =	ssyncset.done $0x0  }
0xa4: {  	s25 =	simm.s32 $0x1B8E;
	s24 =	sld [smem:$0x3FFE];
	[sflag:s23] =	ssyncadd.s32 $0xFFFFFFFF  }
0xa5: {  	s26 =	simm.s32 $execute0_lowered;
	[smem:$0x3FD2] =	sst s25  }
0xa6: {  	s5 =	sshll.u32 s26, $0x1;
	_ =	strace $0x8000004C;
	[dreg:$0x1] =	wrdreg $0xFFFFFFFF  }
0xa7: {  	s28 =	simm.s32 $_size_execute0_lowered;
	s3 =	sadd.s32 s3, s5;
	[dreg:$0x0] =	wrdreg $0x0  }
0xa8: {  	s5 =	sshll.u32 s28, $0x1;
	[dreg:$0x2] =	wrdreg s3  }
0xa9: {  	[dreg:$0x3] =	wrdreg s5  }
0xaa: {  	[dreg:$0x4] =	wrdreg $0xC0  }
0xab: {  	_ =	task [dreg:s7], $0x5FFFF  }
0xac: {  	[dreg:$0x1] =	wrdreg $0xFFFFFFFF  }
0xad: {  	[dreg:$0x0] =	wrdreg $0x60  }
0xae: {  	[dreg:$0x2] =	wrdreg s24  }
0xaf: {  	[dreg:$0x3] =	wrdreg s2  }
0xb0: {  	[dreg:$0x4] =	wrdreg $0x116200  }
0xb1: {  	[dreg:$0x5] =	wrdreg $0x9  }
0xb2: {  	_ =	task.clear_ibuf [dreg:s7], $0x6FFFF;
	_ =	strace $0x9000004C  }
0xb3: {  	s29 =	simm.s32 $0x9;
	_ =	strace $0x8000004E  }
0xb4: {  	_ =	swait.ge [sflag:s29], $0x1  }
0xb5: {  	[sflag:s29] =	ssyncadd.s32 $0xFFFFFFFF  }
0xb6: {  	_ =	strace $0x9000004E  }
0xb7: {  	_ =	sfence  }
0xb8: {  	s30 =	sld [smem:$0x0];
	_ =	sdelay $0x2  }
0xb9: {  	s31 =	sshll.u32 s1, $0xD;
	s1 =	sshrl.u32 s1, $0x2  }
0xba: {  	s3 =	sand.u32 $0x4000, s31;
	s1 =	sadd.s32 s1, s30  }
0xbb: {  	s0 =	sor.u32 s3, s0;
	s1 =	sshll.u32 s1, $0x11  }
0xbc: {  	s0 =	sor.u32 s1, s0  }
0xbd: {  	s0 =	sadd.s32 $0x8F2B, s0  }
0xbe: {  	[sflag:s0] =	ssyncadd.remote.s32 $0x1  }
0xbf: {  	_ =	sfence.sel $0xFFFF  }
0xc0: {  	[dreg:$0x0] =	wrdreg $0xFFFFFFFF;
	(pc) =	sbr.abs _section_cstart, $3  }
0xc1: {  	[dreg:$0x1] =	wrdreg $0xFFFFFFFF  }
0xc2: {  	_ =	task.clear_ibuf [dreg:s7], $0x2FFFF;
	_ =	strace $0x9FFFFFFF  }
0xc3: {  	(tm) =	ssettm $0x7FFFFFFF  }
tec
execute0_lowered:
.L_overlay_start_1:
0x0: {  	(tag) =	ssettag $0x1  }
0x1: {  	s0 =	rddreg [dreg:$0x0]  }
0x2: {  	s1 =	srdreg.scid;
	s12 =	rddreg [dreg:$0x1]  }
0x3: {  	s2 =	rddreg [dreg:$0x2];
	s15 =	stileid.u32  }
0x4: {  	s3 =	simm.s32 $0x0;
	s17 =	simm.s32 $0x50;
	s18 =	simm.s32 $0x4E20  }
0x5: {  	s19 =	simm.s32 $0x6220;
	s21 =	simm.s32 $0x7620;
	s23 =	simm.s32 $0x8A20  }
0x6: {  	s28 =	simm.s32 $0x2;
	s29 =	simm.s32 $0x3;
	s30 =	simm.s32 $0x4  }
0x7: {  	s31 =	simm.s32 $0x5;
	s20 =	simm.s32 $0x4D80;
	s22 =	simm.s32 $0x4DD0  }
0x8: {  	s1 =	sand.u32 $0x1, s1;
	[smem:$0x7FF] =	sst s3;
	s10 =	smul.u32 $0x6400, s15  }
0x9: {  	p0 =	sgt.u32 s15, $0x8;
	s4 =	sshll.u32 s1, $0x4;
	_ =	strace $0x8000004D  }
0xa: {  	s6 =	ssub.s32 $0x2, s1;
	s1 =	smul.u32 $0x9C400, s1;
	s4 =	sor.u32 s15, s4  }
0xb: {  	s24 =	sshrl.u32 s6, $0x1;
	s25 =	sshrl.u32 s10, $0x3;
	s11 =	sadd.s32 $0x64000, s10  }
0xc: {  	s15 =	simm.s32 $0x6;
	s4 =	smul.u32 $0x2710, s4;
	s13 =	ssub.s32 s6, s24  }
0xd: {  	s7 =	sshrl.u32 s11, $0x3;
	s6 =	sadd.s32 s10, s2;
	s8 =	sadd.s32 s11, s2  }
0xe: {  	s14 =	sadd.s32 s10, s1;
	s1 =	sadd.s32 s1, s11;
	s24 =	simm.s32 $0x0  }
0xf: {  	s26 =	sshrl.u32 s14, $0x3;
	s1 =	sshrl.u32 s1, $0x3;
	s13 =	smax.u32 s13, $0x1  }
0x10: {  	s14 =	simm.s32 $0xB220;
	s5 =	sshrl.u32 s4, $0x3;
	s4 =	sadd.s32 $0x15600, s0  }
0x11: {  	s11 =	sadd.s32 s12, s26;
	s12 =	sadd.s32 s12, s1;
	s26 =	simm.s32 $0x1  }
0x12: {  	s0 =	sadd.s32 s5, s0;
	s5 =	sadd.s32 s4, s25;
	s7 =	sadd.s32 s4, s7  }
0x13: {  	s25 =	simm.s32 $0x9E20;
	s9 =	sadd.s32 $0x1C00, s0;
	s10 =	sadd.s32 $0xB840, s0  }
.LBB2_1:
0x14: {  	[tilespmem:s14], [sflag:$0x6] =	stream.linear.gather [hbm4b:s5+s3], $0x6400, $0x38;
	[tilespmem:$0x1B260] =	vst v63  }
0x15: {  	_ =	swait.ge [sflag:s15], $0x6400  }
0x16: {  	[sflag:s15] =	ssyncset.done $0x0  }
0x17: {  	[sflag:s15] =	ssyncadd.s32 $0xFFFF9C00  }
0x18: {  	[spmem:s6] =	stream.linear.scatter [tilespmem:s14], [sflag:$0x6], $0x6400, $0x38;
	[tilespmem:$0x1B260] =	vst v63  }
0x19: {  	_ =	swait.ge [sflag:s15], $0x6400  }
0x1a: {  	[sflag:s15] =	ssyncset.done $0x0  }
0x1b: {  	s0 =	simm.s32 @!p0 $0x0;
	s1 =	simm.s32 @!p0 $0xB220;
	[sflag:s15] =	ssyncadd.s32 $0xFFFF9C00  }
0x1c: {  	[tilespmem:s1], [sflag:$0x6] =	stream.linear.gather @!p0 [hbm4b:s7+s0], $0x6400, $0x38;
	[tilespmem:$0x1B260] =	vst v63  }
0x1d: {  	s0 =	simm.s32 @!p0 $0x6  }
0x1e: {  	_ =	swait.ge @!p0 [sflag:s0], $0x6400  }
0x1f: {  	[sflag:s0] =	ssyncset.done @!p0 $0x0  }
0x20: {  	[sflag:s0] =	ssyncadd.s32 @!p0 $0xFFFF9C00  }
0x21: {  	[spmem:s8] =	stream.linear.scatter @!p0 [tilespmem:s1], [sflag:$0x6], $0x6400, $0x38;
	[tilespmem:$0x1B260] =	vst v63  }
0x22: {  	_ =	swait.ge @!p0 [sflag:s0], $0x6400  }
0x23: {  	[sflag:s0] =	ssyncset.done @!p0 $0x0  }
0x24: {  	[sflag:s0] =	ssyncadd.s32 @!p0 $0xFFFF9C00  }
0x25: {  	[tilespmem:s3], [sflag:$0x6] =	stream.linear.gather [hbm4b:s9+s3], $0x2710, $0x38;
	[tilespmem:$0x1B260] =	vst v63  }
0x26: {  	_ =	swait.ge [sflag:s15], $0x2710  }
0x27: {  	[sflag:s15] =	ssyncset.done $0x0  }
0x28: {  	s16 =	simm.s32 $0x2710;
	[sflag:s15] =	ssyncadd.s32 $0xFFFFD8F0  }
0x29: {  	[tilespmem:s16], [sflag:$0x6] =	stream.linear.gather [hbm4b:s10+s3], $0x2710, $0x38;
	[tilespmem:$0x1B260] =	vst v63  }
0x2a: {  	_ =	swait.ge [sflag:s15], $0x2710  }
0x2b: {  	[sflag:s15] =	ssyncset.done $0x0  }
0x2c: {  	[sflag:s15] =	ssyncadd.s32 $0xFFFFD8F0  }
0x2d: {  	[bflag:$0x0] =	sbarrier.arrive $0xFFFF  }
0x2e: {  	[tilespmem:s18], [sflag:$0x1] =	stream.indirect.gather [hbm4b:s4+s17], $0x40, s3, s17, $0xb8;
	[tilespmem:$0x1B260] =	vst v63  }
0x2f: {  	_ = 	snop  }
0x30: {  	[tilespmem:s19], [sflag:$0x2] =	stream.indirect.gather [hbm4b:s4+s17], $0x40, s17, s17, $0xb8;
	[tilespmem:$0x1B260] =	vst v63  }
0x31: {  	s1 =	simm.s32 $0xA0  }
0x32: {  	[tilespmem:s21], [sflag:$0x3] =	stream.indirect.gather [hbm4b:s4+s17], $0x40, s1, s17, $0xb8;
	[tilespmem:$0x1B260] =	vst v63  }
0x33: {  	s16 =	simm.s32 $0xF0  }
0x34: {  	[tilespmem:s23], [sflag:$0x4] =	stream.indirect.gather [hbm4b:s4+s17], $0x40, s16, s17, $0xb8;
	[tilespmem:$0x1B260] =	vst v63  }
0x35: {  	s1 =	simm.s32 $0x140  }
0x36: {  	[tilespmem:s25], [sflag:$0x5] =	stream.indirect.gather [hbm4b:s4+s17], $0x40, s1, s17, $0xb8;
	[tilespmem:$0x1B260] =	vst v63  }
0x37: {  	_ =	swait.ge [sflag:s26], $0x1400  }
0x38: {  	[sflag:s26] =	ssyncset.done $0x0  }
0x39: {  	s16 =	simm.s32 $0x2710;
	[sflag:s26] =	ssyncadd.s32 $0xFFFFEC00  }
0x3a: {  	[spmem:s2] =	stream.indirect.scatter.add.f32 [tilespmem:s18], [sflag:$0x6], $0x40, s16, s17, $0xb8;
	[tilespmem:$0x1B260] =	vst v63  }
0x3b: {  	_ =	swait.ge [sflag:s15], $0x1400  }
0x3c: {  	[sflag:s15] =	ssyncset.done $0x0  }
0x3d: {  	s1 =	simm.s32 $0x190;
	[sflag:s15] =	ssyncadd.s32 $0xFFFFEC00  }
0x3e: {  	[tilespmem:s18], [sflag:$0x1] =	stream.indirect.gather [hbm4b:s4+s17], $0x40, s1, s17, $0xb8;
	[tilespmem:$0x1B260] =	vst v63  }
0x3f: {  	_ =	swait.ge [sflag:s28], $0x1400  }
0x40: {  	[sflag:s28] =	ssyncset.done $0x0  }
0x41: {  	s16 =	simm.s32 $0x2760;
	[sflag:s28] =	ssyncadd.s32 $0xFFFFEC00  }
0x42: {  	[spmem:s2] =	stream.indirect.scatter.add.f32 [tilespmem:s19], [sflag:$0x6], $0x40, s16, s17, $0xb8;
	[tilespmem:$0x1B260] =	vst v63  }
0x43: {  	_ =	swait.ge [sflag:s15], $0x1400  }
0x44: {  	[sflag:s15] =	ssyncset.done $0x0  }
0x45: {  	s1 =	simm.s32 $0x1E0;
	[sflag:s15] =	ssyncadd.s32 $0xFFFFEC00  }
0x46: {  	[tilespmem:s19], [sflag:$0x2] =	stream.indirect.gather [hbm4b:s4+s17], $0x40, s1, s17, $0xb8;
	[tilespmem:$0x1B260] =	vst v63  }
0x47: {  	_ =	swait.ge [sflag:s29], $0x1400  }
0x48: {  	[sflag:s29] =	ssyncset.done $0x0  }
0x49: {  	s16 =	simm.s32 $0x27B0;
	[sflag:s29] =	ssyncadd.s32 $0xFFFFEC00  }
0x4a: {  	[spmem:s2] =	stream.indirect.scatter.add.f32 [tilespmem:s21], [sflag:$0x6], $0x40, s16, s17, $0xb8;
	[tilespmem:$0x1B260] =	vst v63  }
0x4b: {  	_ =	swait.ge [sflag:s15], $0x1400  }
0x4c: {  	[sflag:s15] =	ssyncset.done $0x0  }
0x4d: {  	s1 =	simm.s32 $0x230;
	[sflag:s15] =	ssyncadd.s32 $0xFFFFEC00  }
0x4e: {  	[tilespmem:s21], [sflag:$0x3] =	stream.indirect.gather [hbm4b:s4+s17], $0x40, s1, s17, $0xb8;
	[tilespmem:$0x1B260] =	vst v63  }
0x4f: {  	_ =	swait.ge [sflag:s30], $0x1400  }
0x50: {  	[sflag:s30] =	ssyncset.done $0x0  }
0x51: {  	s16 =	simm.s32 $0x2800;
	[sflag:s30] =	ssyncadd.s32 $0xFFFFEC00  }
0x52: {  	[spmem:s2] =	stream.indirect.scatter.add.f32 [tilespmem:s23], [sflag:$0x6], $0x40, s16, s17, $0xb8;
	[tilespmem:$0x1B260] =	vst v63  }
0x53: {  	_ =	swait.ge [sflag:s15], $0x1400  }
0x54: {  	[sflag:s15] =	ssyncset.done $0x0  }
0x55: {  	s1 =	simm.s32 $0x280;
	[sflag:s15] =	ssyncadd.s32 $0xFFFFEC00  }
0x56: {  	[tilespmem:s23], [sflag:$0x4] =	stream.indirect.gather [hbm4b:s4+s17], $0x40, s1, s17, $0xb8;
	[tilespmem:$0x1B260] =	vst v63  }
0x57: {  	_ =	swait.ge [sflag:s31], $0x1400  }
0x58: {  	[sflag:s31] =	ssyncset.done $0x0  }
0x59: {  	s16 =	simm.s32 $0x2850;
	[sflag:s31] =	ssyncadd.s32 $0xFFFFEC00  }
0x5a: {  	[spmem:s2] =	stream.indirect.scatter.add.f32 [tilespmem:s25], [sflag:$0x6], $0x40, s16, s17, $0xb8;
	[tilespmem:$0x1B260] =	vst v63  }
0x5b: {  	_ =	swait.ge [sflag:s15], $0x1400  }
0x5c: {  	[sflag:s15] =	ssyncset.done $0x0  }
0x5d: {  	s0 =	simm.s32 $0x640;
	s1 =	simm.s32 $0x2D0;
	[sflag:s15] =	ssyncadd.s32 $0xFFFFEC00  }
.LBB2_2:
0x5e: {  	[tilespmem:s25], [sflag:$0x5] =	stream.indirect.gather [hbm4b:s4+s17], $0x40, s1, s17, $0xb8;
	[tilespmem:$0x1B260] =	vst v63  }
0x5f: {  	s1 =	smov.u32 s0  }
0x60: {  	p1 =	sne.s32 s0, $0x8FC0;
	s0 =	sadd.s32 $0x640, s0;
	_ =	swait.ge [sflag:s26], $0x1400  }
0x61: {  	s1 =	sshra.s32 s1, $0x2;
	[sflag:s26] =	ssyncset.done $0x0  }
0x62: {  	s16 =	sadd.s32 $0x2710, s1;
	[sflag:s26] =	ssyncadd.s32 $0xFFFFEC00  }
0x63: {  	[spmem:s2] =	stream.indirect.scatter.add.f32 [tilespmem:s18], [sflag:$0x6], $0x40, s16, s17, $0xb8;
	[tilespmem:$0x1B260] =	vst v63  }
0x64: {  	_ =	swait.ge [sflag:s15], $0x1400  }
0x65: {  	[sflag:s15] =	ssyncset.done $0x0  }
0x66: {  	s16 =	sadd.s32 $0x190, s1;
	[sflag:s15] =	ssyncadd.s32 $0xFFFFEC00  }
0x67: {  	[tilespmem:s18], [sflag:$0x1] =	stream.indirect.gather [hbm4b:s4+s17], $0x40, s16, s17, $0xb8;
	[tilespmem:$0x1B260] =	vst v63  }
0x68: {  	_ =	swait.ge [sflag:s28], $0x1400  }
0x69: {  	[sflag:s28] =	ssyncset.done $0x0  }
0x6a: {  	s16 =	sadd.s32 $0x2760, s1;
	[sflag:s28] =	ssyncadd.s32 $0xFFFFEC00  }
0x6b: {  	[spmem:s2] =	stream.indirect.scatter.add.f32 [tilespmem:s19], [sflag:$0x6], $0x40, s16, s17, $0xb8;
	[tilespmem:$0x1B260] =	vst v63  }
0x6c: {  	_ =	swait.ge [sflag:s15], $0x1400  }
0x6d: {  	[sflag:s15] =	ssyncset.done $0x0  }
0x6e: {  	s16 =	sadd.s32 $0x1E0, s1;
	[sflag:s15] =	ssyncadd.s32 $0xFFFFEC00  }
0x6f: {  	[tilespmem:s19], [sflag:$0x2] =	stream.indirect.gather [hbm4b:s4+s17], $0x40, s16, s17, $0xb8;
	[tilespmem:$0x1B260] =	vst v63  }
0x70: {  	_ =	swait.ge [sflag:s29], $0x1400  }
0x71: {  	[sflag:s29] =	ssyncset.done $0x0  }
0x72: {  	s16 =	sadd.s32 $0x27B0, s1;
	[sflag:s29] =	ssyncadd.s32 $0xFFFFEC00  }
0x73: {  	[spmem:s2] =	stream.indirect.scatter.add.f32 [tilespmem:s21], [sflag:$0x6], $0x40, s16, s17, $0xb8;
	[tilespmem:$0x1B260] =	vst v63  }
0x74: {  	_ =	swait.ge [sflag:s15], $0x1400  }
0x75: {  	[sflag:s15] =	ssyncset.done $0x0  }
0x76: {  	s16 =	sadd.s32 $0x230, s1;
	[sflag:s15] =	ssyncadd.s32 $0xFFFFEC00  }
0x77: {  	[tilespmem:s21], [sflag:$0x3] =	stream.indirect.gather [hbm4b:s4+s17], $0x40, s16, s17, $0xb8;
	[tilespmem:$0x1B260] =	vst v63  }
0x78: {  	_ =	swait.ge [sflag:s30], $0x1400  }
0x79: {  	[sflag:s30] =	ssyncset.done $0x0  }
0x7a: {  	s16 =	sadd.s32 $0x2800, s1;
	[sflag:s30] =	ssyncadd.s32 $0xFFFFEC00  }
0x7b: {  	[spmem:s2] =	stream.indirect.scatter.add.f32 [tilespmem:s23], [sflag:$0x6], $0x40, s16, s17, $0xb8;
	[tilespmem:$0x1B260] =	vst v63  }
0x7c: {  	_ =	swait.ge [sflag:s15], $0x1400  }
0x7d: {  	[sflag:s15] =	ssyncset.done $0x0  }
0x7e: {  	s16 =	sadd.s32 $0x280, s1;
	[sflag:s15] =	ssyncadd.s32 $0xFFFFEC00  }
0x7f: {  	[tilespmem:s23], [sflag:$0x4] =	stream.indirect.gather [hbm4b:s4+s17], $0x40, s16, s17, $0xb8;
	[tilespmem:$0x1B260] =	vst v63  }
0x80: {  	_ =	swait.ge [sflag:s31], $0x1400  }
0x81: {  	[sflag:s31] =	ssyncset.done $0x0  }
.Ltmp0:
0x82: {  	s16 =	sadd.s32 $0x2850, s1;
	[sflag:s31] =	ssyncadd.s32 $0xFFFFEC00;
	(pc) =	sbr.rel @p1 .LBB2_2-.Ltmp0, $4  }
0x83: {  	[spmem:s2] =	stream.indirect.scatter.add.f32 [tilespmem:s25], [sflag:$0x6], $0x40, s16, s17, $0xb8;
	[tilespmem:$0x1B260] =	vst v63  }
0x84: {  	_ =	swait.ge [sflag:s15], $0x1400  }
0x85: {  	[sflag:s15] =	ssyncset.done $0x0  }
0x86: {  	s1 =	sadd.s32 $0x2D0, s1;
	[sflag:s15] =	ssyncadd.s32 $0xFFFFEC00  }
0x87: {  	[tilespmem:s25], [sflag:$0x5] =	stream.indirect.gather [hbm4b:s4+s17], $0x40, s1, s17, $0xb8;
	[tilespmem:$0x1B260] =	vst v63  }
0x88: {  	_ =	swait.ge [sflag:s26], $0x1400  }
0x89: {  	[sflag:s26] =	ssyncset.done $0x0  }
0x8a: {  	s0 =	simm.s32 $0x4C90;
	[sflag:s26] =	ssyncadd.s32 $0xFFFFEC00  }
0x8b: {  	[spmem:s2] =	stream.indirect.scatter.add.f32 [tilespmem:s18], [sflag:$0x6], $0x40, s0, s17, $0xb8;
	[tilespmem:$0x1B260] =	vst v63  }
0x8c: {  	_ =	swait.ge [sflag:s15], $0x1400  }
0x8d: {  	[sflag:s15] =	ssyncset.done $0x0  }
0x8e: {  	[sflag:s15] =	ssyncadd.s32 $0xFFFFEC00  }
0x8f: {  	_ =	swait.ge [sflag:s28], $0x1400  }
0x90: {  	[sflag:s28] =	ssyncset.done $0x0  }
0x91: {  	s1 =	simm.s32 $0x4CE0;
	[sflag:s28] =	ssyncadd.s32 $0xFFFFEC00  }
0x92: {  	[spmem:s2] =	stream.indirect.scatter.add.f32 [tilespmem:s19], [sflag:$0x6], $0x40, s1, s17, $0xb8;
	[tilespmem:$0x1B260] =	vst v63  }
0x93: {  	_ =	swait.ge [sflag:s15], $0x1400  }
0x94: {  	[sflag:s15] =	ssyncset.done $0x0  }
0x95: {  	[sflag:s15] =	ssyncadd.s32 $0xFFFFEC00  }
0x96: {  	_ =	swait.ge [sflag:s29], $0x1400  }
0x97: {  	[sflag:s29] =	ssyncset.done $0x0  }
0x98: {  	s16 =	simm.s32 $0x4D30;
	[sflag:s29] =	ssyncadd.s32 $0xFFFFEC00  }
0x99: {  	[spmem:s2] =	stream.indirect.scatter.add.f32 [tilespmem:s21], [sflag:$0x6], $0x40, s16, s17, $0xb8;
	[tilespmem:$0x1B260] =	vst v63  }
0x9a: {  	_ =	swait.ge [sflag:s15], $0x1400  }
0x9b: {  	[sflag:s15] =	ssyncset.done $0x0  }
0x9c: {  	[sflag:s15] =	ssyncadd.s32 $0xFFFFEC00  }
0x9d: {  	_ =	swait.ge [sflag:s30], $0x1400  }
0x9e: {  	[sflag:s30] =	ssyncset.done $0x0  }
0x9f: {  	[sflag:s30] =	ssyncadd.s32 $0xFFFFEC00  }
0xa0: {  	[spmem:s2] =	stream.indirect.scatter.add.f32 [tilespmem:s23], [sflag:$0x6], $0x40, s20, s17, $0xb8;
	[tilespmem:$0x1B260] =	vst v63  }
0xa1: {  	_ =	swait.ge [sflag:s15], $0x1400  }
0xa2: {  	[sflag:s15] =	ssyncset.done $0x0  }
0xa3: {  	[sflag:s15] =	ssyncadd.s32 $0xFFFFEC00  }
0xa4: {  	_ =	swait.ge [sflag:s31], $0x1400  }
0xa5: {  	[sflag:s31] =	ssyncset.done $0x0  }
0xa6: {  	[sflag:s31] =	ssyncadd.s32 $0xFFFFEC00  }
0xa7: {  	[spmem:s2] =	stream.indirect.scatter.add.f32 [tilespmem:s25], [sflag:$0x6], $0x40, s22, s17, $0xb8;
	[tilespmem:$0x1B260] =	vst v63  }
0xa8: {  	_ =	swait.ge [sflag:s15], $0x1400  }
0xa9: {  	[sflag:s15] =	ssyncset.done $0x0  }
0xaa: {  	[sflag:s15] =	ssyncadd.s32 $0xFFFFEC00  }
0xab: {  	[bflag:$0x0] =	sbarrier.arrive $0xFFFF  }
0xac: {  	[tilespmem:s14], [sflag:$0x6] =	stream.linear.gather [spmem:s6], $0x6400, $0x38;
	[tilespmem:$0x1B260] =	vst v63  }
0xad: {  	_ =	swait.ge [sflag:s15], $0x6400  }
0xae: {  	[sflag:s15] =	ssyncset.done $0x0  }
0xaf: {  	[sflag:s15] =	ssyncadd.s32 $0xFFFF9C00  }
0xb0: {  	[hbm4b:s11+s3] =	stream.linear.scatter [tilespmem:s14], [sflag:$0x6], $0x6400, $0x38;
	[tilespmem:$0x1B260] =	vst v63  }
0xb1: {  	_ =	swait.ge [sflag:s15], $0x6400  }
0xb2: {  	[sflag:s15] =	ssyncset.done $0x0  }
0xb3: {  	s0 =	simm.s32 @!p0 $0xB220;
	s1 =	simm.s32 @!p0 $0x6;
	[sflag:s15] =	ssyncadd.s32 $0xFFFF9C00  }
0xb4: {  	[tilespmem:s0], [sflag:$0x6] =	stream.linear.gather @!p0 [spmem:s8], $0x6400, $0x38;
	[tilespmem:$0x1B260] =	vst v63  }
0xb5: {  	s24 =	sadd.s32 $0x1, s24;
	_ =	swait.ge @!p0 [sflag:s1], $0x6400  }
0xb6: {  	p1 =	sne.s32 s24, s13;
	[sflag:s1] =	ssyncset.done @!p0 $0x0  }
.Ltmp1:
0xb7: {  	s16 =	simm.s32 @!p0 $0x0;
	[sflag:s1] =	ssyncadd.s32 @!p0 $0xFFFF9C00;
	(pc) =	sbr.rel @p1 .LBB2_1-.Ltmp1, $4  }
0xb8: {  	[hbm4b:s12+s16] =	stream.linear.scatter @!p0 [tilespmem:s0], [sflag:$0x6], $0x6400, $0x38;
	[tilespmem:$0x1B260] =	vst v63  }
0xb9: {  	_ =	swait.ge @!p0 [sflag:s1], $0x6400  }
0xba: {  	[sflag:s1] =	ssyncset.done @!p0 $0x0  }
0xbb: {  	[sflag:s1] =	ssyncadd.s32 @!p0 $0xFFFF9C00  }
0xbc: {  	_ =	sfence.sel $0x180000  }
0xbd: {  	[bflag:$0x0] =	sbarrier.arrive $0xFFFF  }
0xbe: {  	_ =	strace $0x9000004D  }
0xbf: {  	s0 =	stileid.u32;
	[bflag:$0x2] =	sbarrier.arrive $0xFFFF  }
0xc0: {  	p0 =	sne.s32 s0, $0x0;
	s0 =	rddreg [dreg:$0x3]  }
0xc1: {  	s0 =	sadd.s32 @!p0 $0x100000, s0  }
0xc2: {  	[sflag:s0] =	ssyncadd.tile.s32 @!p0 $0x1;
	_ =	shalt  }
.Lfunc_end2:
_tile_overlayer_lowered:
.L_overlay_start_2:
0xc3: {  	(tag) =	ssettag $0x2  }
0xc4: {  	s0 =	rddreg [dreg:$0x0];
	s2 =	stileid.u32  }
0xc5: {  	s1 =	rddreg [dreg:$0x1];
	p0 =	sne.s32 s2, $0x0  }
0xc6: {  	s3 =	rddreg [dreg:$0x2];
	[bflag:$0x3] =	sbarrier.arrive $0xFFFF;
	s2 =	simm.s32 @!p0 $0x1C06  }
0xc7: {  	[timem:s3], [sflag:s2] =	dma.local @!p0 [hbm:s0], s1  }
0xc8: {  	s0 =	simm.s32 @!p0 $0x6  }
0xc9: {  	_ =	swait.ge @!p0 [sflag:s0], s1  }
0xca: {  	s1 =	ssub.s32 @!p0 $0x0, s1;
	[sflag:s0] =	ssyncset.done @!p0 $0x0  }
0xcb: {  	[sflag:s0] =	ssyncadd.s32 @!p0 s1  }
0xcc: {  	[bflag:$0x3] =	sbarrier.arrive $0xFFFF  }
0xcd: {  	_ =	shalt  }

// kernel: kernel.9.cloned.1.call-start
scs
__scs_entry_jumppad:
0x0: {  	(pc) =	sbr.rel $0x88, $3  }
0x1: {  	(tag) =	ssettag $0x0;
	lr =	simm.s32 $0x1  }
0x2: {  	[smem:$0x3F9B] =	sst lr;
	_ =	strace $0xD0000000  }
0x3: {  	_ = 	snop  }
0x4: {  	_ = 	snop  }
0x5: {  	_ = 	snop  }
0x6: {  	_ = 	snop  }
0x7: {  	_ = 	snop  }
__scs_overlays_trampoline_lowered:
0x8: {  	[smem:$0x3FAA] =	sst s0  }
0x9: {  	[smem:$0x3FAB] =	sst s1  }
0xa: {  	[smem:$0x3FAC] =	sst s2  }
0xb: {  	[smem:$0x3FAD] =	sst s3  }
0xc: {  	[smem:$0x3FAE] =	sst s4  }
0xd: {  	[smem:$0x3FAF] =	sst s5  }
0xe: {  	[smem:$0x3FB0] =	sst s6  }
0xf: {  	[smem:$0x3FB1] =	sst s7  }
0x10: {  	[smem:$0x3FB2] =	sst s8  }
0x11: {  	[smem:$0x3FB3] =	sst s9;
	s0 =	simm.s32 @!p0 $0x0  }
0x12: {  	s1 =	sld [smem:$0x3F99];
	s0 =	simm.s32 @p0 $0x1  }
0x13: {  	[smem:$0x3FB4] =	sst s0;
	s0 =	simm.s32 @!p1 $0x0  }
0x14: {  	s2 =	sld [smem:$0x3F98];
	s0 =	simm.s32 @p1 $0x1  }
0x15: {  	[smem:$0x3FB5] =	sst s0;
	s0 =	simm.s32 @!p2 $0x0  }
0x16: {  	s3 =	sld [smem:$0x3FDB];
	s0 =	simm.s32 @p2 $0x1  }
0x17: {  	s4 =	simm.s32 $0x1BF5;
	[smem:$0x3FB7] =	sst s0  }
0x18: {  	s0 =	sld [smem:$0x3F9A];
	_ =	swait.ge [sflag:s4], $0x0  }
0x19: {  	s7 =	sld [smem:$0x3F9B]  }
0x1a: {  	s8 =	sadd.s32 $0xFFFFE003, lr  }
0x1b: {  	s9 =	sadd.s32 $0xFFFFFEF7, lr;
	s5 =	simm.s32 $0xFFFFFFFF;
	p2 =	slt.u32 s8, $0xFFFFF086  }
0x1c: {  	p1 =	slt.u32 s9, $0xF7A;
	s5 =	simm.s32 @!p2 $0x0  }
0x1d: {  	s5 =	simm.s32 @p1 $0x1;
	p0 =	seq.s32 s7, s2  }
0x1e: {  	s7 =	smul.u32 @!p0 $0xF7A, s2;
	p2 =	seq.s32 @!p0 s5, $0x0  }
0x1f: {  	s9 =	smul.u32 $0xF7A, s1;
	s8 =	simm.s32 @!p0 $0x1BF5;
	p2 =	por !p2, p0  }
0x20: {  	[sflag:s8] =	ssyncset.s32 @!p0 $0xFFFFF086;
	s6 =	sadd.s32 @!p0 s3, s7;
	s7 =	simm.s32 @!p0 $0x108  }
0x21: {  	s3 =	sadd.s32 s3, s9;
	s6 =	sadd.s32 @!p0 $0x88, s6;
	s7 =	simm.s32 @p2 $0x1082  }
0x22: {  	[simem:s7], [sflag:s8] =	dma.local @!p0 [hbm:s6], $0xF7A  }
0x23: {  	s9 =	sor.u32 $0xD0000000, s2;
	s6 =	simm.s32 $0x108;
	_ =	swait.ge @!p0 [sflag:s8], $0x0  }
0x24: {  	s3 =	sadd.s32 $0x88, s3;
	s6 =	simm.s32 @!p1 $0x1082;
	[sflag:s4] =	ssyncset.s32 $0xFFFFF086  }
0x25: {  	[simem:s6], [sflag:s4] =	dma.local [hbm:s3], $0xF7A  }
0x26: {  	[smem:$0x3F9B] =	sst s1;
	(tag) =	ssettag s2;
	_ =	strace s9  }
0x27: {  	s1 =	sld [smem:$0x3FAB]  }
0x28: {  	s2 =	sld [smem:$0x3FAC]  }
0x29: {  	s4 =	sld [smem:$0x3FAE]  }
0x2a: {  	p0 =	seq.s32 s5, $0x0;
	s5 =	sld [smem:$0x3FAF]  }
0x2b: {  	s6 =	sld [smem:$0x3FB0]  }
0x2c: {  	s7 =	sld [smem:$0x3FB1]  }
0x2d: {  	s3 =	simm.s32 $0x108;
	s8 =	sld [smem:$0x3FB2]  }
0x2e: {  	s3 =	simm.s32 @!p0 $0x1082;
	s9 =	sld [smem:$0x3FB3]  }
0x2f: {  	lr =	sadd.s32 s0, s3;
	s0 =	sld [smem:$0x3FAA]  }
0x30: {  	s3 =	sld [smem:$0x3FAD]  }
0x31: {  	[smem:$0x3FB6] =	sst s10  }
0x32: {  	s10 =	sld [smem:$0x3FB4];
	_ =	sdelay $0x3  }
0x33: {  	p0 =	seq.s32 s10, $0x1;
	s10 =	sld [smem:$0x3FB6];
	_ =	sdelay $0x3  }
0x34: {  	[smem:$0x3FB6] =	sst s10  }
0x35: {  	s10 =	sld [smem:$0x3FB5];
	_ =	sdelay $0x3  }
0x36: {  	p1 =	seq.s32 s10, $0x1;
	s10 =	sld [smem:$0x3FB6];
	_ =	sdelay $0x3  }
0x37: {  	[smem:$0x3FB6] =	sst s10  }
0x38: {  	s10 =	sld [smem:$0x3FB7]  }
0x39: {  	_ = 	snop;
	(pc) =	sbr.ind lr, $3  }
0x3a: {  	_ = 	snop  }
0x3b: {  	_ = 	snop  }
0x3c: {  	p2 =	seq.s32 s10, $0x1;
	s10 =	sld [smem:$0x3FB6]  }
0x3d: {  	_ =	shalt  }
0x3e: {  	_ =	shalt  }
0x3f: {  	_ =	shalt  }
0x40: {  	_ =	shalt  }
0x41: {  	_ =	shalt  }
0x42: {  	_ =	shalt  }
0x43: {  	_ =	shalt  }
0x44: {  	_ =	shalt  }
0x45: {  	_ =	shalt  }
0x46: {  	_ =	shalt  }
0x47: {  	_ =	shalt  }
0x48: {  	_ =	shalt  }
0x49: {  	_ =	shalt  }
0x4a: {  	_ =	shalt  }
0x4b: {  	_ =	shalt  }
0x4c: {  	_ =	shalt  }
0x4d: {  	_ =	shalt  }
0x4e: {  	_ =	shalt  }
0x4f: {  	_ =	shalt  }
0x50: {  	_ =	shalt  }
0x51: {  	_ =	shalt  }
0x52: {  	_ =	shalt  }
0x53: {  	_ =	shalt  }
0x54: {  	_ =	shalt  }
0x55: {  	_ =	shalt  }
0x56: {  	_ =	shalt  }
0x57: {  	_ =	shalt  }
0x58: {  	_ =	shalt  }
0x59: {  	_ =	shalt  }
0x5a: {  	_ =	shalt  }
0x5b: {  	_ =	shalt  }
0x5c: {  	_ =	shalt  }
0x5d: {  	_ =	shalt  }
0x5e: {  	_ =	shalt  }
0x5f: {  	_ =	shalt  }
0x60: {  	_ =	shalt  }
0x61: {  	_ =	shalt  }
0x62: {  	_ =	shalt  }
0x63: {  	_ =	shalt  }
0x64: {  	_ =	shalt  }
0x65: {  	_ =	shalt  }
0x66: {  	_ =	shalt  }
0x67: {  	_ =	shalt  }
0x68: {  	_ =	shalt  }
0x69: {  	_ =	shalt  }
0x6a: {  	_ =	shalt  }
0x6b: {  	_ =	shalt  }
0x6c: {  	_ =	shalt  }
0x6d: {  	_ =	shalt  }
0x6e: {  	_ =	shalt  }
0x6f: {  	_ =	shalt  }
0x70: {  	_ =	shalt  }
0x71: {  	_ =	shalt  }
0x72: {  	_ =	shalt  }
0x73: {  	_ =	shalt  }
0x74: {  	_ =	shalt  }
0x75: {  	_ =	shalt  }
0x76: {  	_ =	shalt  }
0x77: {  	_ =	shalt  }
0x78: {  	_ =	shalt  }
0x79: {  	_ =	shalt  }
0x7a: {  	_ =	shalt  }
0x7b: {  	_ =	shalt  }
0x7c: {  	_ =	shalt  }
0x7d: {  	_ =	shalt  }
0x7e: {  	_ =	shalt  }
0x7f: {  	_ =	shalt  }
0x80: {  	_ =	shalt  }
0x81: {  	_ =	shalt  }
0x82: {  	_ =	shalt  }
0x83: {  	_ =	shalt  }
0x84: {  	_ =	shalt  }
0x85: {  	_ =	shalt  }
0x86: {  	_ =	shalt  }
0x87: {  	_ =	shalt  }
.Lfunc_end0:
.L_simem_size_0:
called_computation_lowered:
.L_overlay_start_0:
0x88: {  	s2 =	sld [smem:$0x3FD9]  }
0x89: {  	s3 =	sld [smem:$0x3FFE];
	_ =	sdelay $0x1  }
0x8a: {  	s1 =	srdreg.scid  }
0x8b: {  	s0 =	sand.u32 $0x1, s1  }
0x8c: {  	s17 =	sshll.u32 s0, $0xA;
	s2 =	sadd.s32 s3, s2  }
0x8d: {  	s2 =	sadd.s32 s2, s17  }
0x8e: {  	[smem:$0x3FC2] =	sst s2  }
0x8f: {  	_ = 	snop  }
0x90: {  	s2 =	sld [smem:$0x3FD0];
	(tm) =	ssettm $0x1  }
0x91: {  	s18 =	sld [smem:$0x3FFB];
	_ =	sdelay $0x3  }
0x92: {  	_ =	strace s18  }
0x93: {  	s3 =	sld [smem:$0x3FFC];
	_ =	sdelay $0x3  }
0x94: {  	_ =	strace s3  }
0x95: {  	s3 =	sld [smem:$0x3FFD];
	_ =	sdelay $0x3  }
0x96: {  	_ =	strace s3  }
0x97: {  	_ =	strace $0x8FFFFFFF  }
0x98: {  	s19 =	sld [smem:$0x3FDB];
	_ =	sdelay $0x1  }
0x99: {  	s4 =	simm.s32 $_scs_section_size  }
0x9a: {  	s5 =	simm.s32 $_size__tile_overlayer_lowered;
	s6 =	simm.s32 $_tile_overlayer_lowered  }
0x9b: {  	s22 =	simm.s32 $0x1BFF;
	s21 =	sshll.u32 s6, $0x1;
	s3 =	sadd.s32 s4, s19  }
0x9c: {  	s7 =	simm.s32 $0x0;
	s20 =	sshll.u32 s5, $0x1;
	s5 =	sadd.s32 s21, s3  }
0x9d: {  	[timem:s7], [sflag:s22] =	dma.local [hbm:s5], s20  }
0x9e: {  	_ =	swait.ge [sflag:s22], s20  }
0x9f: {  	s4 =	ssub.s32 $0x0, s20;
	[sflag:s22] =	ssyncset.done $0x0  }
0xa0: {  	[sflag:s22] =	ssyncadd.s32 s4;
	_ =	sdelay $0x1  }
0xa1: {  	s23 =	simm.s32 $0x1B8B  }
0xa2: {  	_ =	swait.ge [sflag:s23], $0x1  }
0xa3: {  	[sflag:s23] =	ssyncset.done $0x0  }
0xa4: {  	s25 =	simm.s32 $0x1B8E;
	s24 =	sld [smem:$0x3FFE];
	[sflag:s23] =	ssyncadd.s32 $0xFFFFFFFF  }
0xa5: {  	s26 =	simm.s32 $execute0_lowered;
	[smem:$0x3FD2] =	sst s25  }
0xa6: {  	s5 =	sshll.u32 s26, $0x1;
	_ =	strace $0x80000046;
	[dreg:$0x1] =	wrdreg $0xFFFFFFFF  }
0xa7: {  	s28 =	simm.s32 $_size_execute0_lowered;
	s3 =	sadd.s32 s3, s5;
	[dreg:$0x0] =	wrdreg $0x0  }
0xa8: {  	s5 =	sshll.u32 s28, $0x1;
	[dreg:$0x2] =	wrdreg s3  }
0xa9: {  	[dreg:$0x3] =	wrdreg s5  }
0xaa: {  	[dreg:$0x4] =	wrdreg $0xC0  }
0xab: {  	_ =	task [dreg:s7], $0x5FFFF  }
0xac: {  	[dreg:$0x1] =	wrdreg $0xFFFFFFFF  }
0xad: {  	[dreg:$0x0] =	wrdreg $0x60  }
0xae: {  	[dreg:$0x2] =	wrdreg s24  }
0xaf: {  	[dreg:$0x3] =	wrdreg s2  }
0xb0: {  	[dreg:$0x4] =	wrdreg $0x28F00  }
0xb1: {  	[dreg:$0x5] =	wrdreg $0x9  }
0xb2: {  	_ =	task.clear_ibuf [dreg:s7], $0x6FFFF;
	_ =	strace $0x90000046  }
0xb3: {  	s29 =	simm.s32 $0x9;
	_ =	strace $0x80000048  }
0xb4: {  	_ =	swait.ge [sflag:s29], $0x1  }
0xb5: {  	[sflag:s29] =	ssyncadd.s32 $0xFFFFFFFF  }
0xb6: {  	_ =	strace $0x90000048  }
0xb7: {  	_ =	sfence  }
0xb8: {  	s30 =	sld [smem:$0x0];
	_ =	sdelay $0x2  }
0xb9: {  	s31 =	sshll.u32 s1, $0xD;
	s1 =	sshrl.u32 s1, $0x2  }
0xba: {  	s3 =	sand.u32 $0x4000, s31;
	s1 =	sadd.s32 s1, s30  }
0xbb: {  	s0 =	sor.u32 s3, s0;
	s1 =	sshll.u32 s1, $0x11  }
0xbc: {  	s0 =	sor.u32 s1, s0  }
0xbd: {  	s0 =	sadd.s32 $0x8F2B, s0  }
0xbe: {  	[sflag:s0] =	ssyncadd.remote.s32 $0x1  }
0xbf: {  	_ =	sfence.sel $0xFFFF  }
0xc0: {  	[dreg:$0x0] =	wrdreg $0xFFFFFFFF;
	(pc) =	sbr.abs _section_cstart, $3  }
0xc1: {  	[dreg:$0x1] =	wrdreg $0xFFFFFFFF  }
0xc2: {  	_ =	task.clear_ibuf [dreg:s7], $0x2FFFF;
	_ =	strace $0x9FFFFFFF  }
0xc3: {  	(tm) =	ssettm $0x7FFFFFFF  }
tec
execute0_lowered:
.L_overlay_start_1:
0x0: {  	(tag) =	ssettag $0x1  }
0x1: {  	s4 =	rddreg [dreg:$0x0]  }
0x2: {  	s10 =	rddreg [dreg:$0x1]  }
0x3: {  	s0 =	srdreg.scid;
	s2 =	rddreg [dreg:$0x2];
	s3 =	simm.s32 $0x0  }
0x4: {  	s15 =	simm.s32 $0x2710;
	s5 =	sand.u32 $0x1, s0;
	s0 =	stileid.u32  }
0x5: {  	s16 =	simm.s32 $0x0;
	[smem:$0x7FF] =	sst s3;
	s7 =	smul.u32 $0x640, s0  }
0x6: {  	s1 =	sshll.u32 s5, $0x4;
	s8 =	sor.u32 $0x10, s0;
	s13 =	smul.u32 $0x190, s0  }
0x7: {  	s9 =	ssub.s32 $0x2, s5;
	s25 =	smul.u32 $0x2710, s5;
	p0 =	sgt.u32 s0, $0x8  }
0x8: {  	s6 =	sor.u32 s0, s1;
	s1 =	rddreg [dreg:$0x3];
	s11 =	smul.u32 $0x640, s8  }
0x9: {  	_ =	strace $0x80000047;
	s12 =	sshrl.u32 s9, $0x1;
	s14 =	smul.u32 $0x190, s8  }
0xa: {  	s6 =	smul.u32 $0x2710, s6;
	s12 =	ssub.s32 s9, s12;
	s26 =	sshrl.u32 s7, $0x2  }
0xb: {  	s29 =	sadd.s32 s13, s25;
	s7 =	sadd.s32 s13, s2;
	s13 =	simm.s32 $0x2760  }
0xc: {  	s5 =	sadd.s32 s26, s2;
	s28 =	sshrl.u32 s11, $0x2;
	s30 =	sshrl.u32 s29, $0x3  }
0xd: {  	s9 =	sadd.s32 s25, s14;
	s11 =	smax.u32 s12, $0x1;
	s12 =	simm.s32 $0x1  }
0xe: {  	s6 =	sshrl.u32 s6, $0x3;
	s8 =	sadd.s32 s10, s30;
	s31 =	sshrl.u32 s9, $0x3  }
0xf: {  	s9 =	sadd.s32 s14, s2;
	s14 =	simm.s32 $0x50;
	s4 =	sadd.s32 s4, s6  }
0x10: {  	v0 =	vimm.f32 $1.000000000e+00;
	s6 =	sadd.s32 s28, s2;
	s10 =	sadd.s32 s10, s31;
	s4 =	sadd.s32 $0xB840, s4  }
.LBB2_1:
0x11: {  	[tilespmem:s3], [sflag:$0x1] =	stream.linear.gather [hbm4b:s4+s3], $0x2710, $0x38;
	[tilespmem:$0x2B68] =	vst v63  }
0x12: {  	_ =	swait.ge [sflag:s12], $0x2710  }
0x13: {  	[sflag:s12] =	ssyncset.done $0x0  }
0x14: {  	[sflag:s12] =	ssyncadd.s32 $0xFFFFD8F0  }
0x15: {  	[tilespmem:$0x2710] =	vst v0  }
0x16: {  	[tilespmem:$0x2720] =	vst v0  }
0x17: {  	[tilespmem:$0x2730] =	vst v0  }
0x18: {  	[tilespmem:$0x2740] =	vst v0  }
0x19: {  	[tilespmem:$0x2750] =	vst v0  }
0x1a: {  	[tilespmem:$0x2760] =	vst v0  }
0x1b: {  	[tilespmem:$0x2770] =	vst v0  }
0x1c: {  	[tilespmem:$0x2780] =	vst v0  }
0x1d: {  	[tilespmem:$0x2790] =	vst v0  }
0x1e: {  	[tilespmem:$0x27A0] =	vst v0  }
0x1f: {  	[tilespmem:$0x27B0] =	vst v0  }
0x20: {  	[tilespmem:$0x27C0] =	vst v0  }
0x21: {  	[tilespmem:$0x27D0] =	vst v0  }
0x22: {  	[tilespmem:$0x27E0] =	vst v0  }
0x23: {  	[tilespmem:$0x27F0] =	vst v0  }
0x24: {  	[tilespmem:$0x2800] =	vst v0  }
0x25: {  	[tilespmem:$0x2810] =	vst v0  }
0x26: {  	[tilespmem:$0x2820] =	vst v0  }
0x27: {  	[tilespmem:$0x2830] =	vst v0  }
0x28: {  	[tilespmem:$0x2840] =	vst v0  }
0x29: {  	[tilespmem:$0x2850] =	vst v0  }
0x2a: {  	[tilespmem:$0x2860] =	vst v0  }
0x2b: {  	[tilespmem:$0x2870] =	vst v0  }
0x2c: {  	[tilespmem:$0x2880] =	vst v0  }
0x2d: {  	[tilespmem:$0x2890] =	vst v0  }
0x2e: {  	[tilespmem:$0x28A0] =	vst v0  }
0x2f: {  	[tilespmem:$0x28B0] =	vst v0  }
0x30: {  	[tilespmem:$0x28C0] =	vst v0  }
0x31: {  	[tilespmem:$0x28D0] =	vst v0  }
0x32: {  	[tilespmem:$0x28E0] =	vst v0  }
0x33: {  	[spmem:s5] =	stream.linear.scatter [tilespmem:s13], [sflag:$0x1], $0x190, $0x38;
	[tilespmem:$0x2B68] =	vst v63  }
0x34: {  	_ =	swait.ge [sflag:s12], $0x190  }
0x35: {  	[sflag:s12] =	ssyncset.done $0x0  }
0x36: {  	s17 =	simm.s32 @!p0 $0x2760;
	[sflag:s12] =	ssyncadd.s32 $0xFFFFFE70  }
0x37: {  	[spmem:s6] =	stream.linear.scatter @!p0 [tilespmem:s17], [sflag:$0x1], $0x190, $0x38;
	[tilespmem:$0x2B68] =	vst v63  }
0x38: {  	s17 =	simm.s32 @!p0 $0x1  }
0x39: {  	_ =	swait.ge @!p0 [sflag:s17], $0x190  }
0x3a: {  	[sflag:s17] =	ssyncset.done @!p0 $0x0  }
0x3b: {  	[sflag:s17] =	ssyncadd.s32 @!p0 $0xFFFFFE70  }
0x3c: {  	s31 =	simm.s32 $0x0;
	[bflag:$0x0] =	sbarrier.arrive $0xFFFF  }
0x3d: {  	[spmem:s2] =	stream.indirect.scatter.add.f32 [tilespmem:s15], [sflag:$0x1], $0x1, s31, s14, $0xb8;
	[tilespmem:$0x2B68] =	vst v63  }
0x3e: {  	_ =	swait.ge [sflag:s12], $0x50  }
0x3f: {  	s17 =	simm.s32 $0x140;
	[sflag:s12] =	ssyncset.done $0x0  }
.LBB2_2:
0x40: {  	s18 =	sshra.s32 s17, $0x2;
	[sflag:s12] =	ssyncadd.s32 $0xFFFFFFB0;
	p1 =	sne.s32 s17, $0x9B00  }
0x41: {  	[spmem:s2] =	stream.indirect.scatter.add.f32 [tilespmem:s15], [sflag:$0x1], $0x1, s18, s14, $0xb8;
	[tilespmem:$0x2B68] =	vst v63  }
.Ltmp0:
0x42: {  	_ = 	snop;
	(pc) =	sbr.rel @p1 .LBB2_2-.Ltmp0, $4  }
0x43: {  	_ = 	snop  }
0x44: {  	s17 =	sadd.s32 $0x140, s17  }
0x45: {  	_ =	swait.ge [sflag:s12], $0x50  }
0x46: {  	[sflag:s12] =	ssyncset.done $0x0  }
0x47: {  	[sflag:s12] =	ssyncadd.s32 $0xFFFFFFB0  }
0x48: {  	[bflag:$0x0] =	sbarrier.arrive $0xFFFF  }
0x49: {  	[tilespmem:s13], [sflag:$0x1] =	stream.linear.gather [spmem:s7], $0x190, $0x38;
	[tilespmem:$0x2B68] =	vst v63  }
0x4a: {  	_ =	swait.ge [sflag:s12], $0x190  }
0x4b: {  	[sflag:s12] =	ssyncset.done $0x0  }
0x4c: {  	[sflag:s12] =	ssyncadd.s32 $0xFFFFFE70  }
0x4d: {  	[hbm4b:s8+s3] =	stream.linear.scatter [tilespmem:s13], [sflag:$0x1], $0x190, $0x38;
	[tilespmem:$0x2B68] =	vst v63  }
0x4e: {  	_ =	swait.ge [sflag:s12], $0x190  }
0x4f: {  	[sflag:s12] =	ssyncset.done $0x0  }
0x50: {  	s17 =	simm.s32 @!p0 $0x2760;
	s18 =	simm.s32 @!p0 $0x1;
	[sflag:s12] =	ssyncadd.s32 $0xFFFFFE70  }
0x51: {  	[tilespmem:s17], [sflag:$0x1] =	stream.linear.gather @!p0 [spmem:s9], $0x190, $0x38;
	[tilespmem:$0x2B68] =	vst v63  }
0x52: {  	s16 =	sadd.s32 $0x1, s16;
	_ =	swait.ge @!p0 [sflag:s18], $0x190  }
0x53: {  	p1 =	sne.s32 s16, s11;
	[sflag:s18] =	ssyncset.done @!p0 $0x0  }
.Ltmp1:
0x54: {  	s19 =	simm.s32 @!p0 $0x0;
	[sflag:s18] =	ssyncadd.s32 @!p0 $0xFFFFFE70;
	(pc) =	sbr.rel @p1 .LBB2_1-.Ltmp1, $4  }
0x55: {  	[hbm4b:s10+s19] =	stream.linear.scatter @!p0 [tilespmem:s17], [sflag:$0x1], $0x190, $0x38;
	[tilespmem:$0x2B68] =	vst v63  }
0x56: {  	_ =	swait.ge @!p0 [sflag:s18], $0x190  }
0x57: {  	[sflag:s18] =	ssyncset.done @!p0 $0x0  }
0x58: {  	[sflag:s18] =	ssyncadd.s32 @!p0 $0xFFFFFE70  }
0x59: {  	_ =	sfence.sel $0x180000  }
0x5a: {  	[bflag:$0x0] =	sbarrier.arrive $0xFFFF  }
0x5b: {  	p0 =	sne.s32 s0, $0x0;
	_ =	strace $0x90000047  }
0x5c: {  	s0 =	sadd.s32 @!p0 $0x100000, s1;
	[bflag:$0x2] =	sbarrier.arrive $0xFFFF  }
0x5d: {  	[sflag:s0] =	ssyncadd.tile.s32 @!p0 $0x1;
	_ =	shalt  }
.Lfunc_end2:
_tile_overlayer_lowered:
.L_overlay_start_2:
0x5e: {  	(tag) =	ssettag $0x2  }
0x5f: {  	s0 =	rddreg [dreg:$0x0];
	s2 =	stileid.u32  }
0x60: {  	s1 =	rddreg [dreg:$0x1];
	p0 =	sne.s32 s2, $0x0  }
0x61: {  	s3 =	rddreg [dreg:$0x2];
	[bflag:$0x3] =	sbarrier.arrive $0xFFFF;
	s2 =	simm.s32 @!p0 $0x1C01  }
0x62: {  	[timem:s3], [sflag:s2] =	dma.local @!p0 [hbm:s0], s1  }
0x63: {  	s0 =	simm.s32 @!p0 $0x1  }
0x64: {  	_ =	swait.ge @!p0 [sflag:s0], s1  }
0x65: {  	s1 =	ssub.s32 @!p0 $0x0, s1;
	[sflag:s0] =	ssyncset.done @!p0 $0x0  }
0x66: {  	[sflag:s0] =	ssyncadd.s32 @!p0 s1  }
0x67: {  	[bflag:$0x3] =	sbarrier.arrive $0xFFFF  }
0x68: {  	_ =	shalt  }

</sc_bundles>
